<compile_context>
chip_gen: v7x
topology: tpu7x:2x2x1
jax: 0.10.2.dev20260603
libtpu: 0.0.44.dev20260713+nightly
codegen_flags: <defaults>
</compile_context>

<pallas_src>
import functools

import jax
import jax.numpy as jnp
from jax import lax
from jax.experimental import pallas as pl
from jax.experimental.pallas import tpu as pltpu
from jax.experimental.pallas import tpu_sc as plsc

PAD = 1
BSZ = 4
SEQ = 8192
D = 768

L = 16
NW = 32
CHUNK = (BSZ * SEQ) // NW
WPR = SEQ // CHUNK
BLK = 32
NBLK = CHUNK // BLK
NBUF = 4
VSTEPS = CHUNK // L


def _sc_kernel(ids_hbm, table_hbm, out_hbm, ids_row, idx_v,
               buf0, buf1, buf2, buf3,
               gsem0, gsem1, gsem2, gsem3, ssem0, ssem1, ssem2, ssem3):
    wid = lax.axis_index("s") * 2 + lax.axis_index("c")
    row = wid // WPR
    chunk = wid % WPR

    pltpu.sync_copy(ids_hbm.at[row], ids_row)

    def acc_body(j, carry_v):
        v = ids_row[pl.ds(j * L, L)]
        return carry_v + jnp.minimum(jnp.abs(v - PAD), 1)

    carry_v = lax.fori_loop(0, chunk * VSTEPS, acc_body,
                            jnp.zeros((L,), jnp.int32))
    carry = jnp.sum(carry_v)

    base_step = chunk * VSTEPS

    def emit_body(j2, carry):
        v = ids_row[pl.ds((base_step + j2) * L, L)]
        mi = jnp.minimum(jnp.abs(v - PAD), 1)
        cs = plsc.cumsum(mi)
        idx_v[j2 // (BLK // L), pl.ds((j2 % (BLK // L)) * L, L)] = \
            (cs + carry) * mi + PAD
        return carry + jnp.sum(mi)

    lax.fori_loop(0, VSTEPS, emit_body, carry)

    out_base = wid * CHUNK
    bufs = (buf0, buf1, buf2, buf3)
    gsems = (gsem0, gsem1, gsem2, gsem3)
    ssems = (ssem0, ssem1, ssem2, ssem3)

    def gather(t):
        return pltpu.async_copy(
            table_hbm.at[idx_v.at[t]], bufs[t % NBUF], gsems[t % NBUF])

    def scatter(t):
        return pltpu.async_copy(
            bufs[t % NBUF], out_hbm.at[pl.ds(out_base + t * BLK, BLK)],
            ssems[t % NBUF])

    g = {}
    s = {}
    for t in range(NBUF - 1):
        g[t] = gather(t)
    for t in range(NBLK):
        g[t].wait()
        s[t] = scatter(t)
        nt = t + NBUF - 1
        if nt < NBLK:
            if nt >= NBUF:
                s[nt - NBUF].wait()
            g[nt] = gather(nt)
    for t in range(NBLK - NBUF, NBLK):
        s[t].wait()


def _sc_call(ids, table):
    mesh = plsc.VectorSubcoreMesh(core_axis_name="c", subcore_axis_name="s")
    run = functools.partial(
        pl.kernel,
        mesh=mesh,
        compiler_params=pltpu.CompilerParams(needs_layout_passes=False),
        cost_estimate=pl.CostEstimate(
            flops=0,
            bytes_accessed=2 * BSZ * SEQ * D * 4,
            transcendentals=0),
        out_type=jax.ShapeDtypeStruct((BSZ * SEQ, D), jnp.float32),
        scratch_types=[
            pltpu.VMEM((SEQ,), jnp.int32),
            pltpu.VMEM((NBLK, BLK), jnp.int32),
            pltpu.VMEM((BLK, D), jnp.float32),
            pltpu.VMEM((BLK, D), jnp.float32),
            pltpu.VMEM((BLK, D), jnp.float32),
            pltpu.VMEM((BLK, D), jnp.float32),
            pltpu.SemaphoreType.DMA,
            pltpu.SemaphoreType.DMA,
            pltpu.SemaphoreType.DMA,
            pltpu.SemaphoreType.DMA,
            pltpu.SemaphoreType.DMA,
            pltpu.SemaphoreType.DMA,
            pltpu.SemaphoreType.DMA,
            pltpu.SemaphoreType.DMA,
        ],
    )(_sc_kernel)
    return run(ids, table)


@jax.jit
def kernel(input_ids, embedding_weights):
    out = _sc_call(input_ids.astype(jnp.int32), embedding_weights)
    return out.reshape(BSZ, SEQ, D)

# --- scband reference (transcript-rebuilt; emitter-appended) ---
"""Pipeline reference for scband-tfspeech2-text-sinusoidal-positional-embedding-27204322853352 (READ-ONLY COPY).

The authoritative reference and input builder live on the scoring server;
editing this copy changes nothing except your own understanding.
"""

import jax, jax.numpy as jnp
import numpy as np

PADDING_IDX = 1
EMBED_DIM = 768
OFFSET = 2
BSZ = 4
SEQ_LEN = 8192
PAST_KV_LEN = 0


def _get_embedding(num_embeddings, embedding_dim, padding_idx):
    half_dim = embedding_dim // 2
    emb = np.log(10000.0) / (half_dim - 1)
    emb = np.exp(np.arange(half_dim, dtype=np.float32) * -emb)
    emb = np.arange(num_embeddings, dtype=np.float32)[:, None] * emb[None, :]
    emb = np.concatenate([np.sin(emb), np.cos(emb)], axis=1).reshape(num_embeddings, -1).astype(np.float32)
    if embedding_dim % 2 == 1:
        emb = np.concatenate([emb, np.zeros((num_embeddings, 1), dtype=np.float32)], axis=1)
    if padding_idx is not None:
        emb[padding_idx, :] = 0.0
    return jnp.asarray(emb, dtype=jnp.float32)


def setup_inputs(seed: int = 0) -> dict:
    key = jax.random.key(seed)
    input_ids = jax.random.randint(key, (BSZ, SEQ_LEN), 0, 10000)
    # The layer rebuilds the sinusoidal table inside call() with exactly this many rows:
    num_embeddings = PADDING_IDX + 1 + SEQ_LEN + OFFSET + PAST_KV_LEN
    embedding_weights = _get_embedding(num_embeddings, EMBED_DIM, PADDING_IDX)
    return {"input_ids": input_ids, "embedding_weights": embedding_weights}


def reference(input_ids, embedding_weights):
    # create_position_ids_from_input_ids
    mask = (input_ids != PADDING_IDX).astype(jnp.int32)
    incremental_indices = (jnp.cumsum(mask, axis=1) + PAST_KV_LEN) * mask
    position_ids = incremental_indices.astype(jnp.int32) + PADDING_IDX
    # gather rows of the sinusoidal table
    flat_ids = position_ids.reshape(-1)
    gathered = jnp.take(embedding_weights, flat_ids, axis=0)
    return gathered.reshape(input_ids.shape[0], input_ids.shape[1], -1)

if __name__ == "__main__":
    import jax
    _d = setup_inputs()
    print(jax.jit(kernel)(*tuple(_d.values())))

</pallas_src>

<mosaic_0001>
#map = affine_map<(d0, d1) -> (0, 0)>
module attributes {stable_mosaic.version = 14 : i64} {
  func.func @_sc_kernel(%arg0: i32, %arg1: i32, %arg2: memref<4x8192xi32, #tpu.memory_space<hbm>>, %arg3: memref<8196x768xf32, #tpu.memory_space<hbm>>, %arg4: memref<32768x768xf32, #tpu.memory_space<hbm>>, %arg5: memref<8192xi32, #tpu.memory_space<vmem>>, %arg6: memref<32x32xi32, #tpu.memory_space<vmem>>, %arg7: memref<32x768xf32, #tpu.memory_space<vmem>>, %arg8: memref<32x768xf32, #tpu.memory_space<vmem>>, %arg9: memref<32x768xf32, #tpu.memory_space<vmem>>, %arg10: memref<32x768xf32, #tpu.memory_space<vmem>>, %arg11: memref<!tpu.dma_semaphore, #tpu.memory_space<semaphore_mem>>, %arg12: memref<!tpu.dma_semaphore, #tpu.memory_space<semaphore_mem>>, %arg13: memref<!tpu.dma_semaphore, #tpu.memory_space<semaphore_mem>>, %arg14: memref<!tpu.dma_semaphore, #tpu.memory_space<semaphore_mem>>, %arg15: memref<!tpu.dma_semaphore, #tpu.memory_space<semaphore_mem>>, %arg16: memref<!tpu.dma_semaphore, #tpu.memory_space<semaphore_mem>>, %arg17: memref<!tpu.dma_semaphore, #tpu.memory_space<semaphore_mem>>, %arg18: memref<!tpu.dma_semaphore, #tpu.memory_space<semaphore_mem>>) attributes {dimension_semantics = [#tpu.dimension_semantics<core_parallel>, #tpu.dimension_semantics<subcore_parallel>], iteration_bounds = array<i64: 2, 16>, scalar_prefetch = 0 : i64, scratch_operands = 14 : i64, tpu.core_type = #tpu.core_type<sc_vector_subcore>, window_params = [{transform_indices = #map}, {transform_indices = #map}, {transform_indices = #map}]} {
    %mul3A = arith.constant 2 : i32
    %mul3A_0 = arith.muli %arg1, %mul3A : i32
    %add3A = arith.addi %mul3A_0, %arg0 : i32
    %jit3A = arith.constant 8 : i32
    %div3A = arith.divsi %add3A, %jit3A : i32
    %sign3A = arith.constant 0 : i32
    %sign3A_1 = arith.cmpi sgt, %add3A, %sign3A : i32
    %sign3A_2 = arith.extui %sign3A_1 : i1 to i32
    %sign3A_3 = arith.constant 0 : i32
    %sign3A_4 = arith.cmpi slt, %add3A, %sign3A_3 : i32
    %sign3A_5 = arith.extui %sign3A_4 : i1 to i32
    %sign3A_6 = arith.subi %sign3A_2, %sign3A_5 : i32
    %sign3A_7 = arith.constant 0 : i32
    %sign3A_8 = arith.cmpi sgt, %jit3A, %sign3A_7 : i32
    %sign3A_9 = arith.extui %sign3A_8 : i1 to i32
    %sign3A_10 = arith.constant 0 : i32
    %sign3A_11 = arith.cmpi slt, %jit3A, %sign3A_10 : i32
    %sign3A_12 = arith.extui %sign3A_11 : i1 to i32
    %sign3A_13 = arith.subi %sign3A_9, %sign3A_12 : i32
    %ne3A = arith.cmpi ne, %sign3A_6, %sign3A_13 : i32
    %rem3A = arith.remsi %add3A, %jit3A : i32
    %ne3A_14 = arith.constant 0 : i32
    %ne3A_15 = arith.cmpi ne, %rem3A, %ne3A_14 : i32
    %and3A = arith.andi %ne3A, %ne3A_15 : i1
    %sub3A = arith.constant 1 : i32
    %sub3A_16 = arith.subi %div3A, %sub3A : i32
    %select_n3A = arith.select %and3A, %sub3A_16, %div3A : i32
    %jit3A_17 = arith.constant 8 : i32
    %eq3A = arith.constant 0 : i32
    %eq3A_18 = arith.cmpi eq, %jit3A_17, %eq3A : i32
    %jit3A_19 = arith.constant 1 : i32
    %select_n3A_20 = arith.select %eq3A_18, %jit3A_19, %jit3A_17 : i32
    %rem3A_21 = arith.remsi %add3A, %select_n3A_20 : i32
    %ne3A_22 = arith.constant 0 : i32
    %ne3A_23 = arith.cmpi ne, %rem3A_21, %ne3A_22 : i32
    %lt3A = arith.constant 0 : i32
    %lt3A_24 = arith.cmpi slt, %rem3A_21, %lt3A : i32
    %lt3A_25 = arith.constant 0 : i32
    %lt3A_26 = arith.cmpi slt, %select_n3A_20, %lt3A_25 : i32
    %ne3A_27 = arith.xori %lt3A_24, %lt3A_26 : i1
    %and3A_28 = arith.andi %ne3A_27, %ne3A_23 : i1
    %add3A_29 = arith.addi %rem3A_21, %select_n3A_20 : i32
    %select_n3A_30 = arith.select %and3A_28, %add3A_29, %rem3A_21 : i32
    "tpu.region"() ({
      %run_scoped3A = tpu.sem_alloc : memref<!tpu.dma_semaphore, #tpu.memory_space<semaphore_mem>>
      %dma_start3A_822 = arith.constant 0 : i32
      %dma_start3A_823 = tpu.memref_slice %arg2[%select_n3A, %dma_start3A_822] : memref<4x8192xi32, #tpu.memory_space<hbm>> -> memref<1x8192xi32, #tpu.memory_space<hbm>>
      %dma_start3A_824 = tpu.memref_squeeze %dma_start3A_823 : memref<1x8192xi32, #tpu.memory_space<hbm>> -> memref<8192xi32, #tpu.memory_space<hbm>>
      %dma_start3A_825 = arith.constant 0 : i32
      %dma_start3A_826 = tpu.memref_slice %arg2[%select_n3A, %dma_start3A_825] : memref<4x8192xi32, #tpu.memory_space<hbm>> -> memref<1x8192xi32, #tpu.memory_space<hbm>>
      %dma_start3A_827 = tpu.memref_squeeze %dma_start3A_826 : memref<1x8192xi32, #tpu.memory_space<hbm>> -> memref<8192xi32, #tpu.memory_space<hbm>>
      tpu.enqueue_dma source(%dma_start3A_827 : memref<8192xi32, #tpu.memory_space<hbm>>) target(%arg5 : memref<8192xi32, #tpu.memory_space<vmem>>) target_semaphore(%run_scoped3A : memref<!tpu.dma_semaphore, #tpu.memory_space<semaphore_mem>>)
      %dma_wait3A_828 = arith.constant 0 : i32
      %dma_wait3A_829 = tpu.memref_slice %arg2[%select_n3A, %dma_wait3A_828] : memref<4x8192xi32, #tpu.memory_space<hbm>> -> memref<1x8192xi32, #tpu.memory_space<hbm>>
      %dma_wait3A_830 = tpu.memref_squeeze %dma_wait3A_829 : memref<1x8192xi32, #tpu.memory_space<hbm>> -> memref<8192xi32, #tpu.memory_space<hbm>>
      %dma_wait3A_831 = arith.constant 0 : i32
      %dma_wait3A_832 = tpu.memref_slice %arg2[%select_n3A, %dma_wait3A_831] : memref<4x8192xi32, #tpu.memory_space<hbm>> -> memref<1x8192xi32, #tpu.memory_space<hbm>>
      %dma_wait3A_833 = tpu.memref_squeeze %dma_wait3A_832 : memref<1x8192xi32, #tpu.memory_space<hbm>> -> memref<8192xi32, #tpu.memory_space<hbm>>
      tpu.wait_dma2 semaphore(%run_scoped3A : memref<!tpu.dma_semaphore, #tpu.memory_space<semaphore_mem>>) src(%dma_wait3A_833 : memref<8192xi32, #tpu.memory_space<hbm>>) dst(%arg5 : memref<8192xi32, #tpu.memory_space<vmem>>)
      tpu.yield
    }) : () -> ()
    %mul3A_31 = arith.constant 64 : i32
    %mul3A_32 = arith.muli %select_n3A_30, %mul3A_31 : i32
    %broadcast_in_dim3A = arith.constant 0 : i32
    %broadcast_in_dim3A_33 = vector.broadcast %broadcast_in_dim3A : i32 to vector<16xi32>
    %while3A = arith.constant 0 : i32
    %while3A_34 = arith.subi %mul3A_32, %while3A : i32
    %while3A_35 = arith.addi %while3A, %while3A_34 : i32
    %while3A_36 = arith.constant 1 : i32
    %while3A_37 = arith.divsi %while3A_34, %while3A_36 : i32
    %while3A_38 = arith.muli %while3A_37, %while3A_36 : i32
    %while3A_39 = arith.addi %while3A, %while3A_38 : i32
    %while3A_40 = arith.constant 1 : i32
    %while3A_41 = scf.for %while3A_822 = %while3A to %while3A_39 step %while3A_40 iter_args(%while3A_823 = %broadcast_in_dim3A_33) -> (vector<16xi32>)  : i32 {
      %mul3A_824 = arith.constant 16 : i32
      %mul3A_825 = arith.muli %while3A_822, %mul3A_824 : i32
      %get3A = arith.index_cast %mul3A_825 : i32 to index
      %get3A_826 = tpu.vector_load %arg5[%get3A] {strides = array<i32>} : memref<8192xi32, #tpu.memory_space<vmem>>, vector<16xi32>,
      %sub3A_827 = arith.constant 1 : i32
      %sub3A_828 = vector.broadcast %sub3A_827 : i32 to vector<16xi32>
      %sub3A_829 = arith.subi %get3A_826, %sub3A_828 : vector<16xi32>
      %abs3A = math.absi %sub3A_829 : vector<16xi32>
      %min3A = arith.constant 1 : i32
      %min3A_830 = vector.broadcast %min3A : i32 to vector<16xi32>
      %min3A_831 = arith.minsi %abs3A, %min3A_830 : vector<16xi32>
      %add3A_832 = arith.addi %while3A_823, %min3A_831 : vector<16xi32>
      scf.yield %add3A_832 : vector<16xi32>
    }
    %while3A_42 = arith.constant 1 : i32
    %while3A_43 = scf.for %while3A_822 = %while3A_39 to %while3A_35 step %while3A_42 iter_args(%while3A_823 = %while3A_41) -> (vector<16xi32>)  : i32 {
      %mul3A_824 = arith.constant 16 : i32
      %mul3A_825 = arith.muli %while3A_822, %mul3A_824 : i32
      %get3A = arith.index_cast %mul3A_825 : i32 to index
      %get3A_826 = tpu.vector_load %arg5[%get3A] {strides = array<i32>} : memref<8192xi32, #tpu.memory_space<vmem>>, vector<16xi32>,
      %sub3A_827 = arith.constant 1 : i32
      %sub3A_828 = vector.broadcast %sub3A_827 : i32 to vector<16xi32>
      %sub3A_829 = arith.subi %get3A_826, %sub3A_828 : vector<16xi32>
      %abs3A = math.absi %sub3A_829 : vector<16xi32>
      %min3A = arith.constant 1 : i32
      %min3A_830 = vector.broadcast %min3A : i32 to vector<16xi32>
      %min3A_831 = arith.minsi %abs3A, %min3A_830 : vector<16xi32>
      %add3A_832 = arith.addi %while3A_823, %min3A_831 : vector<16xi32>
      scf.yield %add3A_832 : vector<16xi32>
    }
    %reduce_sum3A = arith.constant true
    %reduce_sum3A_44 = vector.broadcast %reduce_sum3A : i1 to vector<16xi1>
    %reduce_sum3A_45 = tpu.scan <sum>, %while3A_43 masked %reduce_sum3A_44 : vector<16xi32>, vector<16xi1> -> vector<16xi32>
    %reduce_sum3A_46 = vector.extract %reduce_sum3A_45[15] : i32 from vector<16xi32>
    %mul3A_47 = arith.constant 64 : i32
    %mul3A_48 = arith.muli %select_n3A_30, %mul3A_47 : i32
    %scan3A = arith.constant 0 : i32
    %scan3A_49 = arith.constant 64 : i32
    %scan3A_50 = arith.addi %scan3A, %scan3A_49 : i32
    %scan3A_51 = arith.constant 1 : i32
    %scan3A_52 = scf.for %scan3A_822 = %scan3A to %scan3A_50 step %scan3A_51 iter_args(%scan3A_823 = %reduce_sum3A_46) -> (i32)  : i32 {
      %add3A_824 = arith.addi %mul3A_48, %scan3A_822 : i32
      %mul3A_825 = arith.constant 16 : i32
      %mul3A_826 = arith.muli %add3A_824, %mul3A_825 : i32
      %get3A = arith.index_cast %mul3A_826 : i32 to index
      %get3A_827 = tpu.vector_load %arg5[%get3A] {strides = array<i32>} : memref<8192xi32, #tpu.memory_space<vmem>>, vector<16xi32>,
      %sub3A_828 = arith.constant 1 : i32
      %sub3A_829 = vector.broadcast %sub3A_828 : i32 to vector<16xi32>
      %sub3A_830 = arith.subi %get3A_827, %sub3A_829 : vector<16xi32>
      %abs3A = math.absi %sub3A_830 : vector<16xi32>
      %min3A = arith.constant 1 : i32
      %min3A_831 = vector.broadcast %min3A : i32 to vector<16xi32>
      %min3A_832 = arith.minsi %abs3A, %min3A_831 : vector<16xi32>
      %broadcast_in_dim3A_833 = arith.constant true
      %broadcast_in_dim3A_834 = vector.broadcast %broadcast_in_dim3A_833 : i1 to vector<16xi1>
      %masked_cumsum3A = tpu.scan <sum>, %min3A_832 masked %broadcast_in_dim3A_834 : vector<16xi32>, vector<16xi1> -> vector<16xi32>
      %add3A_835 = vector.broadcast %scan3A_823 : i32 to vector<16xi32>
      %add3A_836 = arith.addi %masked_cumsum3A, %add3A_835 : vector<16xi32>
      %mul3A_837 = arith.muli %add3A_836, %min3A_832 : vector<16xi32>
      %add3A_838 = arith.constant 1 : i32
      %add3A_839 = vector.broadcast %add3A_838 : i32 to vector<16xi32>
      %add3A_840 = arith.addi %mul3A_837, %add3A_839 : vector<16xi32>
      %jit3A_841 = arith.constant 2 : i32
      %div3A_842 = arith.divsi %scan3A_822, %jit3A_841 : i32
      %sign3A_843 = arith.constant 0 : i32
      %sign3A_844 = arith.cmpi sgt, %scan3A_822, %sign3A_843 : i32
      %sign3A_845 = arith.extui %sign3A_844 : i1 to i32
      %sign3A_846 = arith.constant 0 : i32
      %sign3A_847 = arith.cmpi slt, %scan3A_822, %sign3A_846 : i32
      %sign3A_848 = arith.extui %sign3A_847 : i1 to i32
      %sign3A_849 = arith.subi %sign3A_845, %sign3A_848 : i32
      %sign3A_850 = arith.constant 0 : i32
      %sign3A_851 = arith.cmpi sgt, %jit3A_841, %sign3A_850 : i32
      %sign3A_852 = arith.extui %sign3A_851 : i1 to i32
      %sign3A_853 = arith.constant 0 : i32
      %sign3A_854 = arith.cmpi slt, %jit3A_841, %sign3A_853 : i32
      %sign3A_855 = arith.extui %sign3A_854 : i1 to i32
      %sign3A_856 = arith.subi %sign3A_852, %sign3A_855 : i32
      %ne3A_857 = arith.cmpi ne, %sign3A_849, %sign3A_856 : i32
      %rem3A_858 = arith.remsi %scan3A_822, %jit3A_841 : i32
      %ne3A_859 = arith.constant 0 : i32
      %ne3A_860 = arith.cmpi ne, %rem3A_858, %ne3A_859 : i32
      %and3A_861 = arith.andi %ne3A_857, %ne3A_860 : i1
      %sub3A_862 = arith.constant 1 : i32
      %sub3A_863 = arith.subi %div3A_842, %sub3A_862 : i32
      %select_n3A_864 = arith.select %and3A_861, %sub3A_863, %div3A_842 : i32
      %jit3A_865 = arith.constant 2 : i32
      %eq3A_866 = arith.constant 0 : i32
      %eq3A_867 = arith.cmpi eq, %jit3A_865, %eq3A_866 : i32
      %jit3A_868 = arith.constant 1 : i32
      %select_n3A_869 = arith.select %eq3A_867, %jit3A_868, %jit3A_865 : i32
      %rem3A_870 = arith.remsi %scan3A_822, %select_n3A_869 : i32
      %ne3A_871 = arith.constant 0 : i32
      %ne3A_872 = arith.cmpi ne, %rem3A_870, %ne3A_871 : i32
      %lt3A_873 = arith.constant 0 : i32
      %lt3A_874 = arith.cmpi slt, %rem3A_870, %lt3A_873 : i32
      %lt3A_875 = arith.constant 0 : i32
      %lt3A_876 = arith.cmpi slt, %select_n3A_869, %lt3A_875 : i32
      %ne3A_877 = arith.xori %lt3A_874, %lt3A_876 : i1
      %and3A_878 = arith.andi %ne3A_877, %ne3A_872 : i1
      %add3A_879 = arith.addi %rem3A_870, %select_n3A_869 : i32
      %select_n3A_880 = arith.select %and3A_878, %add3A_879, %rem3A_870 : i32
      %mul3A_881 = arith.constant 16 : i32
      %mul3A_882 = arith.muli %select_n3A_880, %mul3A_881 : i32
      %swap3A = arith.index_cast %select_n3A_864 : i32 to index
      %swap3A_883 = arith.index_cast %mul3A_882 : i32 to index
      %swap3A_884 = tpu.vector_load %arg6[%swap3A, %swap3A_883] {strides = array<i32>} : memref<32x32xi32, #tpu.memory_space<vmem>>, vector<16xi32>,
      tpu.vector_store %arg6[%swap3A, %swap3A_883], %add3A_840 {strides = array<i32>} : memref<32x32xi32, #tpu.memory_space<vmem>>, vector<16xi32>,
      %reduce_sum3A_885 = arith.constant true
      %reduce_sum3A_886 = vector.broadcast %reduce_sum3A_885 : i1 to vector<16xi1>
      %reduce_sum3A_887 = tpu.scan <sum>, %min3A_832 masked %reduce_sum3A_886 : vector<16xi32>, vector<16xi1> -> vector<16xi32>
      %reduce_sum3A_888 = vector.extract %reduce_sum3A_887[15] : i32 from vector<16xi32>
      %add3A_889 = arith.addi %scan3A_823, %reduce_sum3A_888 : i32
      scf.yield %add3A_889 : i32
    }
    %scan3A_53 = arith.constant 64 : i32
    %mul3A_54 = arith.constant 1024 : i32
    %mul3A_55 = arith.muli %add3A, %mul3A_54 : i32
    %dma_start3A = arith.constant 0 : i32
    %dma_start3A_56 = arith.constant 0 : i32
    %dma_start3A_57 = tpu.memref_slice %arg6[%dma_start3A, %dma_start3A_56] : memref<32x32xi32, #tpu.memory_space<vmem>> -> memref<1x32xi32, #tpu.memory_space<vmem>>
    %dma_start3A_58 = tpu.memref_squeeze %dma_start3A_57 : memref<1x32xi32, #tpu.memory_space<vmem>> -> memref<32xi32, #tpu.memory_space<vmem>>
    %dma_start3A_59 = arith.constant 0 : i32
    %dma_start3A_60 = arith.constant 0 : i32
    %dma_start3A_61 = tpu.memref_slice %arg3[%dma_start3A_59, %dma_start3A_60] : memref<8196x768xf32, #tpu.memory_space<hbm>> -> memref<8196x768xf32, #tpu.memory_space<hbm>>
    tpu.enqueue_indirect_dma source(%dma_start3A_61 : memref<8196x768xf32, #tpu.memory_space<hbm>>) target(%arg7 : memref<32x768xf32, #tpu.memory_space<vmem>>) offsets(%dma_start3A_58 : memref<32xi32, #tpu.memory_space<vmem>>) semaphore(%arg11 : memref<!tpu.dma_semaphore, #tpu.memory_space<semaphore_mem>>)
    %dma_start3A_62 = arith.constant 1 : i32
    %dma_start3A_63 = arith.constant 0 : i32
    %dma_start3A_64 = tpu.memref_slice %arg6[%dma_start3A_62, %dma_start3A_63] : memref<32x32xi32, #tpu.memory_space<vmem>> -> memref<1x32xi32, #tpu.memory_space<vmem>>
    %dma_start3A_65 = tpu.memref_squeeze %dma_start3A_64 : memref<1x32xi32, #tpu.memory_space<vmem>> -> memref<32xi32, #tpu.memory_space<vmem>>
    %dma_start3A_66 = arith.constant 0 : i32
    %dma_start3A_67 = arith.constant 0 : i32
    %dma_start3A_68 = tpu.memref_slice %arg3[%dma_start3A_66, %dma_start3A_67] : memref<8196x768xf32, #tpu.memory_space<hbm>> -> memref<8196x768xf32, #tpu.memory_space<hbm>>
    tpu.enqueue_indirect_dma source(%dma_start3A_68 : memref<8196x768xf32, #tpu.memory_space<hbm>>) target(%arg8 : memref<32x768xf32, #tpu.memory_space<vmem>>) offsets(%dma_start3A_65 : memref<32xi32, #tpu.memory_space<vmem>>) semaphore(%arg12 : memref<!tpu.dma_semaphore, #tpu.memory_space<semaphore_mem>>)
    %dma_start3A_69 = arith.constant 2 : i32
    %dma_start3A_70 = arith.constant 0 : i32
    %dma_start3A_71 = tpu.memref_slice %arg6[%dma_start3A_69, %dma_start3A_70] : memref<32x32xi32, #tpu.memory_space<vmem>> -> memref<1x32xi32, #tpu.memory_space<vmem>>
    %dma_start3A_72 = tpu.memref_squeeze %dma_start3A_71 : memref<1x32xi32, #tpu.memory_space<vmem>> -> memref<32xi32, #tpu.memory_space<vmem>>
    %dma_start3A_73 = arith.constant 0 : i32
    %dma_start3A_74 = arith.constant 0 : i32
    %dma_start3A_75 = tpu.memref_slice %arg3[%dma_start3A_73, %dma_start3A_74] : memref<8196x768xf32, #tpu.memory_space<hbm>> -> memref<8196x768xf32, #tpu.memory_space<hbm>>
    tpu.enqueue_indirect_dma source(%dma_start3A_75 : memref<8196x768xf32, #tpu.memory_space<hbm>>) target(%arg9 : memref<32x768xf32, #tpu.memory_space<vmem>>) offsets(%dma_start3A_72 : memref<32xi32, #tpu.memory_space<vmem>>) semaphore(%arg13 : memref<!tpu.dma_semaphore, #tpu.memory_space<semaphore_mem>>)
    %dma_wait3A = arith.constant 0 : i32
    %dma_wait3A_76 = arith.constant 0 : i32
    %dma_wait3A_77 = tpu.memref_slice %arg6[%dma_wait3A, %dma_wait3A_76] : memref<32x32xi32, #tpu.memory_space<vmem>> -> memref<1x32xi32, #tpu.memory_space<vmem>>
    %dma_wait3A_78 = tpu.memref_squeeze %dma_wait3A_77 : memref<1x32xi32, #tpu.memory_space<vmem>> -> memref<32xi32, #tpu.memory_space<vmem>>
    %dma_wait3A_79 = arith.constant 0 : i32
    %dma_wait3A_80 = arith.constant 0 : i32
    %dma_wait3A_81 = tpu.memref_slice %arg3[%dma_wait3A_79, %dma_wait3A_80] : memref<8196x768xf32, #tpu.memory_space<hbm>> -> memref<8196x768xf32, #tpu.memory_space<hbm>>
    tpu.wait_indirect_dma semaphore(%arg11 : memref<!tpu.dma_semaphore, #tpu.memory_space<semaphore_mem>>) src(%dma_wait3A_81 : memref<8196x768xf32, #tpu.memory_space<hbm>>) dst(%arg7 : memref<32x768xf32, #tpu.memory_space<vmem>>)
    %add3A_82 = arith.constant 0 : i32
    %add3A_83 = arith.addi %mul3A_55, %add3A_82 : i32
    %dma_start3A_84 = arith.constant 0 : i32
    %dma_start3A_85 = tpu.memref_slice %arg4[%add3A_83, %dma_start3A_84] : memref<32768x768xf32, #tpu.memory_space<hbm>> -> memref<32x768xf32, #tpu.memory_space<hbm>>
    %dma_start3A_86 = arith.constant 0 : i32
    %dma_start3A_87 = tpu.memref_slice %arg4[%add3A_83, %dma_start3A_86] : memref<32768x768xf32, #tpu.memory_space<hbm>> -> memref<32x768xf32, #tpu.memory_space<hbm>>
    tpu.enqueue_dma source(%arg7 : memref<32x768xf32, #tpu.memory_space<vmem>>) target(%dma_start3A_87 : memref<32x768xf32, #tpu.memory_space<hbm>>) target_semaphore(%arg15 : memref<!tpu.dma_semaphore, #tpu.memory_space<semaphore_mem>>)
    %dma_start3A_88 = arith.constant 3 : i32
    %dma_start3A_89 = arith.constant 0 : i32
    %dma_start3A_90 = tpu.memref_slice %arg6[%dma_start3A_88, %dma_start3A_89] : memref<32x32xi32, #tpu.memory_space<vmem>> -> memref<1x32xi32, #tpu.memory_space<vmem>>
    %dma_start3A_91 = tpu.memref_squeeze %dma_start3A_90 : memref<1x32xi32, #tpu.memory_space<vmem>> -> memref<32xi32, #tpu.memory_space<vmem>>
    %dma_start3A_92 = arith.constant 0 : i32
    %dma_start3A_93 = arith.constant 0 : i32
    %dma_start3A_94 = tpu.memref_slice %arg3[%dma_start3A_92, %dma_start3A_93] : memref<8196x768xf32, #tpu.memory_space<hbm>> -> memref<8196x768xf32, #tpu.memory_space<hbm>>
    tpu.enqueue_indirect_dma source(%dma_start3A_94 : memref<8196x768xf32, #tpu.memory_space<hbm>>) target(%arg10 : memref<32x768xf32, #tpu.memory_space<vmem>>) offsets(%dma_start3A_91 : memref<32xi32, #tpu.memory_space<vmem>>) semaphore(%arg14 : memref<!tpu.dma_semaphore, #tpu.memory_space<semaphore_mem>>)
    %dma_wait3A_95 = arith.constant 1 : i32
    %dma_wait3A_96 = arith.constant 0 : i32
    %dma_wait3A_97 = tpu.memref_slice %arg6[%dma_wait3A_95, %dma_wait3A_96] : memref<32x32xi32, #tpu.memory_space<vmem>> -> memref<1x32xi32, #tpu.memory_space<vmem>>
    %dma_wait3A_98 = tpu.memref_squeeze %dma_wait3A_97 : memref<1x32xi32, #tpu.memory_space<vmem>> -> memref<32xi32, #tpu.memory_space<vmem>>
    %dma_wait3A_99 = arith.constant 0 : i32
    %dma_wait3A_100 = arith.constant 0 : i32
    %dma_wait3A_101 = tpu.memref_slice %arg3[%dma_wait3A_99, %dma_wait3A_100] : memref<8196x768xf32, #tpu.memory_space<hbm>> -> memref<8196x768xf32, #tpu.memory_space<hbm>>
    tpu.wait_indirect_dma semaphore(%arg12 : memref<!tpu.dma_semaphore, #tpu.memory_space<semaphore_mem>>) src(%dma_wait3A_101 : memref<8196x768xf32, #tpu.memory_space<hbm>>) dst(%arg8 : memref<32x768xf32, #tpu.memory_space<vmem>>)
    %add3A_102 = arith.constant 32 : i32
    %add3A_103 = arith.addi %mul3A_55, %add3A_102 : i32
    %dma_start3A_104 = arith.constant 0 : i32
    %dma_start3A_105 = tpu.memref_slice %arg4[%add3A_103, %dma_start3A_104] : memref<32768x768xf32, #tpu.memory_space<hbm>> -> memref<32x768xf32, #tpu.memory_space<hbm>>
    %dma_start3A_106 = arith.constant 0 : i32
    %dma_start3A_107 = tpu.memref_slice %arg4[%add3A_103, %dma_start3A_106] : memref<32768x768xf32, #tpu.memory_space<hbm>> -> memref<32x768xf32, #tpu.memory_space<hbm>>
    tpu.enqueue_dma source(%arg8 : memref<32x768xf32, #tpu.memory_space<vmem>>) target(%dma_start3A_107 : memref<32x768xf32, #tpu.memory_space<hbm>>) target_semaphore(%arg16 : memref<!tpu.dma_semaphore, #tpu.memory_space<semaphore_mem>>)
    %dma_wait3A_108 = arith.constant 0 : i32
    %dma_wait3A_109 = tpu.memref_slice %arg4[%add3A_83, %dma_wait3A_108] : memref<32768x768xf32, #tpu.memory_space<hbm>> -> memref<32x768xf32, #tpu.memory_space<hbm>>
    %dma_wait3A_110 = arith.constant 0 : i32
    %dma_wait3A_111 = tpu.memref_slice %arg4[%add3A_83, %dma_wait3A_110] : memref<32768x768xf32, #tpu.memory_space<hbm>> -> memref<32x768xf32, #tpu.memory_space<hbm>>
    tpu.wait_dma2 semaphore(%arg15 : memref<!tpu.dma_semaphore, #tpu.memory_space<semaphore_mem>>) src(%arg7 : memref<32x768xf32, #tpu.memory_space<vmem>>) dst(%dma_wait3A_111 : memref<32x768xf32, #tpu.memory_space<hbm>>)
    %dma_start3A_112 = arith.constant 4 : i32
    %dma_start3A_113 = arith.constant 0 : i32
    %dma_start3A_114 = tpu.memref_slice %arg6[%dma_start3A_112, %dma_start3A_113] : memref<32x32xi32, #tpu.memory_space<vmem>> -> memref<1x32xi32, #tpu.memory_space<vmem>>
    %dma_start3A_115 = tpu.memref_squeeze %dma_start3A_114 : memref<1x32xi32, #tpu.memory_space<vmem>> -> memref<32xi32, #tpu.memory_space<vmem>>
    %dma_start3A_116 = arith.constant 0 : i32
    %dma_start3A_117 = arith.constant 0 : i32
    %dma_start3A_118 = tpu.memref_slice %arg3[%dma_start3A_116, %dma_start3A_117] : memref<8196x768xf32, #tpu.memory_space<hbm>> -> memref<8196x768xf32, #tpu.memory_space<hbm>>
    tpu.enqueue_indirect_dma source(%dma_start3A_118 : memref<8196x768xf32, #tpu.memory_space<hbm>>) target(%arg7 : memref<32x768xf32, #tpu.memory_space<vmem>>) offsets(%dma_start3A_115 : memref<32xi32, #tpu.memory_space<vmem>>) semaphore(%arg11 : memref<!tpu.dma_semaphore, #tpu.memory_space<semaphore_mem>>)
    %dma_wait3A_119 = arith.constant 2 : i32
    %dma_wait3A_120 = arith.constant 0 : i32
    %dma_wait3A_121 = tpu.memref_slice %arg6[%dma_wait3A_119, %dma_wait3A_120] : memref<32x32xi32, #tpu.memory_space<vmem>> -> memref<1x32xi32, #tpu.memory_space<vmem>>
    %dma_wait3A_122 = tpu.memref_squeeze %dma_wait3A_121 : memref<1x32xi32, #tpu.memory_space<vmem>> -> memref<32xi32, #tpu.memory_space<vmem>>
    %dma_wait3A_123 = arith.constant 0 : i32
    %dma_wait3A_124 = arith.constant 0 : i32
    %dma_wait3A_125 = tpu.memref_slice %arg3[%dma_wait3A_123, %dma_wait3A_124] : memref<8196x768xf32, #tpu.memory_space<hbm>> -> memref<8196x768xf32, #tpu.memory_space<hbm>>
    tpu.wait_indirect_dma semaphore(%arg13 : memref<!tpu.dma_semaphore, #tpu.memory_space<semaphore_mem>>) src(%dma_wait3A_125 : memref<8196x768xf32, #tpu.memory_space<hbm>>) dst(%arg9 : memref<32x768xf32, #tpu.memory_space<vmem>>)
    %add3A_126 = arith.constant 64 : i32
    %add3A_127 = arith.addi %mul3A_55, %add3A_126 : i32
    %dma_start3A_128 = arith.constant 0 : i32
    %dma_start3A_129 = tpu.memref_slice %arg4[%add3A_127, %dma_start3A_128] : memref<32768x768xf32, #tpu.memory_space<hbm>> -> memref<32x768xf32, #tpu.memory_space<hbm>>
    %dma_start3A_130 = arith.constant 0 : i32
    %dma_start3A_131 = tpu.memref_slice %arg4[%add3A_127, %dma_start3A_130] : memref<32768x768xf32, #tpu.memory_space<hbm>> -> memref<32x768xf32, #tpu.memory_space<hbm>>
    tpu.enqueue_dma source(%arg9 : memref<32x768xf32, #tpu.memory_space<vmem>>) target(%dma_start3A_131 : memref<32x768xf32, #tpu.memory_space<hbm>>) target_semaphore(%arg17 : memref<!tpu.dma_semaphore, #tpu.memory_space<semaphore_mem>>)
    %dma_wait3A_132 = arith.constant 0 : i32
    %dma_wait3A_133 = tpu.memref_slice %arg4[%add3A_103, %dma_wait3A_132] : memref<32768x768xf32, #tpu.memory_space<hbm>> -> memref<32x768xf32, #tpu.memory_space<hbm>>
    %dma_wait3A_134 = arith.constant 0 : i32
    %dma_wait3A_135 = tpu.memref_slice %arg4[%add3A_103, %dma_wait3A_134] : memref<32768x768xf32, #tpu.memory_space<hbm>> -> memref<32x768xf32, #tpu.memory_space<hbm>>
    tpu.wait_dma2 semaphore(%arg16 : memref<!tpu.dma_semaphore, #tpu.memory_space<semaphore_mem>>) src(%arg8 : memref<32x768xf32, #tpu.memory_space<vmem>>) dst(%dma_wait3A_135 : memref<32x768xf32, #tpu.memory_space<hbm>>)
    %dma_start3A_136 = arith.constant 5 : i32
    %dma_start3A_137 = arith.constant 0 : i32
    %dma_start3A_138 = tpu.memref_slice %arg6[%dma_start3A_136, %dma_start3A_137] : memref<32x32xi32, #tpu.memory_space<vmem>> -> memref<1x32xi32, #tpu.memory_space<vmem>>
    %dma_start3A_139 = tpu.memref_squeeze %dma_start3A_138 : memref<1x32xi32, #tpu.memory_space<vmem>> -> memref<32xi32, #tpu.memory_space<vmem>>
    %dma_start3A_140 = arith.constant 0 : i32
    %dma_start3A_141 = arith.constant 0 : i32
    %dma_start3A_142 = tpu.memref_slice %arg3[%dma_start3A_140, %dma_start3A_141] : memref<8196x768xf32, #tpu.memory_space<hbm>> -> memref<8196x768xf32, #tpu.memory_space<hbm>>
    tpu.enqueue_indirect_dma source(%dma_start3A_142 : memref<8196x768xf32, #tpu.memory_space<hbm>>) target(%arg8 : memref<32x768xf32, #tpu.memory_space<vmem>>) offsets(%dma_start3A_139 : memref<32xi32, #tpu.memory_space<vmem>>) semaphore(%arg12 : memref<!tpu.dma_semaphore, #tpu.memory_space<semaphore_mem>>)
    %dma_wait3A_143 = arith.constant 3 : i32
    %dma_wait3A_144 = arith.constant 0 : i32
    %dma_wait3A_145 = tpu.memref_slice %arg6[%dma_wait3A_143, %dma_wait3A_144] : memref<32x32xi32, #tpu.memory_space<vmem>> -> memref<1x32xi32, #tpu.memory_space<vmem>>
    %dma_wait3A_146 = tpu.memref_squeeze %dma_wait3A_145 : memref<1x32xi32, #tpu.memory_space<vmem>> -> memref<32xi32, #tpu.memory_space<vmem>>
    %dma_wait3A_147 = arith.constant 0 : i32
    %dma_wait3A_148 = arith.constant 0 : i32
    %dma_wait3A_149 = tpu.memref_slice %arg3[%dma_wait3A_147, %dma_wait3A_148] : memref<8196x768xf32, #tpu.memory_space<hbm>> -> memref<8196x768xf32, #tpu.memory_space<hbm>>
    tpu.wait_indirect_dma semaphore(%arg14 : memref<!tpu.dma_semaphore, #tpu.memory_space<semaphore_mem>>) src(%dma_wait3A_149 : memref<8196x768xf32, #tpu.memory_space<hbm>>) dst(%arg10 : memref<32x768xf32, #tpu.memory_space<vmem>>)
    %add3A_150 = arith.constant 96 : i32
    %add3A_151 = arith.addi %mul3A_55, %add3A_150 : i32
    %dma_start3A_152 = arith.constant 0 : i32
    %dma_start3A_153 = tpu.memref_slice %arg4[%add3A_151, %dma_start3A_152] : memref<32768x768xf32, #tpu.memory_space<hbm>> -> memref<32x768xf32, #tpu.memory_space<hbm>>
    %dma_start3A_154 = arith.constant 0 : i32
    %dma_start3A_155 = tpu.memref_slice %arg4[%add3A_151, %dma_start3A_154] : memref<32768x768xf32, #tpu.memory_space<hbm>> -> memref<32x768xf32, #tpu.memory_space<hbm>>
    tpu.enqueue_dma source(%arg10 : memref<32x768xf32, #tpu.memory_space<vmem>>) target(%dma_start3A_155 : memref<32x768xf32, #tpu.memory_space<hbm>>) target_semaphore(%arg18 : memref<!tpu.dma_semaphore, #tpu.memory_space<semaphore_mem>>)
    %dma_wait3A_156 = arith.constant 0 : i32
    %dma_wait3A_157 = tpu.memref_slice %arg4[%add3A_127, %dma_wait3A_156] : memref<32768x768xf32, #tpu.memory_space<hbm>> -> memref<32x768xf32, #tpu.memory_space<hbm>>
    %dma_wait3A_158 = arith.constant 0 : i32
    %dma_wait3A_159 = tpu.memref_slice %arg4[%add3A_127, %dma_wait3A_158] : memref<32768x768xf32, #tpu.memory_space<hbm>> -> memref<32x768xf32, #tpu.memory_space<hbm>>
    tpu.wait_dma2 semaphore(%arg17 : memref<!tpu.dma_semaphore, #tpu.memory_space<semaphore_mem>>) src(%arg9 : memref<32x768xf32, #tpu.memory_space<vmem>>) dst(%dma_wait3A_159 : memref<32x768xf32, #tpu.memory_space<hbm>>)
    %dma_start3A_160 = arith.constant 6 : i32
    %dma_start3A_161 = arith.constant 0 : i32
    %dma_start3A_162 = tpu.memref_slice %arg6[%dma_start3A_160, %dma_start3A_161] : memref<32x32xi32, #tpu.memory_space<vmem>> -> memref<1x32xi32, #tpu.memory_space<vmem>>
    %dma_start3A_163 = tpu.memref_squeeze %dma_start3A_162 : memref<1x32xi32, #tpu.memory_space<vmem>> -> memref<32xi32, #tpu.memory_space<vmem>>
    %dma_start3A_164 = arith.constant 0 : i32
    %dma_start3A_165 = arith.constant 0 : i32
    %dma_start3A_166 = tpu.memref_slice %arg3[%dma_start3A_164, %dma_start3A_165] : memref<8196x768xf32, #tpu.memory_space<hbm>> -> memref<8196x768xf32, #tpu.memory_space<hbm>>
    tpu.enqueue_indirect_dma source(%dma_start3A_166 : memref<8196x768xf32, #tpu.memory_space<hbm>>) target(%arg9 : memref<32x768xf32, #tpu.memory_space<vmem>>) offsets(%dma_start3A_163 : memref<32xi32, #tpu.memory_space<vmem>>) semaphore(%arg13 : memref<!tpu.dma_semaphore, #tpu.memory_space<semaphore_mem>>)
    %dma_wait3A_167 = arith.constant 4 : i32
    %dma_wait3A_168 = arith.constant 0 : i32
    %dma_wait3A_169 = tpu.memref_slice %arg6[%dma_wait3A_167, %dma_wait3A_168] : memref<32x32xi32, #tpu.memory_space<vmem>> -> memref<1x32xi32, #tpu.memory_space<vmem>>
    %dma_wait3A_170 = tpu.memref_squeeze %dma_wait3A_169 : memref<1x32xi32, #tpu.memory_space<vmem>> -> memref<32xi32, #tpu.memory_space<vmem>>
    %dma_wait3A_171 = arith.constant 0 : i32
    %dma_wait3A_172 = arith.constant 0 : i32
    %dma_wait3A_173 = tpu.memref_slice %arg3[%dma_wait3A_171, %dma_wait3A_172] : memref<8196x768xf32, #tpu.memory_space<hbm>> -> memref<8196x768xf32, #tpu.memory_space<hbm>>
    tpu.wait_indirect_dma semaphore(%arg11 : memref<!tpu.dma_semaphore, #tpu.memory_space<semaphore_mem>>) src(%dma_wait3A_173 : memref<8196x768xf32, #tpu.memory_space<hbm>>) dst(%arg7 : memref<32x768xf32, #tpu.memory_space<vmem>>)
    %add3A_174 = arith.constant 128 : i32
    %add3A_175 = arith.addi %mul3A_55, %add3A_174 : i32
    %dma_start3A_176 = arith.constant 0 : i32
    %dma_start3A_177 = tpu.memref_slice %arg4[%add3A_175, %dma_start3A_176] : memref<32768x768xf32, #tpu.memory_space<hbm>> -> memref<32x768xf32, #tpu.memory_space<hbm>>
    %dma_start3A_178 = arith.constant 0 : i32
    %dma_start3A_179 = tpu.memref_slice %arg4[%add3A_175, %dma_start3A_178] : memref<32768x768xf32, #tpu.memory_space<hbm>> -> memref<32x768xf32, #tpu.memory_space<hbm>>
    tpu.enqueue_dma source(%arg7 : memref<32x768xf32, #tpu.memory_space<vmem>>) target(%dma_start3A_179 : memref<32x768xf32, #tpu.memory_space<hbm>>) target_semaphore(%arg15 : memref<!tpu.dma_semaphore, #tpu.memory_space<semaphore_mem>>)
    %dma_wait3A_180 = arith.constant 0 : i32
    %dma_wait3A_181 = tpu.memref_slice %arg4[%add3A_151, %dma_wait3A_180] : memref<32768x768xf32, #tpu.memory_space<hbm>> -> memref<32x768xf32, #tpu.memory_space<hbm>>
    %dma_wait3A_182 = arith.constant 0 : i32
    %dma_wait3A_183 = tpu.memref_slice %arg4[%add3A_151, %dma_wait3A_182] : memref<32768x768xf32, #tpu.memory_space<hbm>> -> memref<32x768xf32, #tpu.memory_space<hbm>>
    tpu.wait_dma2 semaphore(%arg18 : memref<!tpu.dma_semaphore, #tpu.memory_space<semaphore_mem>>) src(%arg10 : memref<32x768xf32, #tpu.memory_space<vmem>>) dst(%dma_wait3A_183 : memref<32x768xf32, #tpu.memory_space<hbm>>)
    %dma_start3A_184 = arith.constant 7 : i32
    %dma_start3A_185 = arith.constant 0 : i32
    %dma_start3A_186 = tpu.memref_slice %arg6[%dma_start3A_184, %dma_start3A_185] : memref<32x32xi32, #tpu.memory_space<vmem>> -> memref<1x32xi32, #tpu.memory_space<vmem>>
    %dma_start3A_187 = tpu.memref_squeeze %dma_start3A_186 : memref<1x32xi32, #tpu.memory_space<vmem>> -> memref<32xi32, #tpu.memory_space<vmem>>
    %dma_start3A_188 = arith.constant 0 : i32
    %dma_start3A_189 = arith.constant 0 : i32
    %dma_start3A_190 = tpu.memref_slice %arg3[%dma_start3A_188, %dma_start3A_189] : memref<8196x768xf32, #tpu.memory_space<hbm>> -> memref<8196x768xf32, #tpu.memory_space<hbm>>
    tpu.enqueue_indirect_dma source(%dma_start3A_190 : memref<8196x768xf32, #tpu.memory_space<hbm>>) target(%arg10 : memref<32x768xf32, #tpu.memory_space<vmem>>) offsets(%dma_start3A_187 : memref<32xi32, #tpu.memory_space<vmem>>) semaphore(%arg14 : memref<!tpu.dma_semaphore, #tpu.memory_space<semaphore_mem>>)
    %dma_wait3A_191 = arith.constant 5 : i32
    %dma_wait3A_192 = arith.constant 0 : i32
    %dma_wait3A_193 = tpu.memref_slice %arg6[%dma_wait3A_191, %dma_wait3A_192] : memref<32x32xi32, #tpu.memory_space<vmem>> -> memref<1x32xi32, #tpu.memory_space<vmem>>
    %dma_wait3A_194 = tpu.memref_squeeze %dma_wait3A_193 : memref<1x32xi32, #tpu.memory_space<vmem>> -> memref<32xi32, #tpu.memory_space<vmem>>
    %dma_wait3A_195 = arith.constant 0 : i32
    %dma_wait3A_196 = arith.constant 0 : i32
    %dma_wait3A_197 = tpu.memref_slice %arg3[%dma_wait3A_195, %dma_wait3A_196] : memref<8196x768xf32, #tpu.memory_space<hbm>> -> memref<8196x768xf32, #tpu.memory_space<hbm>>
    tpu.wait_indirect_dma semaphore(%arg12 : memref<!tpu.dma_semaphore, #tpu.memory_space<semaphore_mem>>) src(%dma_wait3A_197 : memref<8196x768xf32, #tpu.memory_space<hbm>>) dst(%arg8 : memref<32x768xf32, #tpu.memory_space<vmem>>)
    %add3A_198 = arith.constant 160 : i32
    %add3A_199 = arith.addi %mul3A_55, %add3A_198 : i32
    %dma_start3A_200 = arith.constant 0 : i32
    %dma_start3A_201 = tpu.memref_slice %arg4[%add3A_199, %dma_start3A_200] : memref<32768x768xf32, #tpu.memory_space<hbm>> -> memref<32x768xf32, #tpu.memory_space<hbm>>
    %dma_start3A_202 = arith.constant 0 : i32
    %dma_start3A_203 = tpu.memref_slice %arg4[%add3A_199, %dma_start3A_202] : memref<32768x768xf32, #tpu.memory_space<hbm>> -> memref<32x768xf32, #tpu.memory_space<hbm>>
    tpu.enqueue_dma source(%arg8 : memref<32x768xf32, #tpu.memory_space<vmem>>) target(%dma_start3A_203 : memref<32x768xf32, #tpu.memory_space<hbm>>) target_semaphore(%arg16 : memref<!tpu.dma_semaphore, #tpu.memory_space<semaphore_mem>>)
    %dma_wait3A_204 = arith.constant 0 : i32
    %dma_wait3A_205 = tpu.memref_slice %arg4[%add3A_175, %dma_wait3A_204] : memref<32768x768xf32, #tpu.memory_space<hbm>> -> memref<32x768xf32, #tpu.memory_space<hbm>>
    %dma_wait3A_206 = arith.constant 0 : i32
    %dma_wait3A_207 = tpu.memref_slice %arg4[%add3A_175, %dma_wait3A_206] : memref<32768x768xf32, #tpu.memory_space<hbm>> -> memref<32x768xf32, #tpu.memory_space<hbm>>
    tpu.wait_dma2 semaphore(%arg15 : memref<!tpu.dma_semaphore, #tpu.memory_space<semaphore_mem>>) src(%arg7 : memref<32x768xf32, #tpu.memory_space<vmem>>) dst(%dma_wait3A_207 : memref<32x768xf32, #tpu.memory_space<hbm>>)
    %dma_start3A_208 = arith.constant 8 : i32
    %dma_start3A_209 = arith.constant 0 : i32
    %dma_start3A_210 = tpu.memref_slice %arg6[%dma_start3A_208, %dma_start3A_209] : memref<32x32xi32, #tpu.memory_space<vmem>> -> memref<1x32xi32, #tpu.memory_space<vmem>>
    %dma_start3A_211 = tpu.memref_squeeze %dma_start3A_210 : memref<1x32xi32, #tpu.memory_space<vmem>> -> memref<32xi32, #tpu.memory_space<vmem>>
    %dma_start3A_212 = arith.constant 0 : i32
    %dma_start3A_213 = arith.constant 0 : i32
    %dma_start3A_214 = tpu.memref_slice %arg3[%dma_start3A_212, %dma_start3A_213] : memref<8196x768xf32, #tpu.memory_space<hbm>> -> memref<8196x768xf32, #tpu.memory_space<hbm>>
    tpu.enqueue_indirect_dma source(%dma_start3A_214 : memref<8196x768xf32, #tpu.memory_space<hbm>>) target(%arg7 : memref<32x768xf32, #tpu.memory_space<vmem>>) offsets(%dma_start3A_211 : memref<32xi32, #tpu.memory_space<vmem>>) semaphore(%arg11 : memref<!tpu.dma_semaphore, #tpu.memory_space<semaphore_mem>>)
    %dma_wait3A_215 = arith.constant 6 : i32
    %dma_wait3A_216 = arith.constant 0 : i32
    %dma_wait3A_217 = tpu.memref_slice %arg6[%dma_wait3A_215, %dma_wait3A_216] : memref<32x32xi32, #tpu.memory_space<vmem>> -> memref<1x32xi32, #tpu.memory_space<vmem>>
    %dma_wait3A_218 = tpu.memref_squeeze %dma_wait3A_217 : memref<1x32xi32, #tpu.memory_space<vmem>> -> memref<32xi32, #tpu.memory_space<vmem>>
    %dma_wait3A_219 = arith.constant 0 : i32
    %dma_wait3A_220 = arith.constant 0 : i32
    %dma_wait3A_221 = tpu.memref_slice %arg3[%dma_wait3A_219, %dma_wait3A_220] : memref<8196x768xf32, #tpu.memory_space<hbm>> -> memref<8196x768xf32, #tpu.memory_space<hbm>>
    tpu.wait_indirect_dma semaphore(%arg13 : memref<!tpu.dma_semaphore, #tpu.memory_space<semaphore_mem>>) src(%dma_wait3A_221 : memref<8196x768xf32, #tpu.memory_space<hbm>>) dst(%arg9 : memref<32x768xf32, #tpu.memory_space<vmem>>)
    %add3A_222 = arith.constant 192 : i32
    %add3A_223 = arith.addi %mul3A_55, %add3A_222 : i32
    %dma_start3A_224 = arith.constant 0 : i32
    %dma_start3A_225 = tpu.memref_slice %arg4[%add3A_223, %dma_start3A_224] : memref<32768x768xf32, #tpu.memory_space<hbm>> -> memref<32x768xf32, #tpu.memory_space<hbm>>
    %dma_start3A_226 = arith.constant 0 : i32
    %dma_start3A_227 = tpu.memref_slice %arg4[%add3A_223, %dma_start3A_226] : memref<32768x768xf32, #tpu.memory_space<hbm>> -> memref<32x768xf32, #tpu.memory_space<hbm>>
    tpu.enqueue_dma source(%arg9 : memref<32x768xf32, #tpu.memory_space<vmem>>) target(%dma_start3A_227 : memref<32x768xf32, #tpu.memory_space<hbm>>) target_semaphore(%arg17 : memref<!tpu.dma_semaphore, #tpu.memory_space<semaphore_mem>>)
    %dma_wait3A_228 = arith.constant 0 : i32
    %dma_wait3A_229 = tpu.memref_slice %arg4[%add3A_199, %dma_wait3A_228] : memref<32768x768xf32, #tpu.memory_space<hbm>> -> memref<32x768xf32, #tpu.memory_space<hbm>>
    %dma_wait3A_230 = arith.constant 0 : i32
    %dma_wait3A_231 = tpu.memref_slice %arg4[%add3A_199, %dma_wait3A_230] : memref<32768x768xf32, #tpu.memory_space<hbm>> -> memref<32x768xf32, #tpu.memory_space<hbm>>
    tpu.wait_dma2 semaphore(%arg16 : memref<!tpu.dma_semaphore, #tpu.memory_space<semaphore_mem>>) src(%arg8 : memref<32x768xf32, #tpu.memory_space<vmem>>) dst(%dma_wait3A_231 : memref<32x768xf32, #tpu.memory_space<hbm>>)
    %dma_start3A_232 = arith.constant 9 : i32
    %dma_start3A_233 = arith.constant 0 : i32
    %dma_start3A_234 = tpu.memref_slice %arg6[%dma_start3A_232, %dma_start3A_233] : memref<32x32xi32, #tpu.memory_space<vmem>> -> memref<1x32xi32, #tpu.memory_space<vmem>>
    %dma_start3A_235 = tpu.memref_squeeze %dma_start3A_234 : memref<1x32xi32, #tpu.memory_space<vmem>> -> memref<32xi32, #tpu.memory_space<vmem>>
    %dma_start3A_236 = arith.constant 0 : i32
    %dma_start3A_237 = arith.constant 0 : i32
    %dma_start3A_238 = tpu.memref_slice %arg3[%dma_start3A_236, %dma_start3A_237] : memref<8196x768xf32, #tpu.memory_space<hbm>> -> memref<8196x768xf32, #tpu.memory_space<hbm>>
    tpu.enqueue_indirect_dma source(%dma_start3A_238 : memref<8196x768xf32, #tpu.memory_space<hbm>>) target(%arg8 : memref<32x768xf32, #tpu.memory_space<vmem>>) offsets(%dma_start3A_235 : memref<32xi32, #tpu.memory_space<vmem>>) semaphore(%arg12 : memref<!tpu.dma_semaphore, #tpu.memory_space<semaphore_mem>>)
    %dma_wait3A_239 = arith.constant 7 : i32
    %dma_wait3A_240 = arith.constant 0 : i32
    %dma_wait3A_241 = tpu.memref_slice %arg6[%dma_wait3A_239, %dma_wait3A_240] : memref<32x32xi32, #tpu.memory_space<vmem>> -> memref<1x32xi32, #tpu.memory_space<vmem>>
    %dma_wait3A_242 = tpu.memref_squeeze %dma_wait3A_241 : memref<1x32xi32, #tpu.memory_space<vmem>> -> memref<32xi32, #tpu.memory_space<vmem>>
    %dma_wait3A_243 = arith.constant 0 : i32
    %dma_wait3A_244 = arith.constant 0 : i32
    %dma_wait3A_245 = tpu.memref_slice %arg3[%dma_wait3A_243, %dma_wait3A_244] : memref<8196x768xf32, #tpu.memory_space<hbm>> -> memref<8196x768xf32, #tpu.memory_space<hbm>>
    tpu.wait_indirect_dma semaphore(%arg14 : memref<!tpu.dma_semaphore, #tpu.memory_space<semaphore_mem>>) src(%dma_wait3A_245 : memref<8196x768xf32, #tpu.memory_space<hbm>>) dst(%arg10 : memref<32x768xf32, #tpu.memory_space<vmem>>)
    %add3A_246 = arith.constant 224 : i32
    %add3A_247 = arith.addi %mul3A_55, %add3A_246 : i32
    %dma_start3A_248 = arith.constant 0 : i32
    %dma_start3A_249 = tpu.memref_slice %arg4[%add3A_247, %dma_start3A_248] : memref<32768x768xf32, #tpu.memory_space<hbm>> -> memref<32x768xf32, #tpu.memory_space<hbm>>
    %dma_start3A_250 = arith.constant 0 : i32
    %dma_start3A_251 = tpu.memref_slice %arg4[%add3A_247, %dma_start3A_250] : memref<32768x768xf32, #tpu.memory_space<hbm>> -> memref<32x768xf32, #tpu.memory_space<hbm>>
    tpu.enqueue_dma source(%arg10 : memref<32x768xf32, #tpu.memory_space<vmem>>) target(%dma_start3A_251 : memref<32x768xf32, #tpu.memory_space<hbm>>) target_semaphore(%arg18 : memref<!tpu.dma_semaphore, #tpu.memory_space<semaphore_mem>>)
    %dma_wait3A_252 = arith.constant 0 : i32
    %dma_wait3A_253 = tpu.memref_slice %arg4[%add3A_223, %dma_wait3A_252] : memref<32768x768xf32, #tpu.memory_space<hbm>> -> memref<32x768xf32, #tpu.memory_space<hbm>>
    %dma_wait3A_254 = arith.constant 0 : i32
    %dma_wait3A_255 = tpu.memref_slice %arg4[%add3A_223, %dma_wait3A_254] : memref<32768x768xf32, #tpu.memory_space<hbm>> -> memref<32x768xf32, #tpu.memory_space<hbm>>
    tpu.wait_dma2 semaphore(%arg17 : memref<!tpu.dma_semaphore, #tpu.memory_space<semaphore_mem>>) src(%arg9 : memref<32x768xf32, #tpu.memory_space<vmem>>) dst(%dma_wait3A_255 : memref<32x768xf32, #tpu.memory_space<hbm>>)
    %dma_start3A_256 = arith.constant 10 : i32
    %dma_start3A_257 = arith.constant 0 : i32
    %dma_start3A_258 = tpu.memref_slice %arg6[%dma_start3A_256, %dma_start3A_257] : memref<32x32xi32, #tpu.memory_space<vmem>> -> memref<1x32xi32, #tpu.memory_space<vmem>>
    %dma_start3A_259 = tpu.memref_squeeze %dma_start3A_258 : memref<1x32xi32, #tpu.memory_space<vmem>> -> memref<32xi32, #tpu.memory_space<vmem>>
    %dma_start3A_260 = arith.constant 0 : i32
    %dma_start3A_261 = arith.constant 0 : i32
    %dma_start3A_262 = tpu.memref_slice %arg3[%dma_start3A_260, %dma_start3A_261] : memref<8196x768xf32, #tpu.memory_space<hbm>> -> memref<8196x768xf32, #tpu.memory_space<hbm>>
    tpu.enqueue_indirect_dma source(%dma_start3A_262 : memref<8196x768xf32, #tpu.memory_space<hbm>>) target(%arg9 : memref<32x768xf32, #tpu.memory_space<vmem>>) offsets(%dma_start3A_259 : memref<32xi32, #tpu.memory_space<vmem>>) semaphore(%arg13 : memref<!tpu.dma_semaphore, #tpu.memory_space<semaphore_mem>>)
    %dma_wait3A_263 = arith.constant 8 : i32
    %dma_wait3A_264 = arith.constant 0 : i32
    %dma_wait3A_265 = tpu.memref_slice %arg6[%dma_wait3A_263, %dma_wait3A_264] : memref<32x32xi32, #tpu.memory_space<vmem>> -> memref<1x32xi32, #tpu.memory_space<vmem>>
    %dma_wait3A_266 = tpu.memref_squeeze %dma_wait3A_265 : memref<1x32xi32, #tpu.memory_space<vmem>> -> memref<32xi32, #tpu.memory_space<vmem>>
    %dma_wait3A_267 = arith.constant 0 : i32
    %dma_wait3A_268 = arith.constant 0 : i32
    %dma_wait3A_269 = tpu.memref_slice %arg3[%dma_wait3A_267, %dma_wait3A_268] : memref<8196x768xf32, #tpu.memory_space<hbm>> -> memref<8196x768xf32, #tpu.memory_space<hbm>>
    tpu.wait_indirect_dma semaphore(%arg11 : memref<!tpu.dma_semaphore, #tpu.memory_space<semaphore_mem>>) src(%dma_wait3A_269 : memref<8196x768xf32, #tpu.memory_space<hbm>>) dst(%arg7 : memref<32x768xf32, #tpu.memory_space<vmem>>)
    %add3A_270 = arith.constant 256 : i32
    %add3A_271 = arith.addi %mul3A_55, %add3A_270 : i32
    %dma_start3A_272 = arith.constant 0 : i32
    %dma_start3A_273 = tpu.memref_slice %arg4[%add3A_271, %dma_start3A_272] : memref<32768x768xf32, #tpu.memory_space<hbm>> -> memref<32x768xf32, #tpu.memory_space<hbm>>
    %dma_start3A_274 = arith.constant 0 : i32
    %dma_start3A_275 = tpu.memref_slice %arg4[%add3A_271, %dma_start3A_274] : memref<32768x768xf32, #tpu.memory_space<hbm>> -> memref<32x768xf32, #tpu.memory_space<hbm>>
    tpu.enqueue_dma source(%arg7 : memref<32x768xf32, #tpu.memory_space<vmem>>) target(%dma_start3A_275 : memref<32x768xf32, #tpu.memory_space<hbm>>) target_semaphore(%arg15 : memref<!tpu.dma_semaphore, #tpu.memory_space<semaphore_mem>>)
    %dma_wait3A_276 = arith.constant 0 : i32
    %dma_wait3A_277 = tpu.memref_slice %arg4[%add3A_247, %dma_wait3A_276] : memref<32768x768xf32, #tpu.memory_space<hbm>> -> memref<32x768xf32, #tpu.memory_space<hbm>>
    %dma_wait3A_278 = arith.constant 0 : i32
    %dma_wait3A_279 = tpu.memref_slice %arg4[%add3A_247, %dma_wait3A_278] : memref<32768x768xf32, #tpu.memory_space<hbm>> -> memref<32x768xf32, #tpu.memory_space<hbm>>
    tpu.wait_dma2 semaphore(%arg18 : memref<!tpu.dma_semaphore, #tpu.memory_space<semaphore_mem>>) src(%arg10 : memref<32x768xf32, #tpu.memory_space<vmem>>) dst(%dma_wait3A_279 : memref<32x768xf32, #tpu.memory_space<hbm>>)
    %dma_start3A_280 = arith.constant 11 : i32
    %dma_start3A_281 = arith.constant 0 : i32
    %dma_start3A_282 = tpu.memref_slice %arg6[%dma_start3A_280, %dma_start3A_281] : memref<32x32xi32, #tpu.memory_space<vmem>> -> memref<1x32xi32, #tpu.memory_space<vmem>>
    %dma_start3A_283 = tpu.memref_squeeze %dma_start3A_282 : memref<1x32xi32, #tpu.memory_space<vmem>> -> memref<32xi32, #tpu.memory_space<vmem>>
    %dma_start3A_284 = arith.constant 0 : i32
    %dma_start3A_285 = arith.constant 0 : i32
    %dma_start3A_286 = tpu.memref_slice %arg3[%dma_start3A_284, %dma_start3A_285] : memref<8196x768xf32, #tpu.memory_space<hbm>> -> memref<8196x768xf32, #tpu.memory_space<hbm>>
    tpu.enqueue_indirect_dma source(%dma_start3A_286 : memref<8196x768xf32, #tpu.memory_space<hbm>>) target(%arg10 : memref<32x768xf32, #tpu.memory_space<vmem>>) offsets(%dma_start3A_283 : memref<32xi32, #tpu.memory_space<vmem>>) semaphore(%arg14 : memref<!tpu.dma_semaphore, #tpu.memory_space<semaphore_mem>>)
    %dma_wait3A_287 = arith.constant 9 : i32
    %dma_wait3A_288 = arith.constant 0 : i32
    %dma_wait3A_289 = tpu.memref_slice %arg6[%dma_wait3A_287, %dma_wait3A_288] : memref<32x32xi32, #tpu.memory_space<vmem>> -> memref<1x32xi32, #tpu.memory_space<vmem>>
    %dma_wait3A_290 = tpu.memref_squeeze %dma_wait3A_289 : memref<1x32xi32, #tpu.memory_space<vmem>> -> memref<32xi32, #tpu.memory_space<vmem>>
    %dma_wait3A_291 = arith.constant 0 : i32
    %dma_wait3A_292 = arith.constant 0 : i32
    %dma_wait3A_293 = tpu.memref_slice %arg3[%dma_wait3A_291, %dma_wait3A_292] : memref<8196x768xf32, #tpu.memory_space<hbm>> -> memref<8196x768xf32, #tpu.memory_space<hbm>>
    tpu.wait_indirect_dma semaphore(%arg12 : memref<!tpu.dma_semaphore, #tpu.memory_space<semaphore_mem>>) src(%dma_wait3A_293 : memref<8196x768xf32, #tpu.memory_space<hbm>>) dst(%arg8 : memref<32x768xf32, #tpu.memory_space<vmem>>)
    %add3A_294 = arith.constant 288 : i32
    %add3A_295 = arith.addi %mul3A_55, %add3A_294 : i32
    %dma_start3A_296 = arith.constant 0 : i32
    %dma_start3A_297 = tpu.memref_slice %arg4[%add3A_295, %dma_start3A_296] : memref<32768x768xf32, #tpu.memory_space<hbm>> -> memref<32x768xf32, #tpu.memory_space<hbm>>
    %dma_start3A_298 = arith.constant 0 : i32
    %dma_start3A_299 = tpu.memref_slice %arg4[%add3A_295, %dma_start3A_298] : memref<32768x768xf32, #tpu.memory_space<hbm>> -> memref<32x768xf32, #tpu.memory_space<hbm>>
    tpu.enqueue_dma source(%arg8 : memref<32x768xf32, #tpu.memory_space<vmem>>) target(%dma_start3A_299 : memref<32x768xf32, #tpu.memory_space<hbm>>) target_semaphore(%arg16 : memref<!tpu.dma_semaphore, #tpu.memory_space<semaphore_mem>>)
    %dma_wait3A_300 = arith.constant 0 : i32
    %dma_wait3A_301 = tpu.memref_slice %arg4[%add3A_271, %dma_wait3A_300] : memref<32768x768xf32, #tpu.memory_space<hbm>> -> memref<32x768xf32, #tpu.memory_space<hbm>>
    %dma_wait3A_302 = arith.constant 0 : i32
    %dma_wait3A_303 = tpu.memref_slice %arg4[%add3A_271, %dma_wait3A_302] : memref<32768x768xf32, #tpu.memory_space<hbm>> -> memref<32x768xf32, #tpu.memory_space<hbm>>
    tpu.wait_dma2 semaphore(%arg15 : memref<!tpu.dma_semaphore, #tpu.memory_space<semaphore_mem>>) src(%arg7 : memref<32x768xf32, #tpu.memory_space<vmem>>) dst(%dma_wait3A_303 : memref<32x768xf32, #tpu.memory_space<hbm>>)
    %dma_start3A_304 = arith.constant 12 : i32
    %dma_start3A_305 = arith.constant 0 : i32
    %dma_start3A_306 = tpu.memref_slice %arg6[%dma_start3A_304, %dma_start3A_305] : memref<32x32xi32, #tpu.memory_space<vmem>> -> memref<1x32xi32, #tpu.memory_space<vmem>>
    %dma_start3A_307 = tpu.memref_squeeze %dma_start3A_306 : memref<1x32xi32, #tpu.memory_space<vmem>> -> memref<32xi32, #tpu.memory_space<vmem>>
    %dma_start3A_308 = arith.constant 0 : i32
    %dma_start3A_309 = arith.constant 0 : i32
    %dma_start3A_310 = tpu.memref_slice %arg3[%dma_start3A_308, %dma_start3A_309] : memref<8196x768xf32, #tpu.memory_space<hbm>> -> memref<8196x768xf32, #tpu.memory_space<hbm>>
    tpu.enqueue_indirect_dma source(%dma_start3A_310 : memref<8196x768xf32, #tpu.memory_space<hbm>>) target(%arg7 : memref<32x768xf32, #tpu.memory_space<vmem>>) offsets(%dma_start3A_307 : memref<32xi32, #tpu.memory_space<vmem>>) semaphore(%arg11 : memref<!tpu.dma_semaphore, #tpu.memory_space<semaphore_mem>>)
    %dma_wait3A_311 = arith.constant 10 : i32
    %dma_wait3A_312 = arith.constant 0 : i32
    %dma_wait3A_313 = tpu.memref_slice %arg6[%dma_wait3A_311, %dma_wait3A_312] : memref<32x32xi32, #tpu.memory_space<vmem>> -> memref<1x32xi32, #tpu.memory_space<vmem>>
    %dma_wait3A_314 = tpu.memref_squeeze %dma_wait3A_313 : memref<1x32xi32, #tpu.memory_space<vmem>> -> memref<32xi32, #tpu.memory_space<vmem>>
    %dma_wait3A_315 = arith.constant 0 : i32
    %dma_wait3A_316 = arith.constant 0 : i32
    %dma_wait3A_317 = tpu.memref_slice %arg3[%dma_wait3A_315, %dma_wait3A_316] : memref<8196x768xf32, #tpu.memory_space<hbm>> -> memref<8196x768xf32, #tpu.memory_space<hbm>>
    tpu.wait_indirect_dma semaphore(%arg13 : memref<!tpu.dma_semaphore, #tpu.memory_space<semaphore_mem>>) src(%dma_wait3A_317 : memref<8196x768xf32, #tpu.memory_space<hbm>>) dst(%arg9 : memref<32x768xf32, #tpu.memory_space<vmem>>)
    %add3A_318 = arith.constant 320 : i32
    %add3A_319 = arith.addi %mul3A_55, %add3A_318 : i32
    %dma_start3A_320 = arith.constant 0 : i32
    %dma_start3A_321 = tpu.memref_slice %arg4[%add3A_319, %dma_start3A_320] : memref<32768x768xf32, #tpu.memory_space<hbm>> -> memref<32x768xf32, #tpu.memory_space<hbm>>
    %dma_start3A_322 = arith.constant 0 : i32
    %dma_start3A_323 = tpu.memref_slice %arg4[%add3A_319, %dma_start3A_322] : memref<32768x768xf32, #tpu.memory_space<hbm>> -> memref<32x768xf32, #tpu.memory_space<hbm>>
    tpu.enqueue_dma source(%arg9 : memref<32x768xf32, #tpu.memory_space<vmem>>) target(%dma_start3A_323 : memref<32x768xf32, #tpu.memory_space<hbm>>) target_semaphore(%arg17 : memref<!tpu.dma_semaphore, #tpu.memory_space<semaphore_mem>>)
    %dma_wait3A_324 = arith.constant 0 : i32
    %dma_wait3A_325 = tpu.memref_slice %arg4[%add3A_295, %dma_wait3A_324] : memref<32768x768xf32, #tpu.memory_space<hbm>> -> memref<32x768xf32, #tpu.memory_space<hbm>>
    %dma_wait3A_326 = arith.constant 0 : i32
    %dma_wait3A_327 = tpu.memref_slice %arg4[%add3A_295, %dma_wait3A_326] : memref<32768x768xf32, #tpu.memory_space<hbm>> -> memref<32x768xf32, #tpu.memory_space<hbm>>
    tpu.wait_dma2 semaphore(%arg16 : memref<!tpu.dma_semaphore, #tpu.memory_space<semaphore_mem>>) src(%arg8 : memref<32x768xf32, #tpu.memory_space<vmem>>) dst(%dma_wait3A_327 : memref<32x768xf32, #tpu.memory_space<hbm>>)
    %dma_start3A_328 = arith.constant 13 : i32
    %dma_start3A_329 = arith.constant 0 : i32
    %dma_start3A_330 = tpu.memref_slice %arg6[%dma_start3A_328, %dma_start3A_329] : memref<32x32xi32, #tpu.memory_space<vmem>> -> memref<1x32xi32, #tpu.memory_space<vmem>>
    %dma_start3A_331 = tpu.memref_squeeze %dma_start3A_330 : memref<1x32xi32, #tpu.memory_space<vmem>> -> memref<32xi32, #tpu.memory_space<vmem>>
    %dma_start3A_332 = arith.constant 0 : i32
    %dma_start3A_333 = arith.constant 0 : i32
    %dma_start3A_334 = tpu.memref_slice %arg3[%dma_start3A_332, %dma_start3A_333] : memref<8196x768xf32, #tpu.memory_space<hbm>> -> memref<8196x768xf32, #tpu.memory_space<hbm>>
    tpu.enqueue_indirect_dma source(%dma_start3A_334 : memref<8196x768xf32, #tpu.memory_space<hbm>>) target(%arg8 : memref<32x768xf32, #tpu.memory_space<vmem>>) offsets(%dma_start3A_331 : memref<32xi32, #tpu.memory_space<vmem>>) semaphore(%arg12 : memref<!tpu.dma_semaphore, #tpu.memory_space<semaphore_mem>>)
    %dma_wait3A_335 = arith.constant 11 : i32
    %dma_wait3A_336 = arith.constant 0 : i32
    %dma_wait3A_337 = tpu.memref_slice %arg6[%dma_wait3A_335, %dma_wait3A_336] : memref<32x32xi32, #tpu.memory_space<vmem>> -> memref<1x32xi32, #tpu.memory_space<vmem>>
    %dma_wait3A_338 = tpu.memref_squeeze %dma_wait3A_337 : memref<1x32xi32, #tpu.memory_space<vmem>> -> memref<32xi32, #tpu.memory_space<vmem>>
    %dma_wait3A_339 = arith.constant 0 : i32
    %dma_wait3A_340 = arith.constant 0 : i32
    %dma_wait3A_341 = tpu.memref_slice %arg3[%dma_wait3A_339, %dma_wait3A_340] : memref<8196x768xf32, #tpu.memory_space<hbm>> -> memref<8196x768xf32, #tpu.memory_space<hbm>>
    tpu.wait_indirect_dma semaphore(%arg14 : memref<!tpu.dma_semaphore, #tpu.memory_space<semaphore_mem>>) src(%dma_wait3A_341 : memref<8196x768xf32, #tpu.memory_space<hbm>>) dst(%arg10 : memref<32x768xf32, #tpu.memory_space<vmem>>)
    %add3A_342 = arith.constant 352 : i32
    %add3A_343 = arith.addi %mul3A_55, %add3A_342 : i32
    %dma_start3A_344 = arith.constant 0 : i32
    %dma_start3A_345 = tpu.memref_slice %arg4[%add3A_343, %dma_start3A_344] : memref<32768x768xf32, #tpu.memory_space<hbm>> -> memref<32x768xf32, #tpu.memory_space<hbm>>
    %dma_start3A_346 = arith.constant 0 : i32
    %dma_start3A_347 = tpu.memref_slice %arg4[%add3A_343, %dma_start3A_346] : memref<32768x768xf32, #tpu.memory_space<hbm>> -> memref<32x768xf32, #tpu.memory_space<hbm>>
    tpu.enqueue_dma source(%arg10 : memref<32x768xf32, #tpu.memory_space<vmem>>) target(%dma_start3A_347 : memref<32x768xf32, #tpu.memory_space<hbm>>) target_semaphore(%arg18 : memref<!tpu.dma_semaphore, #tpu.memory_space<semaphore_mem>>)
    %dma_wait3A_348 = arith.constant 0 : i32
    %dma_wait3A_349 = tpu.memref_slice %arg4[%add3A_319, %dma_wait3A_348] : memref<32768x768xf32, #tpu.memory_space<hbm>> -> memref<32x768xf32, #tpu.memory_space<hbm>>
    %dma_wait3A_350 = arith.constant 0 : i32
    %dma_wait3A_351 = tpu.memref_slice %arg4[%add3A_319, %dma_wait3A_350] : memref<32768x768xf32, #tpu.memory_space<hbm>> -> memref<32x768xf32, #tpu.memory_space<hbm>>
    tpu.wait_dma2 semaphore(%arg17 : memref<!tpu.dma_semaphore, #tpu.memory_space<semaphore_mem>>) src(%arg9 : memref<32x768xf32, #tpu.memory_space<vmem>>) dst(%dma_wait3A_351 : memref<32x768xf32, #tpu.memory_space<hbm>>)
    %dma_start3A_352 = arith.constant 14 : i32
    %dma_start3A_353 = arith.constant 0 : i32
    %dma_start3A_354 = tpu.memref_slice %arg6[%dma_start3A_352, %dma_start3A_353] : memref<32x32xi32, #tpu.memory_space<vmem>> -> memref<1x32xi32, #tpu.memory_space<vmem>>
    %dma_start3A_355 = tpu.memref_squeeze %dma_start3A_354 : memref<1x32xi32, #tpu.memory_space<vmem>> -> memref<32xi32, #tpu.memory_space<vmem>>
    %dma_start3A_356 = arith.constant 0 : i32
    %dma_start3A_357 = arith.constant 0 : i32
    %dma_start3A_358 = tpu.memref_slice %arg3[%dma_start3A_356, %dma_start3A_357] : memref<8196x768xf32, #tpu.memory_space<hbm>> -> memref<8196x768xf32, #tpu.memory_space<hbm>>
    tpu.enqueue_indirect_dma source(%dma_start3A_358 : memref<8196x768xf32, #tpu.memory_space<hbm>>) target(%arg9 : memref<32x768xf32, #tpu.memory_space<vmem>>) offsets(%dma_start3A_355 : memref<32xi32, #tpu.memory_space<vmem>>) semaphore(%arg13 : memref<!tpu.dma_semaphore, #tpu.memory_space<semaphore_mem>>)
    %dma_wait3A_359 = arith.constant 12 : i32
    %dma_wait3A_360 = arith.constant 0 : i32
    %dma_wait3A_361 = tpu.memref_slice %arg6[%dma_wait3A_359, %dma_wait3A_360] : memref<32x32xi32, #tpu.memory_space<vmem>> -> memref<1x32xi32, #tpu.memory_space<vmem>>
    %dma_wait3A_362 = tpu.memref_squeeze %dma_wait3A_361 : memref<1x32xi32, #tpu.memory_space<vmem>> -> memref<32xi32, #tpu.memory_space<vmem>>
    %dma_wait3A_363 = arith.constant 0 : i32
    %dma_wait3A_364 = arith.constant 0 : i32
    %dma_wait3A_365 = tpu.memref_slice %arg3[%dma_wait3A_363, %dma_wait3A_364] : memref<8196x768xf32, #tpu.memory_space<hbm>> -> memref<8196x768xf32, #tpu.memory_space<hbm>>
    tpu.wait_indirect_dma semaphore(%arg11 : memref<!tpu.dma_semaphore, #tpu.memory_space<semaphore_mem>>) src(%dma_wait3A_365 : memref<8196x768xf32, #tpu.memory_space<hbm>>) dst(%arg7 : memref<32x768xf32, #tpu.memory_space<vmem>>)
    %add3A_366 = arith.constant 384 : i32
    %add3A_367 = arith.addi %mul3A_55, %add3A_366 : i32
    %dma_start3A_368 = arith.constant 0 : i32
    %dma_start3A_369 = tpu.memref_slice %arg4[%add3A_367, %dma_start3A_368] : memref<32768x768xf32, #tpu.memory_space<hbm>> -> memref<32x768xf32, #tpu.memory_space<hbm>>
    %dma_start3A_370 = arith.constant 0 : i32
    %dma_start3A_371 = tpu.memref_slice %arg4[%add3A_367, %dma_start3A_370] : memref<32768x768xf32, #tpu.memory_space<hbm>> -> memref<32x768xf32, #tpu.memory_space<hbm>>
    tpu.enqueue_dma source(%arg7 : memref<32x768xf32, #tpu.memory_space<vmem>>) target(%dma_start3A_371 : memref<32x768xf32, #tpu.memory_space<hbm>>) target_semaphore(%arg15 : memref<!tpu.dma_semaphore, #tpu.memory_space<semaphore_mem>>)
    %dma_wait3A_372 = arith.constant 0 : i32
    %dma_wait3A_373 = tpu.memref_slice %arg4[%add3A_343, %dma_wait3A_372] : memref<32768x768xf32, #tpu.memory_space<hbm>> -> memref<32x768xf32, #tpu.memory_space<hbm>>
    %dma_wait3A_374 = arith.constant 0 : i32
    %dma_wait3A_375 = tpu.memref_slice %arg4[%add3A_343, %dma_wait3A_374] : memref<32768x768xf32, #tpu.memory_space<hbm>> -> memref<32x768xf32, #tpu.memory_space<hbm>>
    tpu.wait_dma2 semaphore(%arg18 : memref<!tpu.dma_semaphore, #tpu.memory_space<semaphore_mem>>) src(%arg10 : memref<32x768xf32, #tpu.memory_space<vmem>>) dst(%dma_wait3A_375 : memref<32x768xf32, #tpu.memory_space<hbm>>)
    %dma_start3A_376 = arith.constant 15 : i32
    %dma_start3A_377 = arith.constant 0 : i32
    %dma_start3A_378 = tpu.memref_slice %arg6[%dma_start3A_376, %dma_start3A_377] : memref<32x32xi32, #tpu.memory_space<vmem>> -> memref<1x32xi32, #tpu.memory_space<vmem>>
    %dma_start3A_379 = tpu.memref_squeeze %dma_start3A_378 : memref<1x32xi32, #tpu.memory_space<vmem>> -> memref<32xi32, #tpu.memory_space<vmem>>
    %dma_start3A_380 = arith.constant 0 : i32
    %dma_start3A_381 = arith.constant 0 : i32
    %dma_start3A_382 = tpu.memref_slice %arg3[%dma_start3A_380, %dma_start3A_381] : memref<8196x768xf32, #tpu.memory_space<hbm>> -> memref<8196x768xf32, #tpu.memory_space<hbm>>
    tpu.enqueue_indirect_dma source(%dma_start3A_382 : memref<8196x768xf32, #tpu.memory_space<hbm>>) target(%arg10 : memref<32x768xf32, #tpu.memory_space<vmem>>) offsets(%dma_start3A_379 : memref<32xi32, #tpu.memory_space<vmem>>) semaphore(%arg14 : memref<!tpu.dma_semaphore, #tpu.memory_space<semaphore_mem>>)
    %dma_wait3A_383 = arith.constant 13 : i32
    %dma_wait3A_384 = arith.constant 0 : i32
    %dma_wait3A_385 = tpu.memref_slice %arg6[%dma_wait3A_383, %dma_wait3A_384] : memref<32x32xi32, #tpu.memory_space<vmem>> -> memref<1x32xi32, #tpu.memory_space<vmem>>
    %dma_wait3A_386 = tpu.memref_squeeze %dma_wait3A_385 : memref<1x32xi32, #tpu.memory_space<vmem>> -> memref<32xi32, #tpu.memory_space<vmem>>
    %dma_wait3A_387 = arith.constant 0 : i32
    %dma_wait3A_388 = arith.constant 0 : i32
    %dma_wait3A_389 = tpu.memref_slice %arg3[%dma_wait3A_387, %dma_wait3A_388] : memref<8196x768xf32, #tpu.memory_space<hbm>> -> memref<8196x768xf32, #tpu.memory_space<hbm>>
    tpu.wait_indirect_dma semaphore(%arg12 : memref<!tpu.dma_semaphore, #tpu.memory_space<semaphore_mem>>) src(%dma_wait3A_389 : memref<8196x768xf32, #tpu.memory_space<hbm>>) dst(%arg8 : memref<32x768xf32, #tpu.memory_space<vmem>>)
    %add3A_390 = arith.constant 416 : i32
    %add3A_391 = arith.addi %mul3A_55, %add3A_390 : i32
    %dma_start3A_392 = arith.constant 0 : i32
    %dma_start3A_393 = tpu.memref_slice %arg4[%add3A_391, %dma_start3A_392] : memref<32768x768xf32, #tpu.memory_space<hbm>> -> memref<32x768xf32, #tpu.memory_space<hbm>>
    %dma_start3A_394 = arith.constant 0 : i32
    %dma_start3A_395 = tpu.memref_slice %arg4[%add3A_391, %dma_start3A_394] : memref<32768x768xf32, #tpu.memory_space<hbm>> -> memref<32x768xf32, #tpu.memory_space<hbm>>
    tpu.enqueue_dma source(%arg8 : memref<32x768xf32, #tpu.memory_space<vmem>>) target(%dma_start3A_395 : memref<32x768xf32, #tpu.memory_space<hbm>>) target_semaphore(%arg16 : memref<!tpu.dma_semaphore, #tpu.memory_space<semaphore_mem>>)
    %dma_wait3A_396 = arith.constant 0 : i32
    %dma_wait3A_397 = tpu.memref_slice %arg4[%add3A_367, %dma_wait3A_396] : memref<32768x768xf32, #tpu.memory_space<hbm>> -> memref<32x768xf32, #tpu.memory_space<hbm>>
    %dma_wait3A_398 = arith.constant 0 : i32
    %dma_wait3A_399 = tpu.memref_slice %arg4[%add3A_367, %dma_wait3A_398] : memref<32768x768xf32, #tpu.memory_space<hbm>> -> memref<32x768xf32, #tpu.memory_space<hbm>>
    tpu.wait_dma2 semaphore(%arg15 : memref<!tpu.dma_semaphore, #tpu.memory_space<semaphore_mem>>) src(%arg7 : memref<32x768xf32, #tpu.memory_space<vmem>>) dst(%dma_wait3A_399 : memref<32x768xf32, #tpu.memory_space<hbm>>)
    %dma_start3A_400 = arith.constant 16 : i32
    %dma_start3A_401 = arith.constant 0 : i32
    %dma_start3A_402 = tpu.memref_slice %arg6[%dma_start3A_400, %dma_start3A_401] : memref<32x32xi32, #tpu.memory_space<vmem>> -> memref<1x32xi32, #tpu.memory_space<vmem>>
    %dma_start3A_403 = tpu.memref_squeeze %dma_start3A_402 : memref<1x32xi32, #tpu.memory_space<vmem>> -> memref<32xi32, #tpu.memory_space<vmem>>
    %dma_start3A_404 = arith.constant 0 : i32
    %dma_start3A_405 = arith.constant 0 : i32
    %dma_start3A_406 = tpu.memref_slice %arg3[%dma_start3A_404, %dma_start3A_405] : memref<8196x768xf32, #tpu.memory_space<hbm>> -> memref<8196x768xf32, #tpu.memory_space<hbm>>
    tpu.enqueue_indirect_dma source(%dma_start3A_406 : memref<8196x768xf32, #tpu.memory_space<hbm>>) target(%arg7 : memref<32x768xf32, #tpu.memory_space<vmem>>) offsets(%dma_start3A_403 : memref<32xi32, #tpu.memory_space<vmem>>) semaphore(%arg11 : memref<!tpu.dma_semaphore, #tpu.memory_space<semaphore_mem>>)
    %dma_wait3A_407 = arith.constant 14 : i32
    %dma_wait3A_408 = arith.constant 0 : i32
    %dma_wait3A_409 = tpu.memref_slice %arg6[%dma_wait3A_407, %dma_wait3A_408] : memref<32x32xi32, #tpu.memory_space<vmem>> -> memref<1x32xi32, #tpu.memory_space<vmem>>
    %dma_wait3A_410 = tpu.memref_squeeze %dma_wait3A_409 : memref<1x32xi32, #tpu.memory_space<vmem>> -> memref<32xi32, #tpu.memory_space<vmem>>
    %dma_wait3A_411 = arith.constant 0 : i32
    %dma_wait3A_412 = arith.constant 0 : i32
    %dma_wait3A_413 = tpu.memref_slice %arg3[%dma_wait3A_411, %dma_wait3A_412] : memref<8196x768xf32, #tpu.memory_space<hbm>> -> memref<8196x768xf32, #tpu.memory_space<hbm>>
    tpu.wait_indirect_dma semaphore(%arg13 : memref<!tpu.dma_semaphore, #tpu.memory_space<semaphore_mem>>) src(%dma_wait3A_413 : memref<8196x768xf32, #tpu.memory_space<hbm>>) dst(%arg9 : memref<32x768xf32, #tpu.memory_space<vmem>>)
    %add3A_414 = arith.constant 448 : i32
    %add3A_415 = arith.addi %mul3A_55, %add3A_414 : i32
    %dma_start3A_416 = arith.constant 0 : i32
    %dma_start3A_417 = tpu.memref_slice %arg4[%add3A_415, %dma_start3A_416] : memref<32768x768xf32, #tpu.memory_space<hbm>> -> memref<32x768xf32, #tpu.memory_space<hbm>>
    %dma_start3A_418 = arith.constant 0 : i32
    %dma_start3A_419 = tpu.memref_slice %arg4[%add3A_415, %dma_start3A_418] : memref<32768x768xf32, #tpu.memory_space<hbm>> -> memref<32x768xf32, #tpu.memory_space<hbm>>
    tpu.enqueue_dma source(%arg9 : memref<32x768xf32, #tpu.memory_space<vmem>>) target(%dma_start3A_419 : memref<32x768xf32, #tpu.memory_space<hbm>>) target_semaphore(%arg17 : memref<!tpu.dma_semaphore, #tpu.memory_space<semaphore_mem>>)
    %dma_wait3A_420 = arith.constant 0 : i32
    %dma_wait3A_421 = tpu.memref_slice %arg4[%add3A_391, %dma_wait3A_420] : memref<32768x768xf32, #tpu.memory_space<hbm>> -> memref<32x768xf32, #tpu.memory_space<hbm>>
    %dma_wait3A_422 = arith.constant 0 : i32
    %dma_wait3A_423 = tpu.memref_slice %arg4[%add3A_391, %dma_wait3A_422] : memref<32768x768xf32, #tpu.memory_space<hbm>> -> memref<32x768xf32, #tpu.memory_space<hbm>>
    tpu.wait_dma2 semaphore(%arg16 : memref<!tpu.dma_semaphore, #tpu.memory_space<semaphore_mem>>) src(%arg8 : memref<32x768xf32, #tpu.memory_space<vmem>>) dst(%dma_wait3A_423 : memref<32x768xf32, #tpu.memory_space<hbm>>)
    %dma_start3A_424 = arith.constant 17 : i32
    %dma_start3A_425 = arith.constant 0 : i32
    %dma_start3A_426 = tpu.memref_slice %arg6[%dma_start3A_424, %dma_start3A_425] : memref<32x32xi32, #tpu.memory_space<vmem>> -> memref<1x32xi32, #tpu.memory_space<vmem>>
    %dma_start3A_427 = tpu.memref_squeeze %dma_start3A_426 : memref<1x32xi32, #tpu.memory_space<vmem>> -> memref<32xi32, #tpu.memory_space<vmem>>
    %dma_start3A_428 = arith.constant 0 : i32
    %dma_start3A_429 = arith.constant 0 : i32
    %dma_start3A_430 = tpu.memref_slice %arg3[%dma_start3A_428, %dma_start3A_429] : memref<8196x768xf32, #tpu.memory_space<hbm>> -> memref<8196x768xf32, #tpu.memory_space<hbm>>
    tpu.enqueue_indirect_dma source(%dma_start3A_430 : memref<8196x768xf32, #tpu.memory_space<hbm>>) target(%arg8 : memref<32x768xf32, #tpu.memory_space<vmem>>) offsets(%dma_start3A_427 : memref<32xi32, #tpu.memory_space<vmem>>) semaphore(%arg12 : memref<!tpu.dma_semaphore, #tpu.memory_space<semaphore_mem>>)
    %dma_wait3A_431 = arith.constant 15 : i32
    %dma_wait3A_432 = arith.constant 0 : i32
    %dma_wait3A_433 = tpu.memref_slice %arg6[%dma_wait3A_431, %dma_wait3A_432] : memref<32x32xi32, #tpu.memory_space<vmem>> -> memref<1x32xi32, #tpu.memory_space<vmem>>
    %dma_wait3A_434 = tpu.memref_squeeze %dma_wait3A_433 : memref<1x32xi32, #tpu.memory_space<vmem>> -> memref<32xi32, #tpu.memory_space<vmem>>
    %dma_wait3A_435 = arith.constant 0 : i32
    %dma_wait3A_436 = arith.constant 0 : i32
    %dma_wait3A_437 = tpu.memref_slice %arg3[%dma_wait3A_435, %dma_wait3A_436] : memref<8196x768xf32, #tpu.memory_space<hbm>> -> memref<8196x768xf32, #tpu.memory_space<hbm>>
    tpu.wait_indirect_dma semaphore(%arg14 : memref<!tpu.dma_semaphore, #tpu.memory_space<semaphore_mem>>) src(%dma_wait3A_437 : memref<8196x768xf32, #tpu.memory_space<hbm>>) dst(%arg10 : memref<32x768xf32, #tpu.memory_space<vmem>>)
    %add3A_438 = arith.constant 480 : i32
    %add3A_439 = arith.addi %mul3A_55, %add3A_438 : i32
    %dma_start3A_440 = arith.constant 0 : i32
    %dma_start3A_441 = tpu.memref_slice %arg4[%add3A_439, %dma_start3A_440] : memref<32768x768xf32, #tpu.memory_space<hbm>> -> memref<32x768xf32, #tpu.memory_space<hbm>>
    %dma_start3A_442 = arith.constant 0 : i32
    %dma_start3A_443 = tpu.memref_slice %arg4[%add3A_439, %dma_start3A_442] : memref<32768x768xf32, #tpu.memory_space<hbm>> -> memref<32x768xf32, #tpu.memory_space<hbm>>
    tpu.enqueue_dma source(%arg10 : memref<32x768xf32, #tpu.memory_space<vmem>>) target(%dma_start3A_443 : memref<32x768xf32, #tpu.memory_space<hbm>>) target_semaphore(%arg18 : memref<!tpu.dma_semaphore, #tpu.memory_space<semaphore_mem>>)
    %dma_wait3A_444 = arith.constant 0 : i32
    %dma_wait3A_445 = tpu.memref_slice %arg4[%add3A_415, %dma_wait3A_444] : memref<32768x768xf32, #tpu.memory_space<hbm>> -> memref<32x768xf32, #tpu.memory_space<hbm>>
    %dma_wait3A_446 = arith.constant 0 : i32
    %dma_wait3A_447 = tpu.memref_slice %arg4[%add3A_415, %dma_wait3A_446] : memref<32768x768xf32, #tpu.memory_space<hbm>> -> memref<32x768xf32, #tpu.memory_space<hbm>>
    tpu.wait_dma2 semaphore(%arg17 : memref<!tpu.dma_semaphore, #tpu.memory_space<semaphore_mem>>) src(%arg9 : memref<32x768xf32, #tpu.memory_space<vmem>>) dst(%dma_wait3A_447 : memref<32x768xf32, #tpu.memory_space<hbm>>)
    %dma_start3A_448 = arith.constant 18 : i32
    %dma_start3A_449 = arith.constant 0 : i32
    %dma_start3A_450 = tpu.memref_slice %arg6[%dma_start3A_448, %dma_start3A_449] : memref<32x32xi32, #tpu.memory_space<vmem>> -> memref<1x32xi32, #tpu.memory_space<vmem>>
    %dma_start3A_451 = tpu.memref_squeeze %dma_start3A_450 : memref<1x32xi32, #tpu.memory_space<vmem>> -> memref<32xi32, #tpu.memory_space<vmem>>
    %dma_start3A_452 = arith.constant 0 : i32
    %dma_start3A_453 = arith.constant 0 : i32
    %dma_start3A_454 = tpu.memref_slice %arg3[%dma_start3A_452, %dma_start3A_453] : memref<8196x768xf32, #tpu.memory_space<hbm>> -> memref<8196x768xf32, #tpu.memory_space<hbm>>
    tpu.enqueue_indirect_dma source(%dma_start3A_454 : memref<8196x768xf32, #tpu.memory_space<hbm>>) target(%arg9 : memref<32x768xf32, #tpu.memory_space<vmem>>) offsets(%dma_start3A_451 : memref<32xi32, #tpu.memory_space<vmem>>) semaphore(%arg13 : memref<!tpu.dma_semaphore, #tpu.memory_space<semaphore_mem>>)
    %dma_wait3A_455 = arith.constant 16 : i32
    %dma_wait3A_456 = arith.constant 0 : i32
    %dma_wait3A_457 = tpu.memref_slice %arg6[%dma_wait3A_455, %dma_wait3A_456] : memref<32x32xi32, #tpu.memory_space<vmem>> -> memref<1x32xi32, #tpu.memory_space<vmem>>
    %dma_wait3A_458 = tpu.memref_squeeze %dma_wait3A_457 : memref<1x32xi32, #tpu.memory_space<vmem>> -> memref<32xi32, #tpu.memory_space<vmem>>
    %dma_wait3A_459 = arith.constant 0 : i32
    %dma_wait3A_460 = arith.constant 0 : i32
    %dma_wait3A_461 = tpu.memref_slice %arg3[%dma_wait3A_459, %dma_wait3A_460] : memref<8196x768xf32, #tpu.memory_space<hbm>> -> memref<8196x768xf32, #tpu.memory_space<hbm>>
    tpu.wait_indirect_dma semaphore(%arg11 : memref<!tpu.dma_semaphore, #tpu.memory_space<semaphore_mem>>) src(%dma_wait3A_461 : memref<8196x768xf32, #tpu.memory_space<hbm>>) dst(%arg7 : memref<32x768xf32, #tpu.memory_space<vmem>>)
    %add3A_462 = arith.constant 512 : i32
    %add3A_463 = arith.addi %mul3A_55, %add3A_462 : i32
    %dma_start3A_464 = arith.constant 0 : i32
    %dma_start3A_465 = tpu.memref_slice %arg4[%add3A_463, %dma_start3A_464] : memref<32768x768xf32, #tpu.memory_space<hbm>> -> memref<32x768xf32, #tpu.memory_space<hbm>>
    %dma_start3A_466 = arith.constant 0 : i32
    %dma_start3A_467 = tpu.memref_slice %arg4[%add3A_463, %dma_start3A_466] : memref<32768x768xf32, #tpu.memory_space<hbm>> -> memref<32x768xf32, #tpu.memory_space<hbm>>
    tpu.enqueue_dma source(%arg7 : memref<32x768xf32, #tpu.memory_space<vmem>>) target(%dma_start3A_467 : memref<32x768xf32, #tpu.memory_space<hbm>>) target_semaphore(%arg15 : memref<!tpu.dma_semaphore, #tpu.memory_space<semaphore_mem>>)
    %dma_wait3A_468 = arith.constant 0 : i32
    %dma_wait3A_469 = tpu.memref_slice %arg4[%add3A_439, %dma_wait3A_468] : memref<32768x768xf32, #tpu.memory_space<hbm>> -> memref<32x768xf32, #tpu.memory_space<hbm>>
    %dma_wait3A_470 = arith.constant 0 : i32
    %dma_wait3A_471 = tpu.memref_slice %arg4[%add3A_439, %dma_wait3A_470] : memref<32768x768xf32, #tpu.memory_space<hbm>> -> memref<32x768xf32, #tpu.memory_space<hbm>>
    tpu.wait_dma2 semaphore(%arg18 : memref<!tpu.dma_semaphore, #tpu.memory_space<semaphore_mem>>) src(%arg10 : memref<32x768xf32, #tpu.memory_space<vmem>>) dst(%dma_wait3A_471 : memref<32x768xf32, #tpu.memory_space<hbm>>)
    %dma_start3A_472 = arith.constant 19 : i32
    %dma_start3A_473 = arith.constant 0 : i32
    %dma_start3A_474 = tpu.memref_slice %arg6[%dma_start3A_472, %dma_start3A_473] : memref<32x32xi32, #tpu.memory_space<vmem>> -> memref<1x32xi32, #tpu.memory_space<vmem>>
    %dma_start3A_475 = tpu.memref_squeeze %dma_start3A_474 : memref<1x32xi32, #tpu.memory_space<vmem>> -> memref<32xi32, #tpu.memory_space<vmem>>
    %dma_start3A_476 = arith.constant 0 : i32
    %dma_start3A_477 = arith.constant 0 : i32
    %dma_start3A_478 = tpu.memref_slice %arg3[%dma_start3A_476, %dma_start3A_477] : memref<8196x768xf32, #tpu.memory_space<hbm>> -> memref<8196x768xf32, #tpu.memory_space<hbm>>
    tpu.enqueue_indirect_dma source(%dma_start3A_478 : memref<8196x768xf32, #tpu.memory_space<hbm>>) target(%arg10 : memref<32x768xf32, #tpu.memory_space<vmem>>) offsets(%dma_start3A_475 : memref<32xi32, #tpu.memory_space<vmem>>) semaphore(%arg14 : memref<!tpu.dma_semaphore, #tpu.memory_space<semaphore_mem>>)
    %dma_wait3A_479 = arith.constant 17 : i32
    %dma_wait3A_480 = arith.constant 0 : i32
    %dma_wait3A_481 = tpu.memref_slice %arg6[%dma_wait3A_479, %dma_wait3A_480] : memref<32x32xi32, #tpu.memory_space<vmem>> -> memref<1x32xi32, #tpu.memory_space<vmem>>
    %dma_wait3A_482 = tpu.memref_squeeze %dma_wait3A_481 : memref<1x32xi32, #tpu.memory_space<vmem>> -> memref<32xi32, #tpu.memory_space<vmem>>
    %dma_wait3A_483 = arith.constant 0 : i32
    %dma_wait3A_484 = arith.constant 0 : i32
    %dma_wait3A_485 = tpu.memref_slice %arg3[%dma_wait3A_483, %dma_wait3A_484] : memref<8196x768xf32, #tpu.memory_space<hbm>> -> memref<8196x768xf32, #tpu.memory_space<hbm>>
    tpu.wait_indirect_dma semaphore(%arg12 : memref<!tpu.dma_semaphore, #tpu.memory_space<semaphore_mem>>) src(%dma_wait3A_485 : memref<8196x768xf32, #tpu.memory_space<hbm>>) dst(%arg8 : memref<32x768xf32, #tpu.memory_space<vmem>>)
    %add3A_486 = arith.constant 544 : i32
    %add3A_487 = arith.addi %mul3A_55, %add3A_486 : i32
    %dma_start3A_488 = arith.constant 0 : i32
    %dma_start3A_489 = tpu.memref_slice %arg4[%add3A_487, %dma_start3A_488] : memref<32768x768xf32, #tpu.memory_space<hbm>> -> memref<32x768xf32, #tpu.memory_space<hbm>>
    %dma_start3A_490 = arith.constant 0 : i32
    %dma_start3A_491 = tpu.memref_slice %arg4[%add3A_487, %dma_start3A_490] : memref<32768x768xf32, #tpu.memory_space<hbm>> -> memref<32x768xf32, #tpu.memory_space<hbm>>
    tpu.enqueue_dma source(%arg8 : memref<32x768xf32, #tpu.memory_space<vmem>>) target(%dma_start3A_491 : memref<32x768xf32, #tpu.memory_space<hbm>>) target_semaphore(%arg16 : memref<!tpu.dma_semaphore, #tpu.memory_space<semaphore_mem>>)
    %dma_wait3A_492 = arith.constant 0 : i32
    %dma_wait3A_493 = tpu.memref_slice %arg4[%add3A_463, %dma_wait3A_492] : memref<32768x768xf32, #tpu.memory_space<hbm>> -> memref<32x768xf32, #tpu.memory_space<hbm>>
    %dma_wait3A_494 = arith.constant 0 : i32
    %dma_wait3A_495 = tpu.memref_slice %arg4[%add3A_463, %dma_wait3A_494] : memref<32768x768xf32, #tpu.memory_space<hbm>> -> memref<32x768xf32, #tpu.memory_space<hbm>>
    tpu.wait_dma2 semaphore(%arg15 : memref<!tpu.dma_semaphore, #tpu.memory_space<semaphore_mem>>) src(%arg7 : memref<32x768xf32, #tpu.memory_space<vmem>>) dst(%dma_wait3A_495 : memref<32x768xf32, #tpu.memory_space<hbm>>)
    %dma_start3A_496 = arith.constant 20 : i32
    %dma_start3A_497 = arith.constant 0 : i32
    %dma_start3A_498 = tpu.memref_slice %arg6[%dma_start3A_496, %dma_start3A_497] : memref<32x32xi32, #tpu.memory_space<vmem>> -> memref<1x32xi32, #tpu.memory_space<vmem>>
    %dma_start3A_499 = tpu.memref_squeeze %dma_start3A_498 : memref<1x32xi32, #tpu.memory_space<vmem>> -> memref<32xi32, #tpu.memory_space<vmem>>
    %dma_start3A_500 = arith.constant 0 : i32
    %dma_start3A_501 = arith.constant 0 : i32
    %dma_start3A_502 = tpu.memref_slice %arg3[%dma_start3A_500, %dma_start3A_501] : memref<8196x768xf32, #tpu.memory_space<hbm>> -> memref<8196x768xf32, #tpu.memory_space<hbm>>
    tpu.enqueue_indirect_dma source(%dma_start3A_502 : memref<8196x768xf32, #tpu.memory_space<hbm>>) target(%arg7 : memref<32x768xf32, #tpu.memory_space<vmem>>) offsets(%dma_start3A_499 : memref<32xi32, #tpu.memory_space<vmem>>) semaphore(%arg11 : memref<!tpu.dma_semaphore, #tpu.memory_space<semaphore_mem>>)
    %dma_wait3A_503 = arith.constant 18 : i32
    %dma_wait3A_504 = arith.constant 0 : i32
    %dma_wait3A_505 = tpu.memref_slice %arg6[%dma_wait3A_503, %dma_wait3A_504] : memref<32x32xi32, #tpu.memory_space<vmem>> -> memref<1x32xi32, #tpu.memory_space<vmem>>
    %dma_wait3A_506 = tpu.memref_squeeze %dma_wait3A_505 : memref<1x32xi32, #tpu.memory_space<vmem>> -> memref<32xi32, #tpu.memory_space<vmem>>
    %dma_wait3A_507 = arith.constant 0 : i32
    %dma_wait3A_508 = arith.constant 0 : i32
    %dma_wait3A_509 = tpu.memref_slice %arg3[%dma_wait3A_507, %dma_wait3A_508] : memref<8196x768xf32, #tpu.memory_space<hbm>> -> memref<8196x768xf32, #tpu.memory_space<hbm>>
    tpu.wait_indirect_dma semaphore(%arg13 : memref<!tpu.dma_semaphore, #tpu.memory_space<semaphore_mem>>) src(%dma_wait3A_509 : memref<8196x768xf32, #tpu.memory_space<hbm>>) dst(%arg9 : memref<32x768xf32, #tpu.memory_space<vmem>>)
    %add3A_510 = arith.constant 576 : i32
    %add3A_511 = arith.addi %mul3A_55, %add3A_510 : i32
    %dma_start3A_512 = arith.constant 0 : i32
    %dma_start3A_513 = tpu.memref_slice %arg4[%add3A_511, %dma_start3A_512] : memref<32768x768xf32, #tpu.memory_space<hbm>> -> memref<32x768xf32, #tpu.memory_space<hbm>>
    %dma_start3A_514 = arith.constant 0 : i32
    %dma_start3A_515 = tpu.memref_slice %arg4[%add3A_511, %dma_start3A_514] : memref<32768x768xf32, #tpu.memory_space<hbm>> -> memref<32x768xf32, #tpu.memory_space<hbm>>
    tpu.enqueue_dma source(%arg9 : memref<32x768xf32, #tpu.memory_space<vmem>>) target(%dma_start3A_515 : memref<32x768xf32, #tpu.memory_space<hbm>>) target_semaphore(%arg17 : memref<!tpu.dma_semaphore, #tpu.memory_space<semaphore_mem>>)
    %dma_wait3A_516 = arith.constant 0 : i32
    %dma_wait3A_517 = tpu.memref_slice %arg4[%add3A_487, %dma_wait3A_516] : memref<32768x768xf32, #tpu.memory_space<hbm>> -> memref<32x768xf32, #tpu.memory_space<hbm>>
    %dma_wait3A_518 = arith.constant 0 : i32
    %dma_wait3A_519 = tpu.memref_slice %arg4[%add3A_487, %dma_wait3A_518] : memref<32768x768xf32, #tpu.memory_space<hbm>> -> memref<32x768xf32, #tpu.memory_space<hbm>>
    tpu.wait_dma2 semaphore(%arg16 : memref<!tpu.dma_semaphore, #tpu.memory_space<semaphore_mem>>) src(%arg8 : memref<32x768xf32, #tpu.memory_space<vmem>>) dst(%dma_wait3A_519 : memref<32x768xf32, #tpu.memory_space<hbm>>)
    %dma_start3A_520 = arith.constant 21 : i32
    %dma_start3A_521 = arith.constant 0 : i32
    %dma_start3A_522 = tpu.memref_slice %arg6[%dma_start3A_520, %dma_start3A_521] : memref<32x32xi32, #tpu.memory_space<vmem>> -> memref<1x32xi32, #tpu.memory_space<vmem>>
    %dma_start3A_523 = tpu.memref_squeeze %dma_start3A_522 : memref<1x32xi32, #tpu.memory_space<vmem>> -> memref<32xi32, #tpu.memory_space<vmem>>
    %dma_start3A_524 = arith.constant 0 : i32
    %dma_start3A_525 = arith.constant 0 : i32
    %dma_start3A_526 = tpu.memref_slice %arg3[%dma_start3A_524, %dma_start3A_525] : memref<8196x768xf32, #tpu.memory_space<hbm>> -> memref<8196x768xf32, #tpu.memory_space<hbm>>
    tpu.enqueue_indirect_dma source(%dma_start3A_526 : memref<8196x768xf32, #tpu.memory_space<hbm>>) target(%arg8 : memref<32x768xf32, #tpu.memory_space<vmem>>) offsets(%dma_start3A_523 : memref<32xi32, #tpu.memory_space<vmem>>) semaphore(%arg12 : memref<!tpu.dma_semaphore, #tpu.memory_space<semaphore_mem>>)
    %dma_wait3A_527 = arith.constant 19 : i32
    %dma_wait3A_528 = arith.constant 0 : i32
    %dma_wait3A_529 = tpu.memref_slice %arg6[%dma_wait3A_527, %dma_wait3A_528] : memref<32x32xi32, #tpu.memory_space<vmem>> -> memref<1x32xi32, #tpu.memory_space<vmem>>
    %dma_wait3A_530 = tpu.memref_squeeze %dma_wait3A_529 : memref<1x32xi32, #tpu.memory_space<vmem>> -> memref<32xi32, #tpu.memory_space<vmem>>
    %dma_wait3A_531 = arith.constant 0 : i32
    %dma_wait3A_532 = arith.constant 0 : i32
    %dma_wait3A_533 = tpu.memref_slice %arg3[%dma_wait3A_531, %dma_wait3A_532] : memref<8196x768xf32, #tpu.memory_space<hbm>> -> memref<8196x768xf32, #tpu.memory_space<hbm>>
    tpu.wait_indirect_dma semaphore(%arg14 : memref<!tpu.dma_semaphore, #tpu.memory_space<semaphore_mem>>) src(%dma_wait3A_533 : memref<8196x768xf32, #tpu.memory_space<hbm>>) dst(%arg10 : memref<32x768xf32, #tpu.memory_space<vmem>>)
    %add3A_534 = arith.constant 608 : i32
    %add3A_535 = arith.addi %mul3A_55, %add3A_534 : i32
    %dma_start3A_536 = arith.constant 0 : i32
    %dma_start3A_537 = tpu.memref_slice %arg4[%add3A_535, %dma_start3A_536] : memref<32768x768xf32, #tpu.memory_space<hbm>> -> memref<32x768xf32, #tpu.memory_space<hbm>>
    %dma_start3A_538 = arith.constant 0 : i32
    %dma_start3A_539 = tpu.memref_slice %arg4[%add3A_535, %dma_start3A_538] : memref<32768x768xf32, #tpu.memory_space<hbm>> -> memref<32x768xf32, #tpu.memory_space<hbm>>
    tpu.enqueue_dma source(%arg10 : memref<32x768xf32, #tpu.memory_space<vmem>>) target(%dma_start3A_539 : memref<32x768xf32, #tpu.memory_space<hbm>>) target_semaphore(%arg18 : memref<!tpu.dma_semaphore, #tpu.memory_space<semaphore_mem>>)
    %dma_wait3A_540 = arith.constant 0 : i32
    %dma_wait3A_541 = tpu.memref_slice %arg4[%add3A_511, %dma_wait3A_540] : memref<32768x768xf32, #tpu.memory_space<hbm>> -> memref<32x768xf32, #tpu.memory_space<hbm>>
    %dma_wait3A_542 = arith.constant 0 : i32
    %dma_wait3A_543 = tpu.memref_slice %arg4[%add3A_511, %dma_wait3A_542] : memref<32768x768xf32, #tpu.memory_space<hbm>> -> memref<32x768xf32, #tpu.memory_space<hbm>>
    tpu.wait_dma2 semaphore(%arg17 : memref<!tpu.dma_semaphore, #tpu.memory_space<semaphore_mem>>) src(%arg9 : memref<32x768xf32, #tpu.memory_space<vmem>>) dst(%dma_wait3A_543 : memref<32x768xf32, #tpu.memory_space<hbm>>)
    %dma_start3A_544 = arith.constant 22 : i32
    %dma_start3A_545 = arith.constant 0 : i32
    %dma_start3A_546 = tpu.memref_slice %arg6[%dma_start3A_544, %dma_start3A_545] : memref<32x32xi32, #tpu.memory_space<vmem>> -> memref<1x32xi32, #tpu.memory_space<vmem>>
    %dma_start3A_547 = tpu.memref_squeeze %dma_start3A_546 : memref<1x32xi32, #tpu.memory_space<vmem>> -> memref<32xi32, #tpu.memory_space<vmem>>
    %dma_start3A_548 = arith.constant 0 : i32
    %dma_start3A_549 = arith.constant 0 : i32
    %dma_start3A_550 = tpu.memref_slice %arg3[%dma_start3A_548, %dma_start3A_549] : memref<8196x768xf32, #tpu.memory_space<hbm>> -> memref<8196x768xf32, #tpu.memory_space<hbm>>
    tpu.enqueue_indirect_dma source(%dma_start3A_550 : memref<8196x768xf32, #tpu.memory_space<hbm>>) target(%arg9 : memref<32x768xf32, #tpu.memory_space<vmem>>) offsets(%dma_start3A_547 : memref<32xi32, #tpu.memory_space<vmem>>) semaphore(%arg13 : memref<!tpu.dma_semaphore, #tpu.memory_space<semaphore_mem>>)
    %dma_wait3A_551 = arith.constant 20 : i32
    %dma_wait3A_552 = arith.constant 0 : i32
    %dma_wait3A_553 = tpu.memref_slice %arg6[%dma_wait3A_551, %dma_wait3A_552] : memref<32x32xi32, #tpu.memory_space<vmem>> -> memref<1x32xi32, #tpu.memory_space<vmem>>
    %dma_wait3A_554 = tpu.memref_squeeze %dma_wait3A_553 : memref<1x32xi32, #tpu.memory_space<vmem>> -> memref<32xi32, #tpu.memory_space<vmem>>
    %dma_wait3A_555 = arith.constant 0 : i32
    %dma_wait3A_556 = arith.constant 0 : i32
    %dma_wait3A_557 = tpu.memref_slice %arg3[%dma_wait3A_555, %dma_wait3A_556] : memref<8196x768xf32, #tpu.memory_space<hbm>> -> memref<8196x768xf32, #tpu.memory_space<hbm>>
    tpu.wait_indirect_dma semaphore(%arg11 : memref<!tpu.dma_semaphore, #tpu.memory_space<semaphore_mem>>) src(%dma_wait3A_557 : memref<8196x768xf32, #tpu.memory_space<hbm>>) dst(%arg7 : memref<32x768xf32, #tpu.memory_space<vmem>>)
    %add3A_558 = arith.constant 640 : i32
    %add3A_559 = arith.addi %mul3A_55, %add3A_558 : i32
    %dma_start3A_560 = arith.constant 0 : i32
    %dma_start3A_561 = tpu.memref_slice %arg4[%add3A_559, %dma_start3A_560] : memref<32768x768xf32, #tpu.memory_space<hbm>> -> memref<32x768xf32, #tpu.memory_space<hbm>>
    %dma_start3A_562 = arith.constant 0 : i32
    %dma_start3A_563 = tpu.memref_slice %arg4[%add3A_559, %dma_start3A_562] : memref<32768x768xf32, #tpu.memory_space<hbm>> -> memref<32x768xf32, #tpu.memory_space<hbm>>
    tpu.enqueue_dma source(%arg7 : memref<32x768xf32, #tpu.memory_space<vmem>>) target(%dma_start3A_563 : memref<32x768xf32, #tpu.memory_space<hbm>>) target_semaphore(%arg15 : memref<!tpu.dma_semaphore, #tpu.memory_space<semaphore_mem>>)
    %dma_wait3A_564 = arith.constant 0 : i32
    %dma_wait3A_565 = tpu.memref_slice %arg4[%add3A_535, %dma_wait3A_564] : memref<32768x768xf32, #tpu.memory_space<hbm>> -> memref<32x768xf32, #tpu.memory_space<hbm>>
    %dma_wait3A_566 = arith.constant 0 : i32
    %dma_wait3A_567 = tpu.memref_slice %arg4[%add3A_535, %dma_wait3A_566] : memref<32768x768xf32, #tpu.memory_space<hbm>> -> memref<32x768xf32, #tpu.memory_space<hbm>>
    tpu.wait_dma2 semaphore(%arg18 : memref<!tpu.dma_semaphore, #tpu.memory_space<semaphore_mem>>) src(%arg10 : memref<32x768xf32, #tpu.memory_space<vmem>>) dst(%dma_wait3A_567 : memref<32x768xf32, #tpu.memory_space<hbm>>)
    %dma_start3A_568 = arith.constant 23 : i32
    %dma_start3A_569 = arith.constant 0 : i32
    %dma_start3A_570 = tpu.memref_slice %arg6[%dma_start3A_568, %dma_start3A_569] : memref<32x32xi32, #tpu.memory_space<vmem>> -> memref<1x32xi32, #tpu.memory_space<vmem>>
    %dma_start3A_571 = tpu.memref_squeeze %dma_start3A_570 : memref<1x32xi32, #tpu.memory_space<vmem>> -> memref<32xi32, #tpu.memory_space<vmem>>
    %dma_start3A_572 = arith.constant 0 : i32
    %dma_start3A_573 = arith.constant 0 : i32
    %dma_start3A_574 = tpu.memref_slice %arg3[%dma_start3A_572, %dma_start3A_573] : memref<8196x768xf32, #tpu.memory_space<hbm>> -> memref<8196x768xf32, #tpu.memory_space<hbm>>
    tpu.enqueue_indirect_dma source(%dma_start3A_574 : memref<8196x768xf32, #tpu.memory_space<hbm>>) target(%arg10 : memref<32x768xf32, #tpu.memory_space<vmem>>) offsets(%dma_start3A_571 : memref<32xi32, #tpu.memory_space<vmem>>) semaphore(%arg14 : memref<!tpu.dma_semaphore, #tpu.memory_space<semaphore_mem>>)
    %dma_wait3A_575 = arith.constant 21 : i32
    %dma_wait3A_576 = arith.constant 0 : i32
    %dma_wait3A_577 = tpu.memref_slice %arg6[%dma_wait3A_575, %dma_wait3A_576] : memref<32x32xi32, #tpu.memory_space<vmem>> -> memref<1x32xi32, #tpu.memory_space<vmem>>
    %dma_wait3A_578 = tpu.memref_squeeze %dma_wait3A_577 : memref<1x32xi32, #tpu.memory_space<vmem>> -> memref<32xi32, #tpu.memory_space<vmem>>
    %dma_wait3A_579 = arith.constant 0 : i32
    %dma_wait3A_580 = arith.constant 0 : i32
    %dma_wait3A_581 = tpu.memref_slice %arg3[%dma_wait3A_579, %dma_wait3A_580] : memref<8196x768xf32, #tpu.memory_space<hbm>> -> memref<8196x768xf32, #tpu.memory_space<hbm>>
    tpu.wait_indirect_dma semaphore(%arg12 : memref<!tpu.dma_semaphore, #tpu.memory_space<semaphore_mem>>) src(%dma_wait3A_581 : memref<8196x768xf32, #tpu.memory_space<hbm>>) dst(%arg8 : memref<32x768xf32, #tpu.memory_space<vmem>>)
    %add3A_582 = arith.constant 672 : i32
    %add3A_583 = arith.addi %mul3A_55, %add3A_582 : i32
    %dma_start3A_584 = arith.constant 0 : i32
    %dma_start3A_585 = tpu.memref_slice %arg4[%add3A_583, %dma_start3A_584] : memref<32768x768xf32, #tpu.memory_space<hbm>> -> memref<32x768xf32, #tpu.memory_space<hbm>>
    %dma_start3A_586 = arith.constant 0 : i32
    %dma_start3A_587 = tpu.memref_slice %arg4[%add3A_583, %dma_start3A_586] : memref<32768x768xf32, #tpu.memory_space<hbm>> -> memref<32x768xf32, #tpu.memory_space<hbm>>
    tpu.enqueue_dma source(%arg8 : memref<32x768xf32, #tpu.memory_space<vmem>>) target(%dma_start3A_587 : memref<32x768xf32, #tpu.memory_space<hbm>>) target_semaphore(%arg16 : memref<!tpu.dma_semaphore, #tpu.memory_space<semaphore_mem>>)
    %dma_wait3A_588 = arith.constant 0 : i32
    %dma_wait3A_589 = tpu.memref_slice %arg4[%add3A_559, %dma_wait3A_588] : memref<32768x768xf32, #tpu.memory_space<hbm>> -> memref<32x768xf32, #tpu.memory_space<hbm>>
    %dma_wait3A_590 = arith.constant 0 : i32
    %dma_wait3A_591 = tpu.memref_slice %arg4[%add3A_559, %dma_wait3A_590] : memref<32768x768xf32, #tpu.memory_space<hbm>> -> memref<32x768xf32, #tpu.memory_space<hbm>>
    tpu.wait_dma2 semaphore(%arg15 : memref<!tpu.dma_semaphore, #tpu.memory_space<semaphore_mem>>) src(%arg7 : memref<32x768xf32, #tpu.memory_space<vmem>>) dst(%dma_wait3A_591 : memref<32x768xf32, #tpu.memory_space<hbm>>)
    %dma_start3A_592 = arith.constant 24 : i32
    %dma_start3A_593 = arith.constant 0 : i32
    %dma_start3A_594 = tpu.memref_slice %arg6[%dma_start3A_592, %dma_start3A_593] : memref<32x32xi32, #tpu.memory_space<vmem>> -> memref<1x32xi32, #tpu.memory_space<vmem>>
    %dma_start3A_595 = tpu.memref_squeeze %dma_start3A_594 : memref<1x32xi32, #tpu.memory_space<vmem>> -> memref<32xi32, #tpu.memory_space<vmem>>
    %dma_start3A_596 = arith.constant 0 : i32
    %dma_start3A_597 = arith.constant 0 : i32
    %dma_start3A_598 = tpu.memref_slice %arg3[%dma_start3A_596, %dma_start3A_597] : memref<8196x768xf32, #tpu.memory_space<hbm>> -> memref<8196x768xf32, #tpu.memory_space<hbm>>
    tpu.enqueue_indirect_dma source(%dma_start3A_598 : memref<8196x768xf32, #tpu.memory_space<hbm>>) target(%arg7 : memref<32x768xf32, #tpu.memory_space<vmem>>) offsets(%dma_start3A_595 : memref<32xi32, #tpu.memory_space<vmem>>) semaphore(%arg11 : memref<!tpu.dma_semaphore, #tpu.memory_space<semaphore_mem>>)
    %dma_wait3A_599 = arith.constant 22 : i32
    %dma_wait3A_600 = arith.constant 0 : i32
    %dma_wait3A_601 = tpu.memref_slice %arg6[%dma_wait3A_599, %dma_wait3A_600] : memref<32x32xi32, #tpu.memory_space<vmem>> -> memref<1x32xi32, #tpu.memory_space<vmem>>
    %dma_wait3A_602 = tpu.memref_squeeze %dma_wait3A_601 : memref<1x32xi32, #tpu.memory_space<vmem>> -> memref<32xi32, #tpu.memory_space<vmem>>
    %dma_wait3A_603 = arith.constant 0 : i32
    %dma_wait3A_604 = arith.constant 0 : i32
    %dma_wait3A_605 = tpu.memref_slice %arg3[%dma_wait3A_603, %dma_wait3A_604] : memref<8196x768xf32, #tpu.memory_space<hbm>> -> memref<8196x768xf32, #tpu.memory_space<hbm>>
    tpu.wait_indirect_dma semaphore(%arg13 : memref<!tpu.dma_semaphore, #tpu.memory_space<semaphore_mem>>) src(%dma_wait3A_605 : memref<8196x768xf32, #tpu.memory_space<hbm>>) dst(%arg9 : memref<32x768xf32, #tpu.memory_space<vmem>>)
    %add3A_606 = arith.constant 704 : i32
    %add3A_607 = arith.addi %mul3A_55, %add3A_606 : i32
    %dma_start3A_608 = arith.constant 0 : i32
    %dma_start3A_609 = tpu.memref_slice %arg4[%add3A_607, %dma_start3A_608] : memref<32768x768xf32, #tpu.memory_space<hbm>> -> memref<32x768xf32, #tpu.memory_space<hbm>>
    %dma_start3A_610 = arith.constant 0 : i32
    %dma_start3A_611 = tpu.memref_slice %arg4[%add3A_607, %dma_start3A_610] : memref<32768x768xf32, #tpu.memory_space<hbm>> -> memref<32x768xf32, #tpu.memory_space<hbm>>
    tpu.enqueue_dma source(%arg9 : memref<32x768xf32, #tpu.memory_space<vmem>>) target(%dma_start3A_611 : memref<32x768xf32, #tpu.memory_space<hbm>>) target_semaphore(%arg17 : memref<!tpu.dma_semaphore, #tpu.memory_space<semaphore_mem>>)
    %dma_wait3A_612 = arith.constant 0 : i32
    %dma_wait3A_613 = tpu.memref_slice %arg4[%add3A_583, %dma_wait3A_612] : memref<32768x768xf32, #tpu.memory_space<hbm>> -> memref<32x768xf32, #tpu.memory_space<hbm>>
    %dma_wait3A_614 = arith.constant 0 : i32
    %dma_wait3A_615 = tpu.memref_slice %arg4[%add3A_583, %dma_wait3A_614] : memref<32768x768xf32, #tpu.memory_space<hbm>> -> memref<32x768xf32, #tpu.memory_space<hbm>>
    tpu.wait_dma2 semaphore(%arg16 : memref<!tpu.dma_semaphore, #tpu.memory_space<semaphore_mem>>) src(%arg8 : memref<32x768xf32, #tpu.memory_space<vmem>>) dst(%dma_wait3A_615 : memref<32x768xf32, #tpu.memory_space<hbm>>)
    %dma_start3A_616 = arith.constant 25 : i32
    %dma_start3A_617 = arith.constant 0 : i32
    %dma_start3A_618 = tpu.memref_slice %arg6[%dma_start3A_616, %dma_start3A_617] : memref<32x32xi32, #tpu.memory_space<vmem>> -> memref<1x32xi32, #tpu.memory_space<vmem>>
    %dma_start3A_619 = tpu.memref_squeeze %dma_start3A_618 : memref<1x32xi32, #tpu.memory_space<vmem>> -> memref<32xi32, #tpu.memory_space<vmem>>
    %dma_start3A_620 = arith.constant 0 : i32
    %dma_start3A_621 = arith.constant 0 : i32
    %dma_start3A_622 = tpu.memref_slice %arg3[%dma_start3A_620, %dma_start3A_621] : memref<8196x768xf32, #tpu.memory_space<hbm>> -> memref<8196x768xf32, #tpu.memory_space<hbm>>
    tpu.enqueue_indirect_dma source(%dma_start3A_622 : memref<8196x768xf32, #tpu.memory_space<hbm>>) target(%arg8 : memref<32x768xf32, #tpu.memory_space<vmem>>) offsets(%dma_start3A_619 : memref<32xi32, #tpu.memory_space<vmem>>) semaphore(%arg12 : memref<!tpu.dma_semaphore, #tpu.memory_space<semaphore_mem>>)
    %dma_wait3A_623 = arith.constant 23 : i32
    %dma_wait3A_624 = arith.constant 0 : i32
    %dma_wait3A_625 = tpu.memref_slice %arg6[%dma_wait3A_623, %dma_wait3A_624] : memref<32x32xi32, #tpu.memory_space<vmem>> -> memref<1x32xi32, #tpu.memory_space<vmem>>
    %dma_wait3A_626 = tpu.memref_squeeze %dma_wait3A_625 : memref<1x32xi32, #tpu.memory_space<vmem>> -> memref<32xi32, #tpu.memory_space<vmem>>
    %dma_wait3A_627 = arith.constant 0 : i32
    %dma_wait3A_628 = arith.constant 0 : i32
    %dma_wait3A_629 = tpu.memref_slice %arg3[%dma_wait3A_627, %dma_wait3A_628] : memref<8196x768xf32, #tpu.memory_space<hbm>> -> memref<8196x768xf32, #tpu.memory_space<hbm>>
    tpu.wait_indirect_dma semaphore(%arg14 : memref<!tpu.dma_semaphore, #tpu.memory_space<semaphore_mem>>) src(%dma_wait3A_629 : memref<8196x768xf32, #tpu.memory_space<hbm>>) dst(%arg10 : memref<32x768xf32, #tpu.memory_space<vmem>>)
    %add3A_630 = arith.constant 736 : i32
    %add3A_631 = arith.addi %mul3A_55, %add3A_630 : i32
    %dma_start3A_632 = arith.constant 0 : i32
    %dma_start3A_633 = tpu.memref_slice %arg4[%add3A_631, %dma_start3A_632] : memref<32768x768xf32, #tpu.memory_space<hbm>> -> memref<32x768xf32, #tpu.memory_space<hbm>>
    %dma_start3A_634 = arith.constant 0 : i32
    %dma_start3A_635 = tpu.memref_slice %arg4[%add3A_631, %dma_start3A_634] : memref<32768x768xf32, #tpu.memory_space<hbm>> -> memref<32x768xf32, #tpu.memory_space<hbm>>
    tpu.enqueue_dma source(%arg10 : memref<32x768xf32, #tpu.memory_space<vmem>>) target(%dma_start3A_635 : memref<32x768xf32, #tpu.memory_space<hbm>>) target_semaphore(%arg18 : memref<!tpu.dma_semaphore, #tpu.memory_space<semaphore_mem>>)
    %dma_wait3A_636 = arith.constant 0 : i32
    %dma_wait3A_637 = tpu.memref_slice %arg4[%add3A_607, %dma_wait3A_636] : memref<32768x768xf32, #tpu.memory_space<hbm>> -> memref<32x768xf32, #tpu.memory_space<hbm>>
    %dma_wait3A_638 = arith.constant 0 : i32
    %dma_wait3A_639 = tpu.memref_slice %arg4[%add3A_607, %dma_wait3A_638] : memref<32768x768xf32, #tpu.memory_space<hbm>> -> memref<32x768xf32, #tpu.memory_space<hbm>>
    tpu.wait_dma2 semaphore(%arg17 : memref<!tpu.dma_semaphore, #tpu.memory_space<semaphore_mem>>) src(%arg9 : memref<32x768xf32, #tpu.memory_space<vmem>>) dst(%dma_wait3A_639 : memref<32x768xf32, #tpu.memory_space<hbm>>)
    %dma_start3A_640 = arith.constant 26 : i32
    %dma_start3A_641 = arith.constant 0 : i32
    %dma_start3A_642 = tpu.memref_slice %arg6[%dma_start3A_640, %dma_start3A_641] : memref<32x32xi32, #tpu.memory_space<vmem>> -> memref<1x32xi32, #tpu.memory_space<vmem>>
    %dma_start3A_643 = tpu.memref_squeeze %dma_start3A_642 : memref<1x32xi32, #tpu.memory_space<vmem>> -> memref<32xi32, #tpu.memory_space<vmem>>
    %dma_start3A_644 = arith.constant 0 : i32
    %dma_start3A_645 = arith.constant 0 : i32
    %dma_start3A_646 = tpu.memref_slice %arg3[%dma_start3A_644, %dma_start3A_645] : memref<8196x768xf32, #tpu.memory_space<hbm>> -> memref<8196x768xf32, #tpu.memory_space<hbm>>
    tpu.enqueue_indirect_dma source(%dma_start3A_646 : memref<8196x768xf32, #tpu.memory_space<hbm>>) target(%arg9 : memref<32x768xf32, #tpu.memory_space<vmem>>) offsets(%dma_start3A_643 : memref<32xi32, #tpu.memory_space<vmem>>) semaphore(%arg13 : memref<!tpu.dma_semaphore, #tpu.memory_space<semaphore_mem>>)
    %dma_wait3A_647 = arith.constant 24 : i32
    %dma_wait3A_648 = arith.constant 0 : i32
    %dma_wait3A_649 = tpu.memref_slice %arg6[%dma_wait3A_647, %dma_wait3A_648] : memref<32x32xi32, #tpu.memory_space<vmem>> -> memref<1x32xi32, #tpu.memory_space<vmem>>
    %dma_wait3A_650 = tpu.memref_squeeze %dma_wait3A_649 : memref<1x32xi32, #tpu.memory_space<vmem>> -> memref<32xi32, #tpu.memory_space<vmem>>
    %dma_wait3A_651 = arith.constant 0 : i32
    %dma_wait3A_652 = arith.constant 0 : i32
    %dma_wait3A_653 = tpu.memref_slice %arg3[%dma_wait3A_651, %dma_wait3A_652] : memref<8196x768xf32, #tpu.memory_space<hbm>> -> memref<8196x768xf32, #tpu.memory_space<hbm>>
    tpu.wait_indirect_dma semaphore(%arg11 : memref<!tpu.dma_semaphore, #tpu.memory_space<semaphore_mem>>) src(%dma_wait3A_653 : memref<8196x768xf32, #tpu.memory_space<hbm>>) dst(%arg7 : memref<32x768xf32, #tpu.memory_space<vmem>>)
    %add3A_654 = arith.constant 768 : i32
    %add3A_655 = arith.addi %mul3A_55, %add3A_654 : i32
    %dma_start3A_656 = arith.constant 0 : i32
    %dma_start3A_657 = tpu.memref_slice %arg4[%add3A_655, %dma_start3A_656] : memref<32768x768xf32, #tpu.memory_space<hbm>> -> memref<32x768xf32, #tpu.memory_space<hbm>>
    %dma_start3A_658 = arith.constant 0 : i32
    %dma_start3A_659 = tpu.memref_slice %arg4[%add3A_655, %dma_start3A_658] : memref<32768x768xf32, #tpu.memory_space<hbm>> -> memref<32x768xf32, #tpu.memory_space<hbm>>
    tpu.enqueue_dma source(%arg7 : memref<32x768xf32, #tpu.memory_space<vmem>>) target(%dma_start3A_659 : memref<32x768xf32, #tpu.memory_space<hbm>>) target_semaphore(%arg15 : memref<!tpu.dma_semaphore, #tpu.memory_space<semaphore_mem>>)
    %dma_wait3A_660 = arith.constant 0 : i32
    %dma_wait3A_661 = tpu.memref_slice %arg4[%add3A_631, %dma_wait3A_660] : memref<32768x768xf32, #tpu.memory_space<hbm>> -> memref<32x768xf32, #tpu.memory_space<hbm>>
    %dma_wait3A_662 = arith.constant 0 : i32
    %dma_wait3A_663 = tpu.memref_slice %arg4[%add3A_631, %dma_wait3A_662] : memref<32768x768xf32, #tpu.memory_space<hbm>> -> memref<32x768xf32, #tpu.memory_space<hbm>>
    tpu.wait_dma2 semaphore(%arg18 : memref<!tpu.dma_semaphore, #tpu.memory_space<semaphore_mem>>) src(%arg10 : memref<32x768xf32, #tpu.memory_space<vmem>>) dst(%dma_wait3A_663 : memref<32x768xf32, #tpu.memory_space<hbm>>)
    %dma_start3A_664 = arith.constant 27 : i32
    %dma_start3A_665 = arith.constant 0 : i32
    %dma_start3A_666 = tpu.memref_slice %arg6[%dma_start3A_664, %dma_start3A_665] : memref<32x32xi32, #tpu.memory_space<vmem>> -> memref<1x32xi32, #tpu.memory_space<vmem>>
    %dma_start3A_667 = tpu.memref_squeeze %dma_start3A_666 : memref<1x32xi32, #tpu.memory_space<vmem>> -> memref<32xi32, #tpu.memory_space<vmem>>
    %dma_start3A_668 = arith.constant 0 : i32
    %dma_start3A_669 = arith.constant 0 : i32
    %dma_start3A_670 = tpu.memref_slice %arg3[%dma_start3A_668, %dma_start3A_669] : memref<8196x768xf32, #tpu.memory_space<hbm>> -> memref<8196x768xf32, #tpu.memory_space<hbm>>
    tpu.enqueue_indirect_dma source(%dma_start3A_670 : memref<8196x768xf32, #tpu.memory_space<hbm>>) target(%arg10 : memref<32x768xf32, #tpu.memory_space<vmem>>) offsets(%dma_start3A_667 : memref<32xi32, #tpu.memory_space<vmem>>) semaphore(%arg14 : memref<!tpu.dma_semaphore, #tpu.memory_space<semaphore_mem>>)
    %dma_wait3A_671 = arith.constant 25 : i32
    %dma_wait3A_672 = arith.constant 0 : i32
    %dma_wait3A_673 = tpu.memref_slice %arg6[%dma_wait3A_671, %dma_wait3A_672] : memref<32x32xi32, #tpu.memory_space<vmem>> -> memref<1x32xi32, #tpu.memory_space<vmem>>
    %dma_wait3A_674 = tpu.memref_squeeze %dma_wait3A_673 : memref<1x32xi32, #tpu.memory_space<vmem>> -> memref<32xi32, #tpu.memory_space<vmem>>
    %dma_wait3A_675 = arith.constant 0 : i32
    %dma_wait3A_676 = arith.constant 0 : i32
    %dma_wait3A_677 = tpu.memref_slice %arg3[%dma_wait3A_675, %dma_wait3A_676] : memref<8196x768xf32, #tpu.memory_space<hbm>> -> memref<8196x768xf32, #tpu.memory_space<hbm>>
    tpu.wait_indirect_dma semaphore(%arg12 : memref<!tpu.dma_semaphore, #tpu.memory_space<semaphore_mem>>) src(%dma_wait3A_677 : memref<8196x768xf32, #tpu.memory_space<hbm>>) dst(%arg8 : memref<32x768xf32, #tpu.memory_space<vmem>>)
    %add3A_678 = arith.constant 800 : i32
    %add3A_679 = arith.addi %mul3A_55, %add3A_678 : i32
    %dma_start3A_680 = arith.constant 0 : i32
    %dma_start3A_681 = tpu.memref_slice %arg4[%add3A_679, %dma_start3A_680] : memref<32768x768xf32, #tpu.memory_space<hbm>> -> memref<32x768xf32, #tpu.memory_space<hbm>>
    %dma_start3A_682 = arith.constant 0 : i32
    %dma_start3A_683 = tpu.memref_slice %arg4[%add3A_679, %dma_start3A_682] : memref<32768x768xf32, #tpu.memory_space<hbm>> -> memref<32x768xf32, #tpu.memory_space<hbm>>
    tpu.enqueue_dma source(%arg8 : memref<32x768xf32, #tpu.memory_space<vmem>>) target(%dma_start3A_683 : memref<32x768xf32, #tpu.memory_space<hbm>>) target_semaphore(%arg16 : memref<!tpu.dma_semaphore, #tpu.memory_space<semaphore_mem>>)
    %dma_wait3A_684 = arith.constant 0 : i32
    %dma_wait3A_685 = tpu.memref_slice %arg4[%add3A_655, %dma_wait3A_684] : memref<32768x768xf32, #tpu.memory_space<hbm>> -> memref<32x768xf32, #tpu.memory_space<hbm>>
    %dma_wait3A_686 = arith.constant 0 : i32
    %dma_wait3A_687 = tpu.memref_slice %arg4[%add3A_655, %dma_wait3A_686] : memref<32768x768xf32, #tpu.memory_space<hbm>> -> memref<32x768xf32, #tpu.memory_space<hbm>>
    tpu.wait_dma2 semaphore(%arg15 : memref<!tpu.dma_semaphore, #tpu.memory_space<semaphore_mem>>) src(%arg7 : memref<32x768xf32, #tpu.memory_space<vmem>>) dst(%dma_wait3A_687 : memref<32x768xf32, #tpu.memory_space<hbm>>)
    %dma_start3A_688 = arith.constant 28 : i32
    %dma_start3A_689 = arith.constant 0 : i32
    %dma_start3A_690 = tpu.memref_slice %arg6[%dma_start3A_688, %dma_start3A_689] : memref<32x32xi32, #tpu.memory_space<vmem>> -> memref<1x32xi32, #tpu.memory_space<vmem>>
    %dma_start3A_691 = tpu.memref_squeeze %dma_start3A_690 : memref<1x32xi32, #tpu.memory_space<vmem>> -> memref<32xi32, #tpu.memory_space<vmem>>
    %dma_start3A_692 = arith.constant 0 : i32
    %dma_start3A_693 = arith.constant 0 : i32
    %dma_start3A_694 = tpu.memref_slice %arg3[%dma_start3A_692, %dma_start3A_693] : memref<8196x768xf32, #tpu.memory_space<hbm>> -> memref<8196x768xf32, #tpu.memory_space<hbm>>
    tpu.enqueue_indirect_dma source(%dma_start3A_694 : memref<8196x768xf32, #tpu.memory_space<hbm>>) target(%arg7 : memref<32x768xf32, #tpu.memory_space<vmem>>) offsets(%dma_start3A_691 : memref<32xi32, #tpu.memory_space<vmem>>) semaphore(%arg11 : memref<!tpu.dma_semaphore, #tpu.memory_space<semaphore_mem>>)
    %dma_wait3A_695 = arith.constant 26 : i32
    %dma_wait3A_696 = arith.constant 0 : i32
    %dma_wait3A_697 = tpu.memref_slice %arg6[%dma_wait3A_695, %dma_wait3A_696] : memref<32x32xi32, #tpu.memory_space<vmem>> -> memref<1x32xi32, #tpu.memory_space<vmem>>
    %dma_wait3A_698 = tpu.memref_squeeze %dma_wait3A_697 : memref<1x32xi32, #tpu.memory_space<vmem>> -> memref<32xi32, #tpu.memory_space<vmem>>
    %dma_wait3A_699 = arith.constant 0 : i32
    %dma_wait3A_700 = arith.constant 0 : i32
    %dma_wait3A_701 = tpu.memref_slice %arg3[%dma_wait3A_699, %dma_wait3A_700] : memref<8196x768xf32, #tpu.memory_space<hbm>> -> memref<8196x768xf32, #tpu.memory_space<hbm>>
    tpu.wait_indirect_dma semaphore(%arg13 : memref<!tpu.dma_semaphore, #tpu.memory_space<semaphore_mem>>) src(%dma_wait3A_701 : memref<8196x768xf32, #tpu.memory_space<hbm>>) dst(%arg9 : memref<32x768xf32, #tpu.memory_space<vmem>>)
    %add3A_702 = arith.constant 832 : i32
    %add3A_703 = arith.addi %mul3A_55, %add3A_702 : i32
    %dma_start3A_704 = arith.constant 0 : i32
    %dma_start3A_705 = tpu.memref_slice %arg4[%add3A_703, %dma_start3A_704] : memref<32768x768xf32, #tpu.memory_space<hbm>> -> memref<32x768xf32, #tpu.memory_space<hbm>>
    %dma_start3A_706 = arith.constant 0 : i32
    %dma_start3A_707 = tpu.memref_slice %arg4[%add3A_703, %dma_start3A_706] : memref<32768x768xf32, #tpu.memory_space<hbm>> -> memref<32x768xf32, #tpu.memory_space<hbm>>
    tpu.enqueue_dma source(%arg9 : memref<32x768xf32, #tpu.memory_space<vmem>>) target(%dma_start3A_707 : memref<32x768xf32, #tpu.memory_space<hbm>>) target_semaphore(%arg17 : memref<!tpu.dma_semaphore, #tpu.memory_space<semaphore_mem>>)
    %dma_wait3A_708 = arith.constant 0 : i32
    %dma_wait3A_709 = tpu.memref_slice %arg4[%add3A_679, %dma_wait3A_708] : memref<32768x768xf32, #tpu.memory_space<hbm>> -> memref<32x768xf32, #tpu.memory_space<hbm>>
    %dma_wait3A_710 = arith.constant 0 : i32
    %dma_wait3A_711 = tpu.memref_slice %arg4[%add3A_679, %dma_wait3A_710] : memref<32768x768xf32, #tpu.memory_space<hbm>> -> memref<32x768xf32, #tpu.memory_space<hbm>>
    tpu.wait_dma2 semaphore(%arg16 : memref<!tpu.dma_semaphore, #tpu.memory_space<semaphore_mem>>) src(%arg8 : memref<32x768xf32, #tpu.memory_space<vmem>>) dst(%dma_wait3A_711 : memref<32x768xf32, #tpu.memory_space<hbm>>)
    %dma_start3A_712 = arith.constant 29 : i32
    %dma_start3A_713 = arith.constant 0 : i32
    %dma_start3A_714 = tpu.memref_slice %arg6[%dma_start3A_712, %dma_start3A_713] : memref<32x32xi32, #tpu.memory_space<vmem>> -> memref<1x32xi32, #tpu.memory_space<vmem>>
    %dma_start3A_715 = tpu.memref_squeeze %dma_start3A_714 : memref<1x32xi32, #tpu.memory_space<vmem>> -> memref<32xi32, #tpu.memory_space<vmem>>
    %dma_start3A_716 = arith.constant 0 : i32
    %dma_start3A_717 = arith.constant 0 : i32
    %dma_start3A_718 = tpu.memref_slice %arg3[%dma_start3A_716, %dma_start3A_717] : memref<8196x768xf32, #tpu.memory_space<hbm>> -> memref<8196x768xf32, #tpu.memory_space<hbm>>
    tpu.enqueue_indirect_dma source(%dma_start3A_718 : memref<8196x768xf32, #tpu.memory_space<hbm>>) target(%arg8 : memref<32x768xf32, #tpu.memory_space<vmem>>) offsets(%dma_start3A_715 : memref<32xi32, #tpu.memory_space<vmem>>) semaphore(%arg12 : memref<!tpu.dma_semaphore, #tpu.memory_space<semaphore_mem>>)
    %dma_wait3A_719 = arith.constant 27 : i32
    %dma_wait3A_720 = arith.constant 0 : i32
    %dma_wait3A_721 = tpu.memref_slice %arg6[%dma_wait3A_719, %dma_wait3A_720] : memref<32x32xi32, #tpu.memory_space<vmem>> -> memref<1x32xi32, #tpu.memory_space<vmem>>
    %dma_wait3A_722 = tpu.memref_squeeze %dma_wait3A_721 : memref<1x32xi32, #tpu.memory_space<vmem>> -> memref<32xi32, #tpu.memory_space<vmem>>
    %dma_wait3A_723 = arith.constant 0 : i32
    %dma_wait3A_724 = arith.constant 0 : i32
    %dma_wait3A_725 = tpu.memref_slice %arg3[%dma_wait3A_723, %dma_wait3A_724] : memref<8196x768xf32, #tpu.memory_space<hbm>> -> memref<8196x768xf32, #tpu.memory_space<hbm>>
    tpu.wait_indirect_dma semaphore(%arg14 : memref<!tpu.dma_semaphore, #tpu.memory_space<semaphore_mem>>) src(%dma_wait3A_725 : memref<8196x768xf32, #tpu.memory_space<hbm>>) dst(%arg10 : memref<32x768xf32, #tpu.memory_space<vmem>>)
    %add3A_726 = arith.constant 864 : i32
    %add3A_727 = arith.addi %mul3A_55, %add3A_726 : i32
    %dma_start3A_728 = arith.constant 0 : i32
    %dma_start3A_729 = tpu.memref_slice %arg4[%add3A_727, %dma_start3A_728] : memref<32768x768xf32, #tpu.memory_space<hbm>> -> memref<32x768xf32, #tpu.memory_space<hbm>>
    %dma_start3A_730 = arith.constant 0 : i32
    %dma_start3A_731 = tpu.memref_slice %arg4[%add3A_727, %dma_start3A_730] : memref<32768x768xf32, #tpu.memory_space<hbm>> -> memref<32x768xf32, #tpu.memory_space<hbm>>
    tpu.enqueue_dma source(%arg10 : memref<32x768xf32, #tpu.memory_space<vmem>>) target(%dma_start3A_731 : memref<32x768xf32, #tpu.memory_space<hbm>>) target_semaphore(%arg18 : memref<!tpu.dma_semaphore, #tpu.memory_space<semaphore_mem>>)
    %dma_wait3A_732 = arith.constant 0 : i32
    %dma_wait3A_733 = tpu.memref_slice %arg4[%add3A_703, %dma_wait3A_732] : memref<32768x768xf32, #tpu.memory_space<hbm>> -> memref<32x768xf32, #tpu.memory_space<hbm>>
    %dma_wait3A_734 = arith.constant 0 : i32
    %dma_wait3A_735 = tpu.memref_slice %arg4[%add3A_703, %dma_wait3A_734] : memref<32768x768xf32, #tpu.memory_space<hbm>> -> memref<32x768xf32, #tpu.memory_space<hbm>>
    tpu.wait_dma2 semaphore(%arg17 : memref<!tpu.dma_semaphore, #tpu.memory_space<semaphore_mem>>) src(%arg9 : memref<32x768xf32, #tpu.memory_space<vmem>>) dst(%dma_wait3A_735 : memref<32x768xf32, #tpu.memory_space<hbm>>)
    %dma_start3A_736 = arith.constant 30 : i32
    %dma_start3A_737 = arith.constant 0 : i32
    %dma_start3A_738 = tpu.memref_slice %arg6[%dma_start3A_736, %dma_start3A_737] : memref<32x32xi32, #tpu.memory_space<vmem>> -> memref<1x32xi32, #tpu.memory_space<vmem>>
    %dma_start3A_739 = tpu.memref_squeeze %dma_start3A_738 : memref<1x32xi32, #tpu.memory_space<vmem>> -> memref<32xi32, #tpu.memory_space<vmem>>
    %dma_start3A_740 = arith.constant 0 : i32
    %dma_start3A_741 = arith.constant 0 : i32
    %dma_start3A_742 = tpu.memref_slice %arg3[%dma_start3A_740, %dma_start3A_741] : memref<8196x768xf32, #tpu.memory_space<hbm>> -> memref<8196x768xf32, #tpu.memory_space<hbm>>
    tpu.enqueue_indirect_dma source(%dma_start3A_742 : memref<8196x768xf32, #tpu.memory_space<hbm>>) target(%arg9 : memref<32x768xf32, #tpu.memory_space<vmem>>) offsets(%dma_start3A_739 : memref<32xi32, #tpu.memory_space<vmem>>) semaphore(%arg13 : memref<!tpu.dma_semaphore, #tpu.memory_space<semaphore_mem>>)
    %dma_wait3A_743 = arith.constant 28 : i32
    %dma_wait3A_744 = arith.constant 0 : i32
    %dma_wait3A_745 = tpu.memref_slice %arg6[%dma_wait3A_743, %dma_wait3A_744] : memref<32x32xi32, #tpu.memory_space<vmem>> -> memref<1x32xi32, #tpu.memory_space<vmem>>
    %dma_wait3A_746 = tpu.memref_squeeze %dma_wait3A_745 : memref<1x32xi32, #tpu.memory_space<vmem>> -> memref<32xi32, #tpu.memory_space<vmem>>
    %dma_wait3A_747 = arith.constant 0 : i32
    %dma_wait3A_748 = arith.constant 0 : i32
    %dma_wait3A_749 = tpu.memref_slice %arg3[%dma_wait3A_747, %dma_wait3A_748] : memref<8196x768xf32, #tpu.memory_space<hbm>> -> memref<8196x768xf32, #tpu.memory_space<hbm>>
    tpu.wait_indirect_dma semaphore(%arg11 : memref<!tpu.dma_semaphore, #tpu.memory_space<semaphore_mem>>) src(%dma_wait3A_749 : memref<8196x768xf32, #tpu.memory_space<hbm>>) dst(%arg7 : memref<32x768xf32, #tpu.memory_space<vmem>>)
    %add3A_750 = arith.constant 896 : i32
    %add3A_751 = arith.addi %mul3A_55, %add3A_750 : i32
    %dma_start3A_752 = arith.constant 0 : i32
    %dma_start3A_753 = tpu.memref_slice %arg4[%add3A_751, %dma_start3A_752] : memref<32768x768xf32, #tpu.memory_space<hbm>> -> memref<32x768xf32, #tpu.memory_space<hbm>>
    %dma_start3A_754 = arith.constant 0 : i32
    %dma_start3A_755 = tpu.memref_slice %arg4[%add3A_751, %dma_start3A_754] : memref<32768x768xf32, #tpu.memory_space<hbm>> -> memref<32x768xf32, #tpu.memory_space<hbm>>
    tpu.enqueue_dma source(%arg7 : memref<32x768xf32, #tpu.memory_space<vmem>>) target(%dma_start3A_755 : memref<32x768xf32, #tpu.memory_space<hbm>>) target_semaphore(%arg15 : memref<!tpu.dma_semaphore, #tpu.memory_space<semaphore_mem>>)
    %dma_wait3A_756 = arith.constant 0 : i32
    %dma_wait3A_757 = tpu.memref_slice %arg4[%add3A_727, %dma_wait3A_756] : memref<32768x768xf32, #tpu.memory_space<hbm>> -> memref<32x768xf32, #tpu.memory_space<hbm>>
    %dma_wait3A_758 = arith.constant 0 : i32
    %dma_wait3A_759 = tpu.memref_slice %arg4[%add3A_727, %dma_wait3A_758] : memref<32768x768xf32, #tpu.memory_space<hbm>> -> memref<32x768xf32, #tpu.memory_space<hbm>>
    tpu.wait_dma2 semaphore(%arg18 : memref<!tpu.dma_semaphore, #tpu.memory_space<semaphore_mem>>) src(%arg10 : memref<32x768xf32, #tpu.memory_space<vmem>>) dst(%dma_wait3A_759 : memref<32x768xf32, #tpu.memory_space<hbm>>)
    %dma_start3A_760 = arith.constant 31 : i32
    %dma_start3A_761 = arith.constant 0 : i32
    %dma_start3A_762 = tpu.memref_slice %arg6[%dma_start3A_760, %dma_start3A_761] : memref<32x32xi32, #tpu.memory_space<vmem>> -> memref<1x32xi32, #tpu.memory_space<vmem>>
    %dma_start3A_763 = tpu.memref_squeeze %dma_start3A_762 : memref<1x32xi32, #tpu.memory_space<vmem>> -> memref<32xi32, #tpu.memory_space<vmem>>
    %dma_start3A_764 = arith.constant 0 : i32
    %dma_start3A_765 = arith.constant 0 : i32
    %dma_start3A_766 = tpu.memref_slice %arg3[%dma_start3A_764, %dma_start3A_765] : memref<8196x768xf32, #tpu.memory_space<hbm>> -> memref<8196x768xf32, #tpu.memory_space<hbm>>
    tpu.enqueue_indirect_dma source(%dma_start3A_766 : memref<8196x768xf32, #tpu.memory_space<hbm>>) target(%arg10 : memref<32x768xf32, #tpu.memory_space<vmem>>) offsets(%dma_start3A_763 : memref<32xi32, #tpu.memory_space<vmem>>) semaphore(%arg14 : memref<!tpu.dma_semaphore, #tpu.memory_space<semaphore_mem>>)
    %dma_wait3A_767 = arith.constant 29 : i32
    %dma_wait3A_768 = arith.constant 0 : i32
    %dma_wait3A_769 = tpu.memref_slice %arg6[%dma_wait3A_767, %dma_wait3A_768] : memref<32x32xi32, #tpu.memory_space<vmem>> -> memref<1x32xi32, #tpu.memory_space<vmem>>
    %dma_wait3A_770 = tpu.memref_squeeze %dma_wait3A_769 : memref<1x32xi32, #tpu.memory_space<vmem>> -> memref<32xi32, #tpu.memory_space<vmem>>
    %dma_wait3A_771 = arith.constant 0 : i32
    %dma_wait3A_772 = arith.constant 0 : i32
    %dma_wait3A_773 = tpu.memref_slice %arg3[%dma_wait3A_771, %dma_wait3A_772] : memref<8196x768xf32, #tpu.memory_space<hbm>> -> memref<8196x768xf32, #tpu.memory_space<hbm>>
    tpu.wait_indirect_dma semaphore(%arg12 : memref<!tpu.dma_semaphore, #tpu.memory_space<semaphore_mem>>) src(%dma_wait3A_773 : memref<8196x768xf32, #tpu.memory_space<hbm>>) dst(%arg8 : memref<32x768xf32, #tpu.memory_space<vmem>>)
    %add3A_774 = arith.constant 928 : i32
    %add3A_775 = arith.addi %mul3A_55, %add3A_774 : i32
    %dma_start3A_776 = arith.constant 0 : i32
    %dma_start3A_777 = tpu.memref_slice %arg4[%add3A_775, %dma_start3A_776] : memref<32768x768xf32, #tpu.memory_space<hbm>> -> memref<32x768xf32, #tpu.memory_space<hbm>>
    %dma_start3A_778 = arith.constant 0 : i32
    %dma_start3A_779 = tpu.memref_slice %arg4[%add3A_775, %dma_start3A_778] : memref<32768x768xf32, #tpu.memory_space<hbm>> -> memref<32x768xf32, #tpu.memory_space<hbm>>
    tpu.enqueue_dma source(%arg8 : memref<32x768xf32, #tpu.memory_space<vmem>>) target(%dma_start3A_779 : memref<32x768xf32, #tpu.memory_space<hbm>>) target_semaphore(%arg16 : memref<!tpu.dma_semaphore, #tpu.memory_space<semaphore_mem>>)
    %dma_wait3A_780 = arith.constant 30 : i32
    %dma_wait3A_781 = arith.constant 0 : i32
    %dma_wait3A_782 = tpu.memref_slice %arg6[%dma_wait3A_780, %dma_wait3A_781] : memref<32x32xi32, #tpu.memory_space<vmem>> -> memref<1x32xi32, #tpu.memory_space<vmem>>
    %dma_wait3A_783 = tpu.memref_squeeze %dma_wait3A_782 : memref<1x32xi32, #tpu.memory_space<vmem>> -> memref<32xi32, #tpu.memory_space<vmem>>
    %dma_wait3A_784 = arith.constant 0 : i32
    %dma_wait3A_785 = arith.constant 0 : i32
    %dma_wait3A_786 = tpu.memref_slice %arg3[%dma_wait3A_784, %dma_wait3A_785] : memref<8196x768xf32, #tpu.memory_space<hbm>> -> memref<8196x768xf32, #tpu.memory_space<hbm>>
    tpu.wait_indirect_dma semaphore(%arg13 : memref<!tpu.dma_semaphore, #tpu.memory_space<semaphore_mem>>) src(%dma_wait3A_786 : memref<8196x768xf32, #tpu.memory_space<hbm>>) dst(%arg9 : memref<32x768xf32, #tpu.memory_space<vmem>>)
    %add3A_787 = arith.constant 960 : i32
    %add3A_788 = arith.addi %mul3A_55, %add3A_787 : i32
    %dma_start3A_789 = arith.constant 0 : i32
    %dma_start3A_790 = tpu.memref_slice %arg4[%add3A_788, %dma_start3A_789] : memref<32768x768xf32, #tpu.memory_space<hbm>> -> memref<32x768xf32, #tpu.memory_space<hbm>>
    %dma_start3A_791 = arith.constant 0 : i32
    %dma_start3A_792 = tpu.memref_slice %arg4[%add3A_788, %dma_start3A_791] : memref<32768x768xf32, #tpu.memory_space<hbm>> -> memref<32x768xf32, #tpu.memory_space<hbm>>
    tpu.enqueue_dma source(%arg9 : memref<32x768xf32, #tpu.memory_space<vmem>>) target(%dma_start3A_792 : memref<32x768xf32, #tpu.memory_space<hbm>>) target_semaphore(%arg17 : memref<!tpu.dma_semaphore, #tpu.memory_space<semaphore_mem>>)
    %dma_wait3A_793 = arith.constant 31 : i32
    %dma_wait3A_794 = arith.constant 0 : i32
    %dma_wait3A_795 = tpu.memref_slice %arg6[%dma_wait3A_793, %dma_wait3A_794] : memref<32x32xi32, #tpu.memory_space<vmem>> -> memref<1x32xi32, #tpu.memory_space<vmem>>
    %dma_wait3A_796 = tpu.memref_squeeze %dma_wait3A_795 : memref<1x32xi32, #tpu.memory_space<vmem>> -> memref<32xi32, #tpu.memory_space<vmem>>
    %dma_wait3A_797 = arith.constant 0 : i32
    %dma_wait3A_798 = arith.constant 0 : i32
    %dma_wait3A_799 = tpu.memref_slice %arg3[%dma_wait3A_797, %dma_wait3A_798] : memref<8196x768xf32, #tpu.memory_space<hbm>> -> memref<8196x768xf32, #tpu.memory_space<hbm>>
    tpu.wait_indirect_dma semaphore(%arg14 : memref<!tpu.dma_semaphore, #tpu.memory_space<semaphore_mem>>) src(%dma_wait3A_799 : memref<8196x768xf32, #tpu.memory_space<hbm>>) dst(%arg10 : memref<32x768xf32, #tpu.memory_space<vmem>>)
    %add3A_800 = arith.constant 992 : i32
    %add3A_801 = arith.addi %mul3A_55, %add3A_800 : i32
    %dma_start3A_802 = arith.constant 0 : i32
    %dma_start3A_803 = tpu.memref_slice %arg4[%add3A_801, %dma_start3A_802] : memref<32768x768xf32, #tpu.memory_space<hbm>> -> memref<32x768xf32, #tpu.memory_space<hbm>>
    %dma_start3A_804 = arith.constant 0 : i32
    %dma_start3A_805 = tpu.memref_slice %arg4[%add3A_801, %dma_start3A_804] : memref<32768x768xf32, #tpu.memory_space<hbm>> -> memref<32x768xf32, #tpu.memory_space<hbm>>
    tpu.enqueue_dma source(%arg10 : memref<32x768xf32, #tpu.memory_space<vmem>>) target(%dma_start3A_805 : memref<32x768xf32, #tpu.memory_space<hbm>>) target_semaphore(%arg18 : memref<!tpu.dma_semaphore, #tpu.memory_space<semaphore_mem>>)
    %dma_wait3A_806 = arith.constant 0 : i32
    %dma_wait3A_807 = tpu.memref_slice %arg4[%add3A_751, %dma_wait3A_806] : memref<32768x768xf32, #tpu.memory_space<hbm>> -> memref<32x768xf32, #tpu.memory_space<hbm>>
    %dma_wait3A_808 = arith.constant 0 : i32
    %dma_wait3A_809 = tpu.memref_slice %arg4[%add3A_751, %dma_wait3A_808] : memref<32768x768xf32, #tpu.memory_space<hbm>> -> memref<32x768xf32, #tpu.memory_space<hbm>>
    tpu.wait_dma2 semaphore(%arg15 : memref<!tpu.dma_semaphore, #tpu.memory_space<semaphore_mem>>) src(%arg7 : memref<32x768xf32, #tpu.memory_space<vmem>>) dst(%dma_wait3A_809 : memref<32x768xf32, #tpu.memory_space<hbm>>)
    %dma_wait3A_810 = arith.constant 0 : i32
    %dma_wait3A_811 = tpu.memref_slice %arg4[%add3A_775, %dma_wait3A_810] : memref<32768x768xf32, #tpu.memory_space<hbm>> -> memref<32x768xf32, #tpu.memory_space<hbm>>
    %dma_wait3A_812 = arith.constant 0 : i32
    %dma_wait3A_813 = tpu.memref_slice %arg4[%add3A_775, %dma_wait3A_812] : memref<32768x768xf32, #tpu.memory_space<hbm>> -> memref<32x768xf32, #tpu.memory_space<hbm>>
    tpu.wait_dma2 semaphore(%arg16 : memref<!tpu.dma_semaphore, #tpu.memory_space<semaphore_mem>>) src(%arg8 : memref<32x768xf32, #tpu.memory_space<vmem>>) dst(%dma_wait3A_813 : memref<32x768xf32, #tpu.memory_space<hbm>>)
    %dma_wait3A_814 = arith.constant 0 : i32
    %dma_wait3A_815 = tpu.memref_slice %arg4[%add3A_788, %dma_wait3A_814] : memref<32768x768xf32, #tpu.memory_space<hbm>> -> memref<32x768xf32, #tpu.memory_space<hbm>>
    %dma_wait3A_816 = arith.constant 0 : i32
    %dma_wait3A_817 = tpu.memref_slice %arg4[%add3A_788, %dma_wait3A_816] : memref<32768x768xf32, #tpu.memory_space<hbm>> -> memref<32x768xf32, #tpu.memory_space<hbm>>
    tpu.wait_dma2 semaphore(%arg17 : memref<!tpu.dma_semaphore, #tpu.memory_space<semaphore_mem>>) src(%arg9 : memref<32x768xf32, #tpu.memory_space<vmem>>) dst(%dma_wait3A_817 : memref<32x768xf32, #tpu.memory_space<hbm>>)
    %dma_wait3A_818 = arith.constant 0 : i32
    %dma_wait3A_819 = tpu.memref_slice %arg4[%add3A_801, %dma_wait3A_818] : memref<32768x768xf32, #tpu.memory_space<hbm>> -> memref<32x768xf32, #tpu.memory_space<hbm>>
    %dma_wait3A_820 = arith.constant 0 : i32
    %dma_wait3A_821 = tpu.memref_slice %arg4[%add3A_801, %dma_wait3A_820] : memref<32768x768xf32, #tpu.memory_space<hbm>> -> memref<32x768xf32, #tpu.memory_space<hbm>>
    tpu.wait_dma2 semaphore(%arg18 : memref<!tpu.dma_semaphore, #tpu.memory_space<semaphore_mem>>) src(%arg10 : memref<32x768xf32, #tpu.memory_space<vmem>>) dst(%dma_wait3A_821 : memref<32x768xf32, #tpu.memory_space<hbm>>)
    return
  }
}

</mosaic_0001>

<sc_bundles>
// kernel: kernel.3.cloned.1.call-start
scs
__scs_entry_jumppad:
0x0: {  	(pc) =	sbr.rel $0x88, $3  }
0x1: {  	(tag) =	ssettag $0x0;
	lr =	simm.s32 $0x1  }
0x2: {  	[smem:$0x3F9F] =	sst lr;
	_ =	strace $0xD0000000  }
0x3: {  	_ = 	snop  }
0x4: {  	_ = 	snop  }
0x5: {  	_ = 	snop  }
0x6: {  	_ = 	snop  }
0x7: {  	_ = 	snop  }
__scs_overlays_trampoline_lowered:
0x8: {  	[smem:$0x3FAE] =	sst s0  }
0x9: {  	[smem:$0x3FAF] =	sst s1  }
0xa: {  	[smem:$0x3FB0] =	sst s2  }
0xb: {  	[smem:$0x3FB1] =	sst s3  }
0xc: {  	[smem:$0x3FB2] =	sst s4  }
0xd: {  	[smem:$0x3FB3] =	sst s5  }
0xe: {  	[smem:$0x3FB4] =	sst s6  }
0xf: {  	[smem:$0x3FB5] =	sst s7  }
0x10: {  	[smem:$0x3FB6] =	sst s8  }
0x11: {  	[smem:$0x3FB7] =	sst s9;
	s0 =	simm.s32 @!p0 $0x0  }
0x12: {  	s1 =	sld [smem:$0x3F9D];
	s0 =	simm.s32 @p0 $0x1  }
0x13: {  	[smem:$0x3FB8] =	sst s0;
	s0 =	simm.s32 @!p1 $0x0  }
0x14: {  	s2 =	sld [smem:$0x3F9C];
	s0 =	simm.s32 @p1 $0x1  }
0x15: {  	[smem:$0x3FB9] =	sst s0;
	s0 =	simm.s32 @!p2 $0x0  }
0x16: {  	s3 =	sld [smem:$0x3FDB];
	s0 =	simm.s32 @p2 $0x1  }
0x17: {  	s4 =	simm.s32 $0x1BF5;
	[smem:$0x3FBB] =	sst s0  }
0x18: {  	s0 =	sld [smem:$0x3F9E];
	_ =	swait.ge [sflag:s4], $0x0  }
0x19: {  	s7 =	sld [smem:$0x3F9F]  }
0x1a: {  	s8 =	sadd.s32 $0xFFFFE003, lr  }
0x1b: {  	s9 =	sadd.s32 $0xFFFFFEF7, lr;
	s5 =	simm.s32 $0xFFFFFFFF;
	p2 =	slt.u32 s8, $0xFFFFF086  }
0x1c: {  	p1 =	slt.u32 s9, $0xF7A;
	s5 =	simm.s32 @!p2 $0x0  }
0x1d: {  	s5 =	simm.s32 @p1 $0x1;
	p0 =	seq.s32 s7, s2  }
0x1e: {  	s7 =	smul.u32 @!p0 $0xF7A, s2;
	p2 =	seq.s32 @!p0 s5, $0x0  }
0x1f: {  	s9 =	smul.u32 $0xF7A, s1;
	s8 =	simm.s32 @!p0 $0x1BF5;
	p2 =	por !p2, p0  }
0x20: {  	[sflag:s8] =	ssyncset.s32 @!p0 $0xFFFFF086;
	s6 =	sadd.s32 @!p0 s3, s7;
	s7 =	simm.s32 @!p0 $0x108  }
0x21: {  	s3 =	sadd.s32 s3, s9;
	s6 =	sadd.s32 @!p0 $0x88, s6;
	s7 =	simm.s32 @p2 $0x1082  }
0x22: {  	[simem:s7], [sflag:s8] =	dma.local @!p0 [hbm:s6], $0xF7A  }
0x23: {  	s9 =	sor.u32 $0xD0000000, s2;
	s6 =	simm.s32 $0x108;
	_ =	swait.ge @!p0 [sflag:s8], $0x0  }
0x24: {  	s3 =	sadd.s32 $0x88, s3;
	s6 =	simm.s32 @!p1 $0x1082;
	[sflag:s4] =	ssyncset.s32 $0xFFFFF086  }
0x25: {  	[simem:s6], [sflag:s4] =	dma.local [hbm:s3], $0xF7A  }
0x26: {  	[smem:$0x3F9F] =	sst s1;
	(tag) =	ssettag s2;
	_ =	strace s9  }
0x27: {  	s1 =	sld [smem:$0x3FAF]  }
0x28: {  	s2 =	sld [smem:$0x3FB0]  }
0x29: {  	s4 =	sld [smem:$0x3FB2]  }
0x2a: {  	p0 =	seq.s32 s5, $0x0;
	s5 =	sld [smem:$0x3FB3]  }
0x2b: {  	s6 =	sld [smem:$0x3FB4]  }
0x2c: {  	s7 =	sld [smem:$0x3FB5]  }
0x2d: {  	s3 =	simm.s32 $0x108;
	s8 =	sld [smem:$0x3FB6]  }
0x2e: {  	s3 =	simm.s32 @!p0 $0x1082;
	s9 =	sld [smem:$0x3FB7]  }
0x2f: {  	lr =	sadd.s32 s0, s3;
	s0 =	sld [smem:$0x3FAE]  }
0x30: {  	s3 =	sld [smem:$0x3FB1]  }
0x31: {  	[smem:$0x3FBA] =	sst s10  }
0x32: {  	s10 =	sld [smem:$0x3FB8];
	_ =	sdelay $0x3  }
0x33: {  	p0 =	seq.s32 s10, $0x1;
	s10 =	sld [smem:$0x3FBA];
	_ =	sdelay $0x3  }
0x34: {  	[smem:$0x3FBA] =	sst s10  }
0x35: {  	s10 =	sld [smem:$0x3FB9];
	_ =	sdelay $0x3  }
0x36: {  	p1 =	seq.s32 s10, $0x1;
	s10 =	sld [smem:$0x3FBA];
	_ =	sdelay $0x3  }
0x37: {  	[smem:$0x3FBA] =	sst s10  }
0x38: {  	s10 =	sld [smem:$0x3FBB]  }
0x39: {  	_ = 	snop;
	(pc) =	sbr.ind lr, $3  }
0x3a: {  	_ = 	snop  }
0x3b: {  	_ = 	snop  }
0x3c: {  	p2 =	seq.s32 s10, $0x1;
	s10 =	sld [smem:$0x3FBA]  }
0x3d: {  	_ =	shalt  }
0x3e: {  	_ =	shalt  }
0x3f: {  	_ =	shalt  }
0x40: {  	_ =	shalt  }
0x41: {  	_ =	shalt  }
0x42: {  	_ =	shalt  }
0x43: {  	_ =	shalt  }
0x44: {  	_ =	shalt  }
0x45: {  	_ =	shalt  }
0x46: {  	_ =	shalt  }
0x47: {  	_ =	shalt  }
0x48: {  	_ =	shalt  }
0x49: {  	_ =	shalt  }
0x4a: {  	_ =	shalt  }
0x4b: {  	_ =	shalt  }
0x4c: {  	_ =	shalt  }
0x4d: {  	_ =	shalt  }
0x4e: {  	_ =	shalt  }
0x4f: {  	_ =	shalt  }
0x50: {  	_ =	shalt  }
0x51: {  	_ =	shalt  }
0x52: {  	_ =	shalt  }
0x53: {  	_ =	shalt  }
0x54: {  	_ =	shalt  }
0x55: {  	_ =	shalt  }
0x56: {  	_ =	shalt  }
0x57: {  	_ =	shalt  }
0x58: {  	_ =	shalt  }
0x59: {  	_ =	shalt  }
0x5a: {  	_ =	shalt  }
0x5b: {  	_ =	shalt  }
0x5c: {  	_ =	shalt  }
0x5d: {  	_ =	shalt  }
0x5e: {  	_ =	shalt  }
0x5f: {  	_ =	shalt  }
0x60: {  	_ =	shalt  }
0x61: {  	_ =	shalt  }
0x62: {  	_ =	shalt  }
0x63: {  	_ =	shalt  }
0x64: {  	_ =	shalt  }
0x65: {  	_ =	shalt  }
0x66: {  	_ =	shalt  }
0x67: {  	_ =	shalt  }
0x68: {  	_ =	shalt  }
0x69: {  	_ =	shalt  }
0x6a: {  	_ =	shalt  }
0x6b: {  	_ =	shalt  }
0x6c: {  	_ =	shalt  }
0x6d: {  	_ =	shalt  }
0x6e: {  	_ =	shalt  }
0x6f: {  	_ =	shalt  }
0x70: {  	_ =	shalt  }
0x71: {  	_ =	shalt  }
0x72: {  	_ =	shalt  }
0x73: {  	_ =	shalt  }
0x74: {  	_ =	shalt  }
0x75: {  	_ =	shalt  }
0x76: {  	_ =	shalt  }
0x77: {  	_ =	shalt  }
0x78: {  	_ =	shalt  }
0x79: {  	_ =	shalt  }
0x7a: {  	_ =	shalt  }
0x7b: {  	_ =	shalt  }
0x7c: {  	_ =	shalt  }
0x7d: {  	_ =	shalt  }
0x7e: {  	_ =	shalt  }
0x7f: {  	_ =	shalt  }
0x80: {  	_ =	shalt  }
0x81: {  	_ =	shalt  }
0x82: {  	_ =	shalt  }
0x83: {  	_ =	shalt  }
0x84: {  	_ =	shalt  }
0x85: {  	_ =	shalt  }
0x86: {  	_ =	shalt  }
0x87: {  	_ =	shalt  }
.Lfunc_end0:
.L_simem_size_0:
called_computation_lowered:
.L_overlay_start_0:
0x88: {  	s2 =	sld [smem:$0x3FD9]  }
0x89: {  	s3 =	sld [smem:$0x3FFE];
	_ =	sdelay $0x1  }
0x8a: {  	s1 =	srdreg.scid  }
0x8b: {  	s0 =	sand.u32 $0x1, s1  }
0x8c: {  	s18 =	sshll.u32 s0, $0xA;
	s2 =	sadd.s32 s3, s2  }
0x8d: {  	s2 =	sadd.s32 s2, s18  }
0x8e: {  	[smem:$0x3FC6] =	sst s2  }
0x8f: {  	_ = 	snop  }
0x90: {  	s2 =	sld [smem:$0x3FC9]  }
0x91: {  	s19 =	sld [smem:$0x3FC8]  }
0x92: {  	s4 =	sld [smem:$0x3FD0];
	(tm) =	ssettm $0x1  }
0x93: {  	s5 =	sld [smem:$0x3FFB];
	_ =	sdelay $0x3  }
0x94: {  	_ =	strace s5  }
0x95: {  	s5 =	sld [smem:$0x3FFC];
	_ =	sdelay $0x3  }
0x96: {  	_ =	strace s5  }
0x97: {  	s5 =	sld [smem:$0x3FFD];
	_ =	sdelay $0x3  }
0x98: {  	_ =	strace s5  }
0x99: {  	_ =	strace $0x8FFFFFFF  }
0x9a: {  	s20 =	sld [smem:$0x3FDB];
	_ =	sdelay $0x1  }
0x9b: {  	s6 =	simm.s32 $_scs_section_size  }
0x9c: {  	s7 =	simm.s32 $_size__tile_overlayer_lowered;
	s8 =	simm.s32 $_tile_overlayer_lowered  }
0x9d: {  	s23 =	simm.s32 $0x1BFF;
	s22 =	sshll.u32 s8, $0x1;
	s5 =	sadd.s32 s6, s20  }
0x9e: {  	s9 =	simm.s32 $0x0;
	s21 =	sshll.u32 s7, $0x1;
	s7 =	sadd.s32 s22, s5  }
0x9f: {  	[timem:s9], [sflag:s23] =	dma.local [hbm:s7], s21  }
0xa0: {  	_ =	swait.ge [sflag:s23], s21  }
0xa1: {  	s6 =	ssub.s32 $0x0, s21;
	[sflag:s23] =	ssyncset.done $0x0  }
0xa2: {  	[sflag:s23] =	ssyncadd.s32 s6;
	_ =	sdelay $0x1  }
0xa3: {  	s24 =	simm.s32 $0x1B8B  }
0xa4: {  	_ =	swait.ge [sflag:s24], $0x1  }
0xa5: {  	[sflag:s24] =	ssyncset.done $0x0  }
0xa6: {  	s25 =	simm.s32 $0x1B8E;
	[sflag:s24] =	ssyncadd.s32 $0xFFFFFFFF  }
0xa7: {  	s26 =	simm.s32 $execute0_lowered;
	[smem:$0x3FD2] =	sst s25  }
0xa8: {  	s6 =	sshll.u32 s26, $0x1;
	_ =	strace $0x80000046;
	[dreg:$0x1] =	wrdreg $0xFFFFFFFF  }
0xa9: {  	s28 =	simm.s32 $_size_execute0_lowered;
	s5 =	sadd.s32 s5, s6;
	[dreg:$0x0] =	wrdreg $0x0  }
0xaa: {  	s6 =	sshll.u32 s28, $0x1;
	[dreg:$0x2] =	wrdreg s5  }
0xab: {  	[dreg:$0x3] =	wrdreg s6  }
0xac: {  	[dreg:$0x4] =	wrdreg $0xC0  }
0xad: {  	_ =	task [dreg:s9], $0x5FFFF  }
0xae: {  	[dreg:$0x1] =	wrdreg $0xFFFFFFFF  }
0xaf: {  	[dreg:$0x0] =	wrdreg $0x60  }
0xb0: {  	[dreg:$0x2] =	wrdreg s2  }
0xb1: {  	[dreg:$0x3] =	wrdreg s19  }
0xb2: {  	[dreg:$0x4] =	wrdreg s4  }
0xb3: {  	[dreg:$0x5] =	wrdreg $0x9  }
0xb4: {  	_ =	task.clear_ibuf [dreg:s9], $0x6FFFF;
	_ =	strace $0x90000046  }
0xb5: {  	s29 =	simm.s32 $0x9;
	_ =	strace $0x80000048  }
0xb6: {  	_ =	swait.ge [sflag:s29], $0x1  }
0xb7: {  	[sflag:s29] =	ssyncadd.s32 $0xFFFFFFFF  }
0xb8: {  	_ =	strace $0x90000048  }
0xb9: {  	_ =	sfence  }
0xba: {  	s30 =	sld [smem:$0x0];
	_ =	sdelay $0x2  }
0xbb: {  	s31 =	sshll.u32 s1, $0xD;
	s1 =	sshrl.u32 s1, $0x2  }
0xbc: {  	s3 =	sand.u32 $0x4000, s31;
	s1 =	sadd.s32 s1, s30  }
0xbd: {  	s0 =	sor.u32 s3, s0;
	s1 =	sshll.u32 s1, $0x11  }
0xbe: {  	s0 =	sor.u32 s1, s0  }
0xbf: {  	s0 =	sadd.s32 $0x8F2B, s0  }
0xc0: {  	[sflag:s0] =	ssyncadd.remote.s32 $0x1  }
0xc1: {  	_ =	sfence.sel $0xFFFF  }
0xc2: {  	[dreg:$0x0] =	wrdreg $0xFFFFFFFF;
	(pc) =	sbr.abs _section_cstart, $3  }
0xc3: {  	[dreg:$0x1] =	wrdreg $0xFFFFFFFF  }
0xc4: {  	_ =	task.clear_ibuf [dreg:s9], $0x2FFFF;
	_ =	strace $0x9FFFFFFF  }
0xc5: {  	(tm) =	ssettm $0x7FFFFFFF  }
tec
execute0_lowered:
.L_overlay_start_1:
0x0: {  	(tag) =	ssettag $0x1  }
0x1: {  	s0 =	rddreg [dreg:$0x0]  }
0x2: {  	s2 =	rddreg [dreg:$0x1];
	s3 =	srdreg.scid  }
0x3: {  	s1 =	rddreg [dreg:$0x2];
	s10 =	stileid.u32;
	s4 =	sand.u32 $0x1, s3  }
0x4: {  	s5 =	sshll.u32 s10, $0x1;
	s3 =	simm.s32 $0x0;
	s28 =	sshll.u32 s10, $0x2  }
0x5: {  	s6 =	ssub.s32 $0x2, s4;
	s5 =	sor.u32 s4, s5;
	[smem:$0x7FF] =	sst s3  }
0x6: {  	s7 =	sshrl.u32 s6, $0x1;
	s8 =	smul.u32 $0xC0000, s5;
	_ =	strace $0x80000047  }
0x7: {  	s9 =	smul.u32 $0x18000, s5;
	s6 =	ssub.s32 s6, s7;
	s7 =	sand.u32 $0x30, s28  }
0x8: {  	s8 =	sshrl.u32 s8, $0x3;
	s0 =	sadd.s32 s0, s7;
	s7 =	sshll.u32 s5, $0x6  }
0x9: {  	[dreg:$0x4] =	wrdreg s0;
	s5 =	sadd.s32 s1, s8;
	s8 =	sadd.s32 s1, s9  }
0xa: {  	s11 =	sadd.s32 $0x8400, s5;
	[dreg:$0x5] =	wrdreg s8  }
0xb: {  	s12 =	sadd.s32 $0x9000, s5;
	[dreg:$0x6] =	wrdreg s11  }
0xc: {  	s13 =	sadd.s32 $0x9C00, s5;
	[dreg:$0x7] =	wrdreg s12  }
0xd: {  	s14 =	sadd.s32 $0xA800, s5;
	[dreg:$0x8] =	wrdreg s13  }
0xe: {  	s15 =	sadd.s32 $0xB400, s5;
	[dreg:$0x9] =	wrdreg s14  }
0xf: {  	s16 =	sadd.s32 $0xC000, s5;
	[dreg:$0xa] =	wrdreg s15  }
0x10: {  	s17 =	sadd.s32 $0xCC00, s5;
	[dreg:$0xb] =	wrdreg s16  }
0x11: {  	s18 =	sadd.s32 $0xD800, s5;
	[dreg:$0xc] =	wrdreg s17  }
0x12: {  	s19 =	sadd.s32 $0xE400, s5;
	[dreg:$0xd] =	wrdreg s18  }
0x13: {  	s20 =	sadd.s32 $0xF000, s5;
	[dreg:$0xe] =	wrdreg s19  }
0x14: {  	s23 =	sand.u32 $0x3, s10;
	s21 =	sadd.s32 $0xFC00, s5;
	[dreg:$0xf] =	wrdreg s20  }
0x15: {  	s25 =	sshll.u32 s4, $0x6;
	s22 =	sadd.s32 $0x10800, s5;
	[dreg:$0x10] =	wrdreg s21  }
0x16: {  	s1 =	sshll.u32 s23, $0x7;
	s24 =	sadd.s32 $0x11400, s5;
	[dreg:$0x11] =	wrdreg s22  }
0x17: {  	s1 =	sor.u32 s25, s1;
	[dreg:$0x12] =	wrdreg s24  }
0x18: {  	s28 =	sadd.s32 $0x12000, s5;
	[dreg:$0x13] =	wrdreg s1  }
0x19: {  	s9 =	sadd.s32 $0x12C00, s5;
	[dreg:$0x14] =	wrdreg s28  }
0x1a: {  	s26 =	sshll.u32 s10, $0xB;
	s10 =	sadd.s32 $0x13800, s5;
	[dreg:$0x15] =	wrdreg s9  }
0x1b: {  	s23 =	sadd.s32 $0x4800, s8;
	[dreg:$0x16] =	wrdreg s10  }
0x1c: {  	s25 =	sadd.s32 $0x6000, s8;
	[smem:$0x7F9] =	sst s23  }
0x1d: {  	s11 =	sadd.s32 $0x14400, s5;
	[smem:$0x7FB] =	sst s25  }
0x1e: {  	s12 =	sadd.s32 $0x15000, s5;
	[dreg:$0x17] =	wrdreg s11  }
0x1f: {  	s13 =	sadd.s32 $0x15C00, s5;
	[dreg:$0x18] =	wrdreg s12  }
0x20: {  	s30 =	simm.s32 $0x5;
	s14 =	sadd.s32 $0x16800, s5;
	[dreg:$0x19] =	wrdreg s13  }
0x21: {  	s29 =	simm.s32 $0x3000;
	s15 =	sadd.s32 $0x17400, s5;
	[dreg:$0x1a] =	wrdreg s14  }
0x22: {  	s31 =	sadd.s32 $0x100, s2;
	s16 =	smax.u32 s6, $0x1;
	[dreg:$0x1b] =	wrdreg s15  }
0x23: {  	s4 =	sshll.u32 s4, $0xA;
	s18 =	sadd.s32 $0xC00, s8;
	[dreg:$0x1c] =	wrdreg s16  }
0x24: {  	s0 =	sand.u32 $0x1C0, s7;
	s19 =	sadd.s32 $0x1800, s8;
	[dreg:$0x1e] =	wrdreg s18  }
0x25: {  	p0 =	seq.s32 s0, $0x0;
	s20 =	sadd.s32 $0x2400, s8;
	[dreg:$0x1f] =	wrdreg s19  }
0x26: {  	s0 =	sadd.s32 $0x200, s2;
	s21 =	sadd.s32 $0x3000, s8;
	[smem:$0x7F6] =	sst s20  }
0x27: {  	s1 =	sor.u32 s4, s26;
	s22 =	sadd.s32 $0x3C00, s8;
	[smem:$0x7F7] =	sst s21  }
0x28: {  	s24 =	sadd.s32 $0x5400, s8;
	s26 =	sadd.s32 $0x6C00, s8;
	[smem:$0x7F8] =	sst s22  }
0x29: {  	s28 =	sadd.s32 $0x7800, s8;
	s4 =	simm.s32 $0x0;
	[smem:$0x7FA] =	sst s24  }
0x2a: {  	s5 =	simm.s32 $0xF000;
	s17 =	sand.u32 $0x1C00, s1;
	[smem:$0x7FC] =	sst s26  }
0x2b: {  	v2 =	vlaneseq.u32;
	[smem:$0x7FD] =	sst s28;
	s26 =	simm.s32 $0x1;
	s14 =	simm.s32 $0x2  }
0x2c: {  	vm0 =	vmmov $0xffff;
	v1 =	vshrl.u32 v2, $0x3;
	s16 =	simm.s32 $0x3;
	s18 =	simm.s32 $0x4;
	s20 =	simm.s32 $0x7  }
0x2d: {  	v0 =	vand.u32 $0x7, v2;
	v2 =	vor.u32 $0x8, v2;
	v1 =	vmul.u32 $0x8, v1;
	s21 =	simm.s32 $0x8;
	[dreg:$0x1d] =	wrdreg s17;
	s17 =	simm.s32 $0x6  }
.LBB2_1:
0x2e: {  	[smem:$0x7F5] =	sst s4  }
0x2f: {  	s1 =	rddreg [dreg:$0x4];
	s25 =	simm.s32 $0x80  }
.Ltmp0:
0x30: {  	s6 =	simm.s32 $0x200;
	s28 =	simm.s32 $0x9;
	(pc) =	sbr.rel @p0 .LBB2_5-.Ltmp0, $4  }
0x31: {  	[tilespmem:s3], [sflag:$0x9] =	stream.strided.gather [hbm4b:s1+s25], $0x2000, s6, s25, $0x38;
	[tilespmem:$0x1B000] =	vst v63  }
0x32: {  	_ =	swait.ge [sflag:s28], $0x2000  }
0x33: {  	[sflag:s28] =	ssyncset.done $0x0  }
0x34: {  	v3 =	vimm.s32 $0x0;
	[sflag:s28] =	ssyncadd.s32 $0xFFFFE000  }
0x35: {  	s1 =	rddreg [dreg:$0x13]  }
0x36: {  	v4 =	vld [tilespmem:s3+$0x0];
	p1 =	sne.s32 s1, $0x1  }
.Ltmp1:
0x37: {  	_ = 	snop;
	(pc) =	sbr.rel @!p1 .LBB2_4-.Ltmp1, $2  }
0x38: {  	_ =	sdelay $0x2  }
0x39: {  	s4 =	sadd.s32 $0x10, s3;
	s1 =	sadd.s32 $0xFFFFFFFF, s1;
	v4 =	vadd.s32 $0xFFFFFFFF, v4  }
.LBB2_3:
0x3a: {  	v5 =	vld [tilespmem:s4+$0x0];
	p1 =	sne.s32 s1, $0x1;
	s1 =	sadd.s32 $0xFFFFFFFF, s1;
	v6 =	vsub.s32 $0x0, v4  }
.Ltmp2:
0x3b: {  	v4 =	vmin.u32 v4, v6;
	(pc) =	sbr.rel @p1 .LBB2_3-.Ltmp2, $4  }
0x3c: {  	vm1 =	vlt.s32 v4, $0x1  }
0x3d: {  	v4 =	vnsel vm1, $0x1, v4  }
0x3e: {  	v3 =	vadd.s32 v3, v4  }
0x3f: {  	s4 =	sadd.s32 $0x10, s4;
	v4 =	vadd.s32 $0xFFFFFFFF, v5  }
.LBB2_4:
0x40: {  	v5 =	vsub.s32 $0x0, v4  }
0x41: {  	v4 =	vmin.u32 v4, v5  }
0x42: {  	vm1 =	vlt.s32 v4, $0x1  }
0x43: {  	v4 =	vnsel vm1, $0x1, v4  }
0x44: {  	v3 =	vadd.s32 v3, v4  }
.LBB2_5:
0x45: {  	(xrf0) =	vadd.scan.msk.s32 $0xffff, v3;
	_ =	sdelay $0x4  }
0x46: {  	s6 =	rddreg [dreg:$0x1d]  }
0x47: {  	v4 =	vld [tilespmem:s6+$0x0];
	v3, _, _ =	vpop (xrf0)  }
0x48: {  	(v2sf) =	vpush v3, $0xF;
	_ =	sdelay $0x3  }
0x49: {  	v3 =	vadd.s32 $0xFFFFFFFF, v4  }
0x4a: {  	v4 =	vsub.s32 $0x0, v3  }
0x4b: {  	v3 =	vmin.u32 v3, v4  }
0x4c: {  	vm1 =	vlt.s32 v3, $0x1  }
0x4d: {  	v3 =	vnsel vm1, $0x1, v3  }
0x4e: {  	(xrf0) =	vadd.scan.msk.s32 $0xffff, v3;
	_ =	sdelay $0x5  }
0x4f: {  	v4, _, _ =	vpop (xrf0);
	s24 =	spop (v2sf)  }
0x50: {  	s23 =	simm.s32 $0x0;
	(v2sf) =	vpush v4, $0xF;
	v5 =	vadd.s32 s24, v4  }
0x51: {  	s1 =	sand.u32 $0x3E00, s23;
	v3 =	vmul.u32 v3, v5  }
0x52: {  	s4 =	sand.u32 $0x10, s23;
	s1 =	sshrl.u32 s1, $0x2  }
0x53: {  	s1 =	sor.u32 s4, s1;
	v3 =	vadd.s32 $0x1, v3  }
0x54: {  	[tilespmem:s1+$0x2000] =	vst v3;
	s1 =	sadd.s32 $0x10, s6  }
0x55: {  	s25 =	simm.s32 $0x100;
	s4 =	simm.s32 $0x200;
	v3 =	vld [tilespmem:s1+$0x0]  }
.LBB2_6:
0x56: {  	p1 =	sne.s32 s4, $0x3F00;
	_ =	sdelay $0x3  }
0x57: {  	v3 =	vadd.s32 $0xFFFFFFFF, v3  }
0x58: {  	v4 =	vsub.s32 $0x0, v3  }
0x59: {  	v3 =	vmin.u32 v3, v4  }
0x5a: {  	vm1 =	vlt.s32 v3, $0x1  }
0x5b: {  	v3 =	vnsel vm1, $0x1, v3  }
0x5c: {  	(xrf0) =	vadd.scan.msk.s32 $0xffff, v3;
	s6 =	spop (v2sf)  }
0x5d: {  	s24 =	sadd.s32 s24, s6;
	_ =	sdelay $0x4  }
0x5e: {  	v4, _, _ =	vpop (xrf0)  }
0x5f: {  	v5 =	vadd.s32 s24, v4;
	(v2sf) =	vpush v4, $0xF  }
.Ltmp3:
0x60: {  	s23 =	sadd.s32 $0x10, s23;
	s6 =	sand.u32 $0x3E00, s25;
	v3 =	vmul.u32 v3, v5;
	(pc) =	sbr.rel @p1 .LBB2_6-.Ltmp3, $4  }
0x61: {  	s7 =	sand.u32 $0x10, s23;
	s25 =	smov.u32 s4;
	s6 =	sshrl.u32 s6, $0x2  }
0x62: {  	s6 =	sor.u32 s7, s6;
	v3 =	vadd.s32 $0x1, v3  }
0x63: {  	s1 =	sadd.s32 $0x10, s1;
	[tilespmem:s6+$0x2000] =	vst v3  }
0x64: {  	s4 =	sadd.s32 $0x100, s4;
	v3 =	vld [tilespmem:s1+$0x0]  }
0x65: {  	_ =	sdelay $0x3  }
0x66: {  	v3 =	vadd.s32 $0xFFFFFFFF, v3  }
0x67: {  	v4 =	vsub.s32 $0x0, v3  }
0x68: {  	v3 =	vmin.u32 v3, v4  }
0x69: {  	vm1 =	vlt.s32 v3, $0x1  }
0x6a: {  	v3 =	vnsel vm1, $0x1, v3  }
0x6b: {  	(xrf0) =	vadd.scan.msk.s32 $0xffff, v3;
	_ =	sdelay $0x4  }
0x6c: {  	s1 =	spop (v2sf)  }
0x6d: {  	s1 =	sadd.s32 s24, s1;
	v54, _, _ =	vpop (xrf0)  }
0x6e: {  	v5 =	vadd.s32 s1, v54  }
0x6f: {  	s28 =	sand.u32 $0x3E00, s25;
	s4 =	sadd.s32 $0x10, s23;
	v3 =	vmul.u32 v3, v5  }
0x70: {  	s4 =	sand.u32 $0x10, s4;
	s1 =	sshrl.u32 s28, $0x2  }
0x71: {  	s1 =	sor.u32 s4, s1;
	v3 =	vadd.s32 $0x1, v3  }
0x72: {  	[tilespmem:s1+$0x2000] =	vst v3  }
0x73: {  	v3 =	vld [tilespmem:$0x2000];
	_ =	sdelay $0x4  }
0x74: {  	v55 =	vshrl.u32 v3, $0x3  }
0x75: {  	v5 =	vmul.u32 $0x30, v55  }
0x76: {  	v3 =	vand.u32 $0x7, v3  }
0x77: {  	v3 =	vor.u32 v3, v5  }
0x78: {  	v5 =	vperm.xlane v3, v0;
	_ =	sdelay $0x1  }
0x79: {  	v5 =	vadd.s32 v1, v5;
	_ =	sdelay $0x3  }
0x7a: {  	v3 =	vperm.xlane v3, v2  }
0x7b: {  	[tilespmem:s29], [sflag:$0x1] =	stream.indirect_vreg.gather [hbm4b:s2+s3], $0x80, v5, vm0, $0xb8;
	[tilespmem:$0x1B000] =	vst v63  }
0x7c: {  	s4 =	simm.s32 $0x3800;
	v3 =	vadd.s32 v1, v3  }
0x7d: {  	[tilespmem:s4], [sflag:$0x1] =	stream.indirect_vreg.gather [hbm4b:s31+s3], $0x80, v5, vm0, $0xb8;
	[tilespmem:$0x1B000] =	vst v63  }
0x7e: {  	s6 =	simm.s32 $0x4000  }
0x7f: {  	[tilespmem:s6], [sflag:$0x1] =	stream.indirect_vreg.gather [hbm4b:s0+s3], $0x80, v5, vm0, $0xb8;
	[tilespmem:$0x1B000] =	vst v63  }
0x80: {  	s7 =	simm.s32 $0x4800  }
0x81: {  	[tilespmem:s7], [sflag:$0x1] =	stream.indirect_vreg.gather [hbm4b:s2+s3], $0x80, v3, vm0, $0xb8;
	[tilespmem:$0x1B000] =	vst v63  }
0x82: {  	s8 =	simm.s32 $0x5000  }
0x83: {  	[tilespmem:s8], [sflag:$0x1] =	stream.indirect_vreg.gather [hbm4b:s31+s3], $0x80, v3, vm0, $0xb8;
	[tilespmem:$0x1B000] =	vst v63  }
0x84: {  	s9 =	simm.s32 $0x5800  }
0x85: {  	[tilespmem:s9], [sflag:$0x1] =	stream.indirect_vreg.gather [hbm4b:s0+s3], $0x80, v3, vm0, $0xb8;
	[tilespmem:$0x1B000] =	vst v63  }
0x86: {  	v3 =	vld [tilespmem:$0x2010];
	_ =	sdelay $0x4  }
0x87: {  	v56 =	vshrl.u32 v3, $0x3  }
0x88: {  	v5 =	vmul.u32 $0x30, v56  }
0x89: {  	v3 =	vand.u32 $0x7, v3  }
0x8a: {  	v3 =	vor.u32 v3, v5  }
0x8b: {  	v5 =	vperm.xlane v3, v0;
	_ =	sdelay $0x1  }
0x8c: {  	v5 =	vadd.s32 v1, v5;
	_ =	sdelay $0x3  }
0x8d: {  	s11 =	simm.s32 $0x6000;
	v3 =	vperm.xlane v3, v2  }
0x8e: {  	[tilespmem:s11], [sflag:$0x1] =	stream.indirect_vreg.gather [hbm4b:s2+s3], $0x80, v5, vm0, $0xb8;
	[tilespmem:$0x1B000] =	vst v63  }
0x8f: {  	s12 =	simm.s32 $0x6800;
	v3 =	vadd.s32 v1, v3  }
0x90: {  	[tilespmem:s12], [sflag:$0x1] =	stream.indirect_vreg.gather [hbm4b:s31+s3], $0x80, v5, vm0, $0xb8;
	[tilespmem:$0x1B000] =	vst v63  }
0x91: {  	s13 =	simm.s32 $0x7000  }
0x92: {  	[tilespmem:s13], [sflag:$0x1] =	stream.indirect_vreg.gather [hbm4b:s0+s3], $0x80, v5, vm0, $0xb8;
	[tilespmem:$0x1B000] =	vst v63  }
0x93: {  	s15 =	simm.s32 $0x7800  }
0x94: {  	[tilespmem:s15], [sflag:$0x1] =	stream.indirect_vreg.gather [hbm4b:s2+s3], $0x80, v3, vm0, $0xb8;
	[tilespmem:$0x1B000] =	vst v63  }
0x95: {  	s24 =	simm.s32 $0x8000  }
0x96: {  	[tilespmem:s24], [sflag:$0x1] =	stream.indirect_vreg.gather [hbm4b:s31+s3], $0x80, v3, vm0, $0xb8;
	[tilespmem:$0x1B000] =	vst v63  }
0x97: {  	s25 =	simm.s32 $0x8800  }
0x98: {  	[tilespmem:s25], [sflag:$0x1] =	stream.indirect_vreg.gather [hbm4b:s0+s3], $0x80, v3, vm0, $0xb8;
	[tilespmem:$0x1B000] =	vst v63  }
0x99: {  	v3 =	vld [tilespmem:$0x2080];
	_ =	sdelay $0x4  }
0x9a: {  	v57 =	vshrl.u32 v3, $0x3  }
0x9b: {  	v5 =	vmul.u32 $0x30, v57  }
0x9c: {  	v3 =	vand.u32 $0x7, v3  }
0x9d: {  	v3 =	vor.u32 v3, v5  }
0x9e: {  	v5 =	vperm.xlane v3, v0;
	_ =	sdelay $0x1  }
0x9f: {  	v5 =	vadd.s32 v1, v5;
	_ =	sdelay $0x3  }
0xa0: {  	s6 =	simm.s32 $0x9000;
	v3 =	vperm.xlane v3, v2  }
0xa1: {  	[tilespmem:s6], [sflag:$0x2] =	stream.indirect_vreg.gather [hbm4b:s2+s3], $0x80, v5, vm0, $0xb8;
	[tilespmem:$0x1B000] =	vst v63  }
0xa2: {  	s28 =	simm.s32 $0x9800;
	v3 =	vadd.s32 v1, v3  }
0xa3: {  	[tilespmem:s28], [sflag:$0x2] =	stream.indirect_vreg.gather [hbm4b:s31+s3], $0x80, v5, vm0, $0xb8;
	[tilespmem:$0x1B000] =	vst v63  }
0xa4: {  	s4 =	simm.s32 $0xA000  }
0xa5: {  	[tilespmem:s4], [sflag:$0x2] =	stream.indirect_vreg.gather [hbm4b:s0+s3], $0x80, v5, vm0, $0xb8;
	[tilespmem:$0x1B000] =	vst v63  }
0xa6: {  	s24 =	simm.s32 $0xA800  }
0xa7: {  	[tilespmem:s24], [sflag:$0x2] =	stream.indirect_vreg.gather [hbm4b:s2+s3], $0x80, v3, vm0, $0xb8;
	[tilespmem:$0x1B000] =	vst v63  }
0xa8: {  	s25 =	simm.s32 $0xB000  }
0xa9: {  	[tilespmem:s25], [sflag:$0x2] =	stream.indirect_vreg.gather [hbm4b:s31+s3], $0x80, v3, vm0, $0xb8;
	[tilespmem:$0x1B000] =	vst v63  }
0xaa: {  	s28 =	simm.s32 $0xB800  }
0xab: {  	[tilespmem:s28], [sflag:$0x2] =	stream.indirect_vreg.gather [hbm4b:s0+s3], $0x80, v3, vm0, $0xb8;
	[tilespmem:$0x1B000] =	vst v63  }
0xac: {  	v3 =	vld [tilespmem:$0x2090];
	_ =	sdelay $0x4  }
0xad: {  	v58 =	vshrl.u32 v3, $0x3  }
0xae: {  	v5 =	vmul.u32 $0x30, v58  }
0xaf: {  	v3 =	vand.u32 $0x7, v3  }
0xb0: {  	v3 =	vor.u32 v3, v5  }
0xb1: {  	v5 =	vperm.xlane v3, v0;
	_ =	sdelay $0x1  }
0xb2: {  	v5 =	vadd.s32 v1, v5;
	_ =	sdelay $0x3  }
0xb3: {  	s4 =	simm.s32 $0xC000;
	v3 =	vperm.xlane v3, v2  }
0xb4: {  	[tilespmem:s4], [sflag:$0x2] =	stream.indirect_vreg.gather [hbm4b:s2+s3], $0x80, v5, vm0, $0xb8;
	[tilespmem:$0x1B000] =	vst v63  }
0xb5: {  	s24 =	simm.s32 $0xC800;
	v3 =	vadd.s32 v1, v3  }
0xb6: {  	[tilespmem:s24], [sflag:$0x2] =	stream.indirect_vreg.gather [hbm4b:s31+s3], $0x80, v5, vm0, $0xb8;
	[tilespmem:$0x1B000] =	vst v63  }
0xb7: {  	s4 =	simm.s32 $0xD000  }
0xb8: {  	[tilespmem:s4], [sflag:$0x2] =	stream.indirect_vreg.gather [hbm4b:s0+s3], $0x80, v5, vm0, $0xb8;
	[tilespmem:$0x1B000] =	vst v63  }
0xb9: {  	s24 =	simm.s32 $0xD800  }
0xba: {  	[tilespmem:s24], [sflag:$0x2] =	stream.indirect_vreg.gather [hbm4b:s2+s3], $0x80, v3, vm0, $0xb8;
	[tilespmem:$0x1B000] =	vst v63  }
0xbb: {  	s4 =	simm.s32 $0xE000  }
0xbc: {  	[tilespmem:s4], [sflag:$0x2] =	stream.indirect_vreg.gather [hbm4b:s31+s3], $0x80, v3, vm0, $0xb8;
	[tilespmem:$0x1B000] =	vst v63  }
0xbd: {  	s24 =	simm.s32 $0xE800  }
0xbe: {  	[tilespmem:s24], [sflag:$0x2] =	stream.indirect_vreg.gather [hbm4b:s0+s3], $0x80, v3, vm0, $0xb8;
	[tilespmem:$0x1B000] =	vst v63  }
0xbf: {  	v3 =	vld [tilespmem:$0x2100];
	_ =	sdelay $0x4  }
0xc0: {  	v59 =	vshrl.u32 v3, $0x3  }
0xc1: {  	v5 =	vmul.u32 $0x30, v59  }
0xc2: {  	v3 =	vand.u32 $0x7, v3  }
0xc3: {  	v3 =	vor.u32 v3, v5  }
0xc4: {  	v5 =	vperm.xlane v3, v0;
	_ =	sdelay $0x1  }
0xc5: {  	v5 =	vadd.s32 v1, v5;
	_ =	sdelay $0x3  }
0xc6: {  	v3 =	vperm.xlane v3, v2  }
0xc7: {  	[tilespmem:s5], [sflag:$0x3] =	stream.indirect_vreg.gather [hbm4b:s2+s3], $0x80, v5, vm0, $0xb8;
	[tilespmem:$0x1B000] =	vst v63  }
0xc8: {  	s4 =	simm.s32 $0xF800;
	v3 =	vadd.s32 v1, v3  }
0xc9: {  	[tilespmem:s4], [sflag:$0x3] =	stream.indirect_vreg.gather [hbm4b:s31+s3], $0x80, v5, vm0, $0xb8;
	[tilespmem:$0x1B000] =	vst v63  }
0xca: {  	s4 =	simm.s32 $0x10000  }
0xcb: {  	[tilespmem:s4], [sflag:$0x3] =	stream.indirect_vreg.gather [hbm4b:s0+s3], $0x80, v5, vm0, $0xb8;
	[tilespmem:$0x1B000] =	vst v63  }
0xcc: {  	s4 =	simm.s32 $0x10800  }
0xcd: {  	[tilespmem:s4], [sflag:$0x3] =	stream.indirect_vreg.gather [hbm4b:s2+s3], $0x80, v3, vm0, $0xb8;
	[tilespmem:$0x1B000] =	vst v63  }
0xce: {  	s4 =	simm.s32 $0x11000  }
0xcf: {  	[tilespmem:s4], [sflag:$0x3] =	stream.indirect_vreg.gather [hbm4b:s31+s3], $0x80, v3, vm0, $0xb8;
	[tilespmem:$0x1B000] =	vst v63  }
0xd0: {  	s4 =	simm.s32 $0x11800  }
0xd1: {  	[tilespmem:s4], [sflag:$0x3] =	stream.indirect_vreg.gather [hbm4b:s0+s3], $0x80, v3, vm0, $0xb8;
	[tilespmem:$0x1B000] =	vst v63  }
0xd2: {  	v3 =	vld [tilespmem:$0x2110];
	_ =	sdelay $0x4  }
0xd3: {  	v60 =	vshrl.u32 v3, $0x3  }
0xd4: {  	v5 =	vmul.u32 $0x30, v60  }
0xd5: {  	v3 =	vand.u32 $0x7, v3  }
0xd6: {  	v3 =	vor.u32 v3, v5  }
0xd7: {  	v5 =	vperm.xlane v3, v0  }
0xd8: {  	(v2sf) =	vpush v54, $0xF  }
0xd9: {  	v61 =	vadd.s32 v1, v5;
	_ =	sdelay $0x3  }
0xda: {  	s4 =	simm.s32 $0x12000;
	v3 =	vperm.xlane v3, v2  }
0xdb: {  	[tilespmem:s4], [sflag:$0x3] =	stream.indirect_vreg.gather [hbm4b:s2+s3], $0x80, v61, vm0, $0xb8;
	[tilespmem:$0x1B000] =	vst v63  }
0xdc: {  	v3 =	vadd.s32 v1, v3;
	s4 =	simm.s32 $0x12800  }
0xdd: {  	[tilespmem:s4], [sflag:$0x3] =	stream.indirect_vreg.gather [hbm4b:s31+s3], $0x80, v61, vm0, $0xb8;
	[tilespmem:$0x1B000] =	vst v63  }
0xde: {  	s4 =	simm.s32 $0x13000  }
0xdf: {  	[tilespmem:s4], [sflag:$0x3] =	stream.indirect_vreg.gather [hbm4b:s0+s3], $0x80, v61, vm0, $0xb8;
	[tilespmem:$0x1B000] =	vst v63  }
0xe0: {  	s4 =	simm.s32 $0x13800  }
0xe1: {  	[tilespmem:s4], [sflag:$0x3] =	stream.indirect_vreg.gather [hbm4b:s2+s3], $0x80, v3, vm0, $0xb8;
	[tilespmem:$0x1B000] =	vst v63  }
0xe2: {  	s4 =	simm.s32 $0x14000  }
0xe3: {  	[tilespmem:s4], [sflag:$0x3] =	stream.indirect_vreg.gather [hbm4b:s31+s3], $0x80, v3, vm0, $0xb8;
	[tilespmem:$0x1B000] =	vst v63  }
0xe4: {  	s1 =	simm.s32 $0x14800;
	s4 =	spop (v2sf)  }
0xe5: {  	[tilespmem:s1], [sflag:$0x3] =	stream.indirect_vreg.gather [hbm4b:s0+s3], $0x80, v3, vm0, $0xb8;
	[tilespmem:$0x1B000] =	vst v63  }
0xe6: {  	_ =	swait.ge [sflag:s26], $0x6000  }
0xe7: {  	[sflag:s26] =	ssyncset.done $0x0  }
0xe8: {  	s4 =	rddreg [dreg:$0x5];
	[sflag:s26] =	ssyncadd.s32 $0xFFFFA000  }
0xe9: {  	[hbm4b:s4+s3] =	stream.linear.scatter [tilespmem:s29], [sflag:$0x5], $0x6000, $0x38;
	[tilespmem:$0x1B000] =	vst v63  }
0xea: {  	v3 =	vld [tilespmem:$0x2180];
	_ =	sdelay $0x4  }
0xeb: {  	v62 =	vshrl.u32 v3, $0x3  }
0xec: {  	v4 =	vmul.u32 $0x30, v62  }
0xed: {  	v3 =	vand.u32 $0x7, v3  }
0xee: {  	v3 =	vor.u32 v3, v4  }
0xef: {  	v4 =	vperm.xlane v3, v0;
	_ =	sdelay $0x1  }
0xf0: {  	v4 =	vadd.s32 v1, v4;
	_ =	sdelay $0x3  }
0xf1: {  	s4 =	simm.s32 $0x15000;
	v3 =	vperm.xlane v3, v2  }
0xf2: {  	[tilespmem:s4], [sflag:$0x4] =	stream.indirect_vreg.gather [hbm4b:s2+s3], $0x80, v4, vm0, $0xb8;
	[tilespmem:$0x1B000] =	vst v63  }
0xf3: {  	s1 =	simm.s32 $0x15800;
	v3 =	vadd.s32 v1, v3  }
0xf4: {  	[tilespmem:s1], [sflag:$0x4] =	stream.indirect_vreg.gather [hbm4b:s31+s3], $0x80, v4, vm0, $0xb8;
	[tilespmem:$0x1B000] =	vst v63  }
0xf5: {  	s1 =	simm.s32 $0x16000  }
0xf6: {  	[tilespmem:s1], [sflag:$0x4] =	stream.indirect_vreg.gather [hbm4b:s0+s3], $0x80, v4, vm0, $0xb8;
	[tilespmem:$0x1B000] =	vst v63  }
0xf7: {  	s1 =	simm.s32 $0x16800  }
0xf8: {  	[tilespmem:s1], [sflag:$0x4] =	stream.indirect_vreg.gather [hbm4b:s2+s3], $0x80, v3, vm0, $0xb8;
	[tilespmem:$0x1B000] =	vst v63  }
0xf9: {  	s1 =	simm.s32 $0x17000  }
0xfa: {  	[tilespmem:s1], [sflag:$0x4] =	stream.indirect_vreg.gather [hbm4b:s31+s3], $0x80, v3, vm0, $0xb8;
	[tilespmem:$0x1B000] =	vst v63  }
0xfb: {  	s1 =	simm.s32 $0x17800  }
0xfc: {  	[tilespmem:s1], [sflag:$0x4] =	stream.indirect_vreg.gather [hbm4b:s0+s3], $0x80, v3, vm0, $0xb8;
	[tilespmem:$0x1B000] =	vst v63  }
0xfd: {  	v3 =	vld [tilespmem:$0x2190];
	_ =	sdelay $0x4  }
0xfe: {  	v63 =	vshrl.u32 v3, $0x3  }
0xff: {  	v4 =	vmul.u32 $0x30, v63  }
0x100: {  	v3 =	vand.u32 $0x7, v3  }
0x101: {  	v3 =	vor.u32 v3, v4  }
0x102: {  	v4 =	vperm.xlane v3, v0;
	_ =	sdelay $0x1  }
0x103: {  	v4 =	vadd.s32 v1, v4;
	_ =	sdelay $0x3  }
0x104: {  	s1 =	simm.s32 $0x18000;
	v3 =	vperm.xlane v3, v2  }
0x105: {  	[tilespmem:s1], [sflag:$0x4] =	stream.indirect_vreg.gather [hbm4b:s2+s3], $0x80, v4, vm0, $0xb8;
	[tilespmem:$0x1B000] =	vst v63  }
0x106: {  	v3 =	vadd.s32 v1, v3;
	s1 =	simm.s32 $0x18800  }
0x107: {  	[tilespmem:s1], [sflag:$0x4] =	stream.indirect_vreg.gather [hbm4b:s31+s3], $0x80, v4, vm0, $0xb8;
	[tilespmem:$0x1B000] =	vst v63  }
0x108: {  	s1 =	simm.s32 $0x19000  }
0x109: {  	[tilespmem:s1], [sflag:$0x4] =	stream.indirect_vreg.gather [hbm4b:s0+s3], $0x80, v4, vm0, $0xb8;
	[tilespmem:$0x1B000] =	vst v63  }
0x10a: {  	s1 =	simm.s32 $0x19800  }
0x10b: {  	[tilespmem:s1], [sflag:$0x4] =	stream.indirect_vreg.gather [hbm4b:s2+s3], $0x80, v3, vm0, $0xb8;
	[tilespmem:$0x1B000] =	vst v63  }
0x10c: {  	s1 =	simm.s32 $0x1A000  }
0x10d: {  	[tilespmem:s1], [sflag:$0x4] =	stream.indirect_vreg.gather [hbm4b:s31+s3], $0x80, v3, vm0, $0xb8;
	[tilespmem:$0x1B000] =	vst v63  }
0x10e: {  	s1 =	simm.s32 $0x1A800  }
0x10f: {  	[tilespmem:s1], [sflag:$0x4] =	stream.indirect_vreg.gather [hbm4b:s0+s3], $0x80, v3, vm0, $0xb8;
	[tilespmem:$0x1B000] =	vst v63  }
0x110: {  	_ =	swait.ge [sflag:s14], $0x6000  }
0x111: {  	[sflag:s14] =	ssyncset.done $0x0  }
0x112: {  	s1 =	rddreg [dreg:$0x1e];
	[sflag:s14] =	ssyncadd.s32 $0xFFFFA000  }
0x113: {  	[hbm4b:s1+s3] =	stream.linear.scatter [tilespmem:s6], [sflag:$0x6], $0x6000, $0x38;
	[tilespmem:$0x1B000] =	vst v63  }
0x114: {  	_ =	swait.ge [sflag:s30], $0x6000  }
0x115: {  	[sflag:s30] =	ssyncset.done $0x0  }
0x116: {  	[sflag:s30] =	ssyncadd.s32 $0xFFFFA000  }
0x117: {  	v3 =	vld [tilespmem:$0x2200];
	_ =	sdelay $0x4  }
0x118: {  	v8 =	vshrl.u32 v3, $0x3  }
0x119: {  	v4 =	vmul.u32 $0x30, v8  }
0x11a: {  	v3 =	vand.u32 $0x7, v3  }
0x11b: {  	v3 =	vor.u32 v3, v4  }
0x11c: {  	v4 =	vperm.xlane v3, v0;
	_ =	sdelay $0x1  }
0x11d: {  	v4 =	vadd.s32 v1, v4;
	_ =	sdelay $0x3  }
0x11e: {  	v3 =	vperm.xlane v3, v2  }
0x11f: {  	[tilespmem:s29], [sflag:$0x1] =	stream.indirect_vreg.gather [hbm4b:s2+s3], $0x80, v4, vm0, $0xb8;
	[tilespmem:$0x1B000] =	vst v63  }
0x120: {  	s19 =	simm.s32 $0x3800;
	v3 =	vadd.s32 v1, v3  }
0x121: {  	[tilespmem:s19], [sflag:$0x1] =	stream.indirect_vreg.gather [hbm4b:s31+s3], $0x80, v4, vm0, $0xb8;
	[tilespmem:$0x1B000] =	vst v63  }
0x122: {  	s22 =	simm.s32 $0x4000  }
0x123: {  	[tilespmem:s22], [sflag:$0x1] =	stream.indirect_vreg.gather [hbm4b:s0+s3], $0x80, v4, vm0, $0xb8;
	[tilespmem:$0x1B000] =	vst v63  }
0x124: {  	s23 =	simm.s32 $0x4800  }
0x125: {  	[tilespmem:s23], [sflag:$0x1] =	stream.indirect_vreg.gather [hbm4b:s2+s3], $0x80, v3, vm0, $0xb8;
	[tilespmem:$0x1B000] =	vst v63  }
0x126: {  	s10 =	simm.s32 $0x5000  }
0x127: {  	[tilespmem:s10], [sflag:$0x1] =	stream.indirect_vreg.gather [hbm4b:s31+s3], $0x80, v3, vm0, $0xb8;
	[tilespmem:$0x1B000] =	vst v63  }
0x128: {  	s7 =	simm.s32 $0x5800  }
0x129: {  	[tilespmem:s7], [sflag:$0x1] =	stream.indirect_vreg.gather [hbm4b:s0+s3], $0x80, v3, vm0, $0xb8;
	[tilespmem:$0x1B000] =	vst v63  }
0x12a: {  	v3 =	vld [tilespmem:$0x2210];
	_ =	sdelay $0x4  }
0x12b: {  	v9 =	vshrl.u32 v3, $0x3  }
0x12c: {  	v4 =	vmul.u32 $0x30, v9  }
0x12d: {  	v3 =	vand.u32 $0x7, v3  }
0x12e: {  	v3 =	vor.u32 v3, v4  }
0x12f: {  	v4 =	vperm.xlane v3, v0;
	_ =	sdelay $0x1  }
0x130: {  	v4 =	vadd.s32 v1, v4;
	_ =	sdelay $0x3  }
0x131: {  	s8 =	simm.s32 $0x6000;
	v3 =	vperm.xlane v3, v2  }
0x132: {  	[tilespmem:s8], [sflag:$0x1] =	stream.indirect_vreg.gather [hbm4b:s2+s3], $0x80, v4, vm0, $0xb8;
	[tilespmem:$0x1B000] =	vst v63  }
0x133: {  	s11 =	simm.s32 $0x6800;
	v3 =	vadd.s32 v1, v3  }
0x134: {  	[tilespmem:s11], [sflag:$0x1] =	stream.indirect_vreg.gather [hbm4b:s31+s3], $0x80, v4, vm0, $0xb8;
	[tilespmem:$0x1B000] =	vst v63  }
0x135: {  	s12 =	simm.s32 $0x7000  }
0x136: {  	[tilespmem:s12], [sflag:$0x1] =	stream.indirect_vreg.gather [hbm4b:s0+s3], $0x80, v4, vm0, $0xb8;
	[tilespmem:$0x1B000] =	vst v63  }
0x137: {  	s13 =	simm.s32 $0x7800  }
0x138: {  	[tilespmem:s13], [sflag:$0x1] =	stream.indirect_vreg.gather [hbm4b:s2+s3], $0x80, v3, vm0, $0xb8;
	[tilespmem:$0x1B000] =	vst v63  }
0x139: {  	s15 =	simm.s32 $0x8000  }
0x13a: {  	[tilespmem:s15], [sflag:$0x1] =	stream.indirect_vreg.gather [hbm4b:s31+s3], $0x80, v3, vm0, $0xb8;
	[tilespmem:$0x1B000] =	vst v63  }
0x13b: {  	s9 =	simm.s32 $0x8800  }
0x13c: {  	[tilespmem:s9], [sflag:$0x1] =	stream.indirect_vreg.gather [hbm4b:s0+s3], $0x80, v3, vm0, $0xb8;
	[tilespmem:$0x1B000] =	vst v63  }
0x13d: {  	_ =	swait.ge [sflag:s16], $0x6000  }
0x13e: {  	[sflag:s16] =	ssyncset.done $0x0  }
0x13f: {  	s9 =	rddreg [dreg:$0x1f];
	[sflag:s16] =	ssyncadd.s32 $0xFFFFA000  }
0x140: {  	[hbm4b:s9+s3] =	stream.linear.scatter [tilespmem:s5], [sflag:$0x7], $0x6000, $0x38;
	[tilespmem:$0x1B000] =	vst v63  }
0x141: {  	_ =	swait.ge [sflag:s17], $0x6000  }
0x142: {  	[sflag:s17] =	ssyncset.done $0x0  }
0x143: {  	[sflag:s17] =	ssyncadd.s32 $0xFFFFA000  }
0x144: {  	v3 =	vld [tilespmem:$0x2280];
	_ =	sdelay $0x4  }
0x145: {  	v10 =	vshrl.u32 v3, $0x3  }
0x146: {  	v4 =	vmul.u32 $0x30, v10  }
0x147: {  	v3 =	vand.u32 $0x7, v3  }
0x148: {  	v3 =	vor.u32 v3, v4  }
0x149: {  	v4 =	vperm.xlane v3, v0;
	_ =	sdelay $0x1  }
0x14a: {  	v4 =	vadd.s32 v1, v4;
	_ =	sdelay $0x3  }
0x14b: {  	v3 =	vperm.xlane v3, v2  }
0x14c: {  	[tilespmem:s6], [sflag:$0x2] =	stream.indirect_vreg.gather [hbm4b:s2+s3], $0x80, v4, vm0, $0xb8;
	[tilespmem:$0x1B000] =	vst v63  }
0x14d: {  	s10 =	simm.s32 $0x9800;
	v3 =	vadd.s32 v1, v3  }
0x14e: {  	[tilespmem:s10], [sflag:$0x2] =	stream.indirect_vreg.gather [hbm4b:s31+s3], $0x80, v4, vm0, $0xb8;
	[tilespmem:$0x1B000] =	vst v63  }
0x14f: {  	s11 =	simm.s32 $0xA000  }
0x150: {  	[tilespmem:s11], [sflag:$0x2] =	stream.indirect_vreg.gather [hbm4b:s0+s3], $0x80, v4, vm0, $0xb8;
	[tilespmem:$0x1B000] =	vst v63  }
0x151: {  	s12 =	simm.s32 $0xA800  }
0x152: {  	[tilespmem:s12], [sflag:$0x2] =	stream.indirect_vreg.gather [hbm4b:s2+s3], $0x80, v3, vm0, $0xb8;
	[tilespmem:$0x1B000] =	vst v63  }
0x153: {  	s13 =	simm.s32 $0xB000  }
0x154: {  	[tilespmem:s13], [sflag:$0x2] =	stream.indirect_vreg.gather [hbm4b:s31+s3], $0x80, v3, vm0, $0xb8;
	[tilespmem:$0x1B000] =	vst v63  }
0x155: {  	s25 =	simm.s32 $0xB800  }
0x156: {  	[tilespmem:s25], [sflag:$0x2] =	stream.indirect_vreg.gather [hbm4b:s0+s3], $0x80, v3, vm0, $0xb8;
	[tilespmem:$0x1B000] =	vst v63  }
0x157: {  	v3 =	vld [tilespmem:$0x2290];
	_ =	sdelay $0x4  }
0x158: {  	v11 =	vshrl.u32 v3, $0x3  }
0x159: {  	v4 =	vmul.u32 $0x30, v11  }
0x15a: {  	v3 =	vand.u32 $0x7, v3  }
0x15b: {  	v3 =	vor.u32 v3, v4  }
0x15c: {  	v4 =	vperm.xlane v3, v0;
	_ =	sdelay $0x1  }
0x15d: {  	v4 =	vadd.s32 v1, v4;
	_ =	sdelay $0x3  }
0x15e: {  	s28 =	simm.s32 $0xC000;
	v3 =	vperm.xlane v3, v2  }
0x15f: {  	[tilespmem:s28], [sflag:$0x2] =	stream.indirect_vreg.gather [hbm4b:s2+s3], $0x80, v4, vm0, $0xb8;
	[tilespmem:$0x1B000] =	vst v63  }
0x160: {  	s15 =	simm.s32 $0xC800;
	v3 =	vadd.s32 v1, v3  }
0x161: {  	[tilespmem:s15], [sflag:$0x2] =	stream.indirect_vreg.gather [hbm4b:s31+s3], $0x80, v4, vm0, $0xb8;
	[tilespmem:$0x1B000] =	vst v63  }
0x162: {  	s19 =	simm.s32 $0xD000  }
0x163: {  	[tilespmem:s19], [sflag:$0x2] =	stream.indirect_vreg.gather [hbm4b:s0+s3], $0x80, v4, vm0, $0xb8;
	[tilespmem:$0x1B000] =	vst v63  }
0x164: {  	s22 =	simm.s32 $0xD800  }
0x165: {  	[tilespmem:s22], [sflag:$0x2] =	stream.indirect_vreg.gather [hbm4b:s2+s3], $0x80, v3, vm0, $0xb8;
	[tilespmem:$0x1B000] =	vst v63  }
0x166: {  	s23 =	simm.s32 $0xE000  }
0x167: {  	[tilespmem:s23], [sflag:$0x2] =	stream.indirect_vreg.gather [hbm4b:s31+s3], $0x80, v3, vm0, $0xb8;
	[tilespmem:$0x1B000] =	vst v63  }
0x168: {  	s24 =	simm.s32 $0xE800  }
0x169: {  	[tilespmem:s24], [sflag:$0x2] =	stream.indirect_vreg.gather [hbm4b:s0+s3], $0x80, v3, vm0, $0xb8;
	[tilespmem:$0x1B000] =	vst v63  }
0x16a: {  	_ =	swait.ge [sflag:s18], $0x6000  }
0x16b: {  	s24 =	sld [smem:$0x7F6]  }
0x16c: {  	[sflag:s18] =	ssyncset.done $0x0  }
0x16d: {  	[sflag:s18] =	ssyncadd.s32 $0xFFFFA000  }
0x16e: {  	[hbm4b:s24+s3] =	stream.linear.scatter [tilespmem:s4], [sflag:$0x8], $0x6000, $0x38;
	[tilespmem:$0x1B000] =	vst v63  }
0x16f: {  	_ =	swait.ge [sflag:s20], $0x6000  }
0x170: {  	[sflag:s20] =	ssyncset.done $0x0  }
0x171: {  	[sflag:s20] =	ssyncadd.s32 $0xFFFFA000  }
0x172: {  	v3 =	vld [tilespmem:$0x2300];
	_ =	sdelay $0x4  }
0x173: {  	v12 =	vshrl.u32 v3, $0x3  }
0x174: {  	v4 =	vmul.u32 $0x30, v12  }
0x175: {  	v3 =	vand.u32 $0x7, v3  }
0x176: {  	v3 =	vor.u32 v3, v4  }
0x177: {  	v4 =	vperm.xlane v3, v0;
	_ =	sdelay $0x1  }
0x178: {  	v4 =	vadd.s32 v1, v4;
	_ =	sdelay $0x3  }
0x179: {  	v3 =	vperm.xlane v3, v2  }
0x17a: {  	[tilespmem:s5], [sflag:$0x3] =	stream.indirect_vreg.gather [hbm4b:s2+s3], $0x80, v4, vm0, $0xb8;
	[tilespmem:$0x1B000] =	vst v63  }
0x17b: {  	s25 =	simm.s32 $0xF800;
	v3 =	vadd.s32 v1, v3  }
0x17c: {  	[tilespmem:s25], [sflag:$0x3] =	stream.indirect_vreg.gather [hbm4b:s31+s3], $0x80, v4, vm0, $0xb8;
	[tilespmem:$0x1B000] =	vst v63  }
0x17d: {  	s28 =	simm.s32 $0x10000  }
0x17e: {  	[tilespmem:s28], [sflag:$0x3] =	stream.indirect_vreg.gather [hbm4b:s0+s3], $0x80, v4, vm0, $0xb8;
	[tilespmem:$0x1B000] =	vst v63  }
0x17f: {  	s8 =	simm.s32 $0x10800  }
0x180: {  	[tilespmem:s8], [sflag:$0x3] =	stream.indirect_vreg.gather [hbm4b:s2+s3], $0x80, v3, vm0, $0xb8;
	[tilespmem:$0x1B000] =	vst v63  }
0x181: {  	s9 =	simm.s32 $0x11000  }
0x182: {  	[tilespmem:s9], [sflag:$0x3] =	stream.indirect_vreg.gather [hbm4b:s31+s3], $0x80, v3, vm0, $0xb8;
	[tilespmem:$0x1B000] =	vst v63  }
0x183: {  	s10 =	simm.s32 $0x11800  }
0x184: {  	[tilespmem:s10], [sflag:$0x3] =	stream.indirect_vreg.gather [hbm4b:s0+s3], $0x80, v3, vm0, $0xb8;
	[tilespmem:$0x1B000] =	vst v63  }
0x185: {  	v3 =	vld [tilespmem:$0x2310];
	_ =	sdelay $0x4  }
0x186: {  	v13 =	vshrl.u32 v3, $0x3  }
0x187: {  	v4 =	vmul.u32 $0x30, v13  }
0x188: {  	v3 =	vand.u32 $0x7, v3  }
0x189: {  	v3 =	vor.u32 v3, v4  }
0x18a: {  	v4 =	vperm.xlane v3, v0;
	_ =	sdelay $0x1  }
0x18b: {  	v4 =	vadd.s32 v1, v4;
	_ =	sdelay $0x3  }
0x18c: {  	s11 =	simm.s32 $0x12000;
	v3 =	vperm.xlane v3, v2  }
0x18d: {  	[tilespmem:s11], [sflag:$0x3] =	stream.indirect_vreg.gather [hbm4b:s2+s3], $0x80, v4, vm0, $0xb8;
	[tilespmem:$0x1B000] =	vst v63  }
0x18e: {  	s12 =	simm.s32 $0x12800;
	v3 =	vadd.s32 v1, v3  }
0x18f: {  	[tilespmem:s12], [sflag:$0x3] =	stream.indirect_vreg.gather [hbm4b:s31+s3], $0x80, v4, vm0, $0xb8;
	[tilespmem:$0x1B000] =	vst v63  }
0x190: {  	s13 =	simm.s32 $0x13000  }
0x191: {  	[tilespmem:s13], [sflag:$0x3] =	stream.indirect_vreg.gather [hbm4b:s0+s3], $0x80, v4, vm0, $0xb8;
	[tilespmem:$0x1B000] =	vst v63  }
0x192: {  	s15 =	simm.s32 $0x13800  }
0x193: {  	[tilespmem:s15], [sflag:$0x3] =	stream.indirect_vreg.gather [hbm4b:s2+s3], $0x80, v3, vm0, $0xb8;
	[tilespmem:$0x1B000] =	vst v63  }
0x194: {  	s22 =	simm.s32 $0x14000  }
0x195: {  	[tilespmem:s22], [sflag:$0x3] =	stream.indirect_vreg.gather [hbm4b:s31+s3], $0x80, v3, vm0, $0xb8;
	[tilespmem:$0x1B000] =	vst v63  }
0x196: {  	s25 =	simm.s32 $0x14800  }
0x197: {  	[tilespmem:s25], [sflag:$0x3] =	stream.indirect_vreg.gather [hbm4b:s0+s3], $0x80, v3, vm0, $0xb8;
	[tilespmem:$0x1B000] =	vst v63  }
0x198: {  	_ =	swait.ge [sflag:s26], $0x6000  }
0x199: {  	s28 =	sld [smem:$0x7F7]  }
0x19a: {  	[sflag:s26] =	ssyncset.done $0x0  }
0x19b: {  	[sflag:s26] =	ssyncadd.s32 $0xFFFFA000  }
0x19c: {  	[hbm4b:s28+s3] =	stream.linear.scatter [tilespmem:s29], [sflag:$0x5], $0x6000, $0x38;
	[tilespmem:$0x1B000] =	vst v63  }
0x19d: {  	_ =	swait.ge [sflag:s21], $0x6000  }
0x19e: {  	[sflag:s21] =	ssyncset.done $0x0  }
0x19f: {  	[sflag:s21] =	ssyncadd.s32 $0xFFFFA000  }
0x1a0: {  	v3 =	vld [tilespmem:$0x2380];
	_ =	sdelay $0x4  }
0x1a1: {  	v14 =	vshrl.u32 v3, $0x3  }
0x1a2: {  	v4 =	vmul.u32 $0x30, v14  }
0x1a3: {  	v3 =	vand.u32 $0x7, v3  }
0x1a4: {  	v3 =	vor.u32 v3, v4  }
0x1a5: {  	v4 =	vperm.xlane v3, v0;
	_ =	sdelay $0x1  }
0x1a6: {  	v4 =	vadd.s32 v1, v4;
	_ =	sdelay $0x3  }
0x1a7: {  	v3 =	vperm.xlane v3, v2  }
0x1a8: {  	[tilespmem:s4], [sflag:$0x4] =	stream.indirect_vreg.gather [hbm4b:s2+s3], $0x80, v4, vm0, $0xb8;
	[tilespmem:$0x1B000] =	vst v63  }
0x1a9: {  	s8 =	simm.s32 $0x15800;
	v3 =	vadd.s32 v1, v3  }
0x1aa: {  	[tilespmem:s8], [sflag:$0x4] =	stream.indirect_vreg.gather [hbm4b:s31+s3], $0x80, v4, vm0, $0xb8;
	[tilespmem:$0x1B000] =	vst v63  }
0x1ab: {  	s9 =	simm.s32 $0x16000  }
0x1ac: {  	[tilespmem:s9], [sflag:$0x4] =	stream.indirect_vreg.gather [hbm4b:s0+s3], $0x80, v4, vm0, $0xb8;
	[tilespmem:$0x1B000] =	vst v63  }
0x1ad: {  	s10 =	simm.s32 $0x16800  }
0x1ae: {  	[tilespmem:s10], [sflag:$0x4] =	stream.indirect_vreg.gather [hbm4b:s2+s3], $0x80, v3, vm0, $0xb8;
	[tilespmem:$0x1B000] =	vst v63  }
0x1af: {  	s11 =	simm.s32 $0x17000  }
0x1b0: {  	[tilespmem:s11], [sflag:$0x4] =	stream.indirect_vreg.gather [hbm4b:s31+s3], $0x80, v3, vm0, $0xb8;
	[tilespmem:$0x1B000] =	vst v63  }
0x1b1: {  	s12 =	simm.s32 $0x17800  }
0x1b2: {  	[tilespmem:s12], [sflag:$0x4] =	stream.indirect_vreg.gather [hbm4b:s0+s3], $0x80, v3, vm0, $0xb8;
	[tilespmem:$0x1B000] =	vst v63  }
0x1b3: {  	v3 =	vld [tilespmem:$0x2390];
	_ =	sdelay $0x4  }
0x1b4: {  	v15 =	vshrl.u32 v3, $0x3  }
0x1b5: {  	v4 =	vmul.u32 $0x30, v15  }
0x1b6: {  	v3 =	vand.u32 $0x7, v3  }
0x1b7: {  	v3 =	vor.u32 v3, v4  }
0x1b8: {  	v4 =	vperm.xlane v3, v0;
	_ =	sdelay $0x1  }
0x1b9: {  	v4 =	vadd.s32 v1, v4;
	_ =	sdelay $0x3  }
0x1ba: {  	s15 =	simm.s32 $0x18000;
	v3 =	vperm.xlane v3, v2  }
0x1bb: {  	[tilespmem:s15], [sflag:$0x4] =	stream.indirect_vreg.gather [hbm4b:s2+s3], $0x80, v4, vm0, $0xb8;
	[tilespmem:$0x1B000] =	vst v63  }
0x1bc: {  	s8 =	simm.s32 $0x18800;
	v3 =	vadd.s32 v1, v3  }
0x1bd: {  	[tilespmem:s8], [sflag:$0x4] =	stream.indirect_vreg.gather [hbm4b:s31+s3], $0x80, v4, vm0, $0xb8;
	[tilespmem:$0x1B000] =	vst v63  }
0x1be: {  	s9 =	simm.s32 $0x19000  }
0x1bf: {  	[tilespmem:s9], [sflag:$0x4] =	stream.indirect_vreg.gather [hbm4b:s0+s3], $0x80, v4, vm0, $0xb8;
	[tilespmem:$0x1B000] =	vst v63  }
0x1c0: {  	s10 =	simm.s32 $0x19800  }
0x1c1: {  	[tilespmem:s10], [sflag:$0x4] =	stream.indirect_vreg.gather [hbm4b:s2+s3], $0x80, v3, vm0, $0xb8;
	[tilespmem:$0x1B000] =	vst v63  }
0x1c2: {  	s12 =	simm.s32 $0x1A000  }
0x1c3: {  	[tilespmem:s12], [sflag:$0x4] =	stream.indirect_vreg.gather [hbm4b:s31+s3], $0x80, v3, vm0, $0xb8;
	[tilespmem:$0x1B000] =	vst v63  }
0x1c4: {  	s15 =	simm.s32 $0x1A800  }
0x1c5: {  	[tilespmem:s15], [sflag:$0x4] =	stream.indirect_vreg.gather [hbm4b:s0+s3], $0x80, v3, vm0, $0xb8;
	[tilespmem:$0x1B000] =	vst v63  }
0x1c6: {  	_ =	swait.ge [sflag:s14], $0x6000  }
0x1c7: {  	[sflag:s14] =	ssyncset.done $0x0  }
0x1c8: {  	[sflag:s14] =	ssyncadd.s32 $0xFFFFA000  }
0x1c9: {  	s1 =	sld [smem:$0x7F8];
	_ =	sdelay $0x2  }
0x1ca: {  	[hbm4b:s1+s3] =	stream.linear.scatter [tilespmem:s6], [sflag:$0x6], $0x6000, $0x38;
	[tilespmem:$0x1B000] =	vst v63  }
0x1cb: {  	_ =	swait.ge [sflag:s30], $0x6000  }
0x1cc: {  	[sflag:s30] =	ssyncset.done $0x0  }
0x1cd: {  	[sflag:s30] =	ssyncadd.s32 $0xFFFFA000  }
0x1ce: {  	v3 =	vld [tilespmem:$0x2400];
	_ =	sdelay $0x4  }
0x1cf: {  	v16 =	vshrl.u32 v3, $0x3  }
0x1d0: {  	v4 =	vmul.u32 $0x30, v16  }
0x1d1: {  	v3 =	vand.u32 $0x7, v3  }
0x1d2: {  	v3 =	vor.u32 v3, v4  }
0x1d3: {  	v4 =	vperm.xlane v3, v0;
	_ =	sdelay $0x1  }
0x1d4: {  	v4 =	vadd.s32 v1, v4;
	_ =	sdelay $0x3  }
0x1d5: {  	v3 =	vperm.xlane v3, v2  }
0x1d6: {  	[tilespmem:s29], [sflag:$0x1] =	stream.indirect_vreg.gather [hbm4b:s2+s3], $0x80, v4, vm0, $0xb8;
	[tilespmem:$0x1B000] =	vst v63  }
0x1d7: {  	s1 =	simm.s32 $0x3800;
	v3 =	vadd.s32 v1, v3  }
0x1d8: {  	[tilespmem:s1], [sflag:$0x1] =	stream.indirect_vreg.gather [hbm4b:s31+s3], $0x80, v4, vm0, $0xb8;
	[tilespmem:$0x1B000] =	vst v63  }
0x1d9: {  	s1 =	simm.s32 $0x4000  }
0x1da: {  	[tilespmem:s1], [sflag:$0x1] =	stream.indirect_vreg.gather [hbm4b:s0+s3], $0x80, v4, vm0, $0xb8;
	[tilespmem:$0x1B000] =	vst v63  }
0x1db: {  	s1 =	simm.s32 $0x4800  }
0x1dc: {  	[tilespmem:s1], [sflag:$0x1] =	stream.indirect_vreg.gather [hbm4b:s2+s3], $0x80, v3, vm0, $0xb8;
	[tilespmem:$0x1B000] =	vst v63  }
0x1dd: {  	s1 =	simm.s32 $0x5000  }
0x1de: {  	[tilespmem:s1], [sflag:$0x1] =	stream.indirect_vreg.gather [hbm4b:s31+s3], $0x80, v3, vm0, $0xb8;
	[tilespmem:$0x1B000] =	vst v63  }
0x1df: {  	s1 =	simm.s32 $0x5800  }
0x1e0: {  	[tilespmem:s1], [sflag:$0x1] =	stream.indirect_vreg.gather [hbm4b:s0+s3], $0x80, v3, vm0, $0xb8;
	[tilespmem:$0x1B000] =	vst v63  }
0x1e1: {  	v3 =	vld [tilespmem:$0x2410];
	_ =	sdelay $0x4  }
0x1e2: {  	v17 =	vshrl.u32 v3, $0x3  }
0x1e3: {  	v4 =	vmul.u32 $0x30, v17  }
0x1e4: {  	v3 =	vand.u32 $0x7, v3  }
0x1e5: {  	v3 =	vor.u32 v3, v4  }
0x1e6: {  	v4 =	vperm.xlane v3, v0;
	_ =	sdelay $0x1  }
0x1e7: {  	v4 =	vadd.s32 v1, v4;
	_ =	sdelay $0x3  }
0x1e8: {  	s1 =	simm.s32 $0x6000;
	v3 =	vperm.xlane v3, v2  }
0x1e9: {  	[tilespmem:s1], [sflag:$0x1] =	stream.indirect_vreg.gather [hbm4b:s2+s3], $0x80, v4, vm0, $0xb8;
	[tilespmem:$0x1B000] =	vst v63  }
0x1ea: {  	v3 =	vadd.s32 v1, v3;
	s1 =	simm.s32 $0x6800  }
0x1eb: {  	[tilespmem:s1], [sflag:$0x1] =	stream.indirect_vreg.gather [hbm4b:s31+s3], $0x80, v4, vm0, $0xb8;
	[tilespmem:$0x1B000] =	vst v63  }
0x1ec: {  	s1 =	simm.s32 $0x7000  }
0x1ed: {  	[tilespmem:s1], [sflag:$0x1] =	stream.indirect_vreg.gather [hbm4b:s0+s3], $0x80, v4, vm0, $0xb8;
	[tilespmem:$0x1B000] =	vst v63  }
0x1ee: {  	s1 =	simm.s32 $0x7800  }
0x1ef: {  	[tilespmem:s1], [sflag:$0x1] =	stream.indirect_vreg.gather [hbm4b:s2+s3], $0x80, v3, vm0, $0xb8;
	[tilespmem:$0x1B000] =	vst v63  }
0x1f0: {  	s1 =	simm.s32 $0x8000  }
0x1f1: {  	[tilespmem:s1], [sflag:$0x1] =	stream.indirect_vreg.gather [hbm4b:s31+s3], $0x80, v3, vm0, $0xb8;
	[tilespmem:$0x1B000] =	vst v63  }
0x1f2: {  	s1 =	simm.s32 $0x8800  }
0x1f3: {  	[tilespmem:s1], [sflag:$0x1] =	stream.indirect_vreg.gather [hbm4b:s0+s3], $0x80, v3, vm0, $0xb8;
	[tilespmem:$0x1B000] =	vst v63  }
0x1f4: {  	_ =	swait.ge [sflag:s16], $0x6000  }
0x1f5: {  	s1 =	sld [smem:$0x7F9]  }
0x1f6: {  	[sflag:s16] =	ssyncset.done $0x0  }
0x1f7: {  	[sflag:s16] =	ssyncadd.s32 $0xFFFFA000  }
0x1f8: {  	[hbm4b:s1+s3] =	stream.linear.scatter [tilespmem:s5], [sflag:$0x7], $0x6000, $0x38;
	[tilespmem:$0x1B000] =	vst v63  }
0x1f9: {  	_ =	swait.ge [sflag:s17], $0x6000  }
0x1fa: {  	[sflag:s17] =	ssyncset.done $0x0  }
0x1fb: {  	[sflag:s17] =	ssyncadd.s32 $0xFFFFA000  }
0x1fc: {  	v3 =	vld [tilespmem:$0x2480];
	_ =	sdelay $0x4  }
0x1fd: {  	v18 =	vshrl.u32 v3, $0x3  }
0x1fe: {  	v4 =	vmul.u32 $0x30, v18  }
0x1ff: {  	v3 =	vand.u32 $0x7, v3  }
0x200: {  	v3 =	vor.u32 v3, v4  }
0x201: {  	v4 =	vperm.xlane v3, v0;
	_ =	sdelay $0x1  }
0x202: {  	v4 =	vadd.s32 v1, v4;
	_ =	sdelay $0x3  }
0x203: {  	v3 =	vperm.xlane v3, v2  }
0x204: {  	[tilespmem:s6], [sflag:$0x2] =	stream.indirect_vreg.gather [hbm4b:s2+s3], $0x80, v4, vm0, $0xb8;
	[tilespmem:$0x1B000] =	vst v63  }
0x205: {  	s1 =	simm.s32 $0x9800;
	v3 =	vadd.s32 v1, v3  }
0x206: {  	[tilespmem:s1], [sflag:$0x2] =	stream.indirect_vreg.gather [hbm4b:s31+s3], $0x80, v4, vm0, $0xb8;
	[tilespmem:$0x1B000] =	vst v63  }
0x207: {  	s1 =	simm.s32 $0xA000  }
0x208: {  	[tilespmem:s1], [sflag:$0x2] =	stream.indirect_vreg.gather [hbm4b:s0+s3], $0x80, v4, vm0, $0xb8;
	[tilespmem:$0x1B000] =	vst v63  }
0x209: {  	s1 =	simm.s32 $0xA800  }
0x20a: {  	[tilespmem:s1], [sflag:$0x2] =	stream.indirect_vreg.gather [hbm4b:s2+s3], $0x80, v3, vm0, $0xb8;
	[tilespmem:$0x1B000] =	vst v63  }
0x20b: {  	s1 =	simm.s32 $0xB000  }
0x20c: {  	[tilespmem:s1], [sflag:$0x2] =	stream.indirect_vreg.gather [hbm4b:s31+s3], $0x80, v3, vm0, $0xb8;
	[tilespmem:$0x1B000] =	vst v63  }
0x20d: {  	s1 =	simm.s32 $0xB800  }
0x20e: {  	[tilespmem:s1], [sflag:$0x2] =	stream.indirect_vreg.gather [hbm4b:s0+s3], $0x80, v3, vm0, $0xb8;
	[tilespmem:$0x1B000] =	vst v63  }
0x20f: {  	v3 =	vld [tilespmem:$0x2490];
	_ =	sdelay $0x4  }
0x210: {  	v19 =	vshrl.u32 v3, $0x3  }
0x211: {  	v4 =	vmul.u32 $0x30, v19  }
0x212: {  	v3 =	vand.u32 $0x7, v3  }
0x213: {  	v3 =	vor.u32 v3, v4  }
0x214: {  	v4 =	vperm.xlane v3, v0;
	_ =	sdelay $0x1  }
0x215: {  	v4 =	vadd.s32 v1, v4;
	_ =	sdelay $0x3  }
0x216: {  	s1 =	simm.s32 $0xC000;
	v3 =	vperm.xlane v3, v2  }
0x217: {  	[tilespmem:s1], [sflag:$0x2] =	stream.indirect_vreg.gather [hbm4b:s2+s3], $0x80, v4, vm0, $0xb8;
	[tilespmem:$0x1B000] =	vst v63  }
0x218: {  	v3 =	vadd.s32 v1, v3;
	s1 =	simm.s32 $0xC800  }
0x219: {  	[tilespmem:s1], [sflag:$0x2] =	stream.indirect_vreg.gather [hbm4b:s31+s3], $0x80, v4, vm0, $0xb8;
	[tilespmem:$0x1B000] =	vst v63  }
0x21a: {  	s1 =	simm.s32 $0xD000  }
0x21b: {  	[tilespmem:s1], [sflag:$0x2] =	stream.indirect_vreg.gather [hbm4b:s0+s3], $0x80, v4, vm0, $0xb8;
	[tilespmem:$0x1B000] =	vst v63  }
0x21c: {  	s1 =	simm.s32 $0xD800  }
0x21d: {  	[tilespmem:s1], [sflag:$0x2] =	stream.indirect_vreg.gather [hbm4b:s2+s3], $0x80, v3, vm0, $0xb8;
	[tilespmem:$0x1B000] =	vst v63  }
0x21e: {  	s1 =	simm.s32 $0xE000  }
0x21f: {  	[tilespmem:s1], [sflag:$0x2] =	stream.indirect_vreg.gather [hbm4b:s31+s3], $0x80, v3, vm0, $0xb8;
	[tilespmem:$0x1B000] =	vst v63  }
0x220: {  	s1 =	simm.s32 $0xE800  }
0x221: {  	[tilespmem:s1], [sflag:$0x2] =	stream.indirect_vreg.gather [hbm4b:s0+s3], $0x80, v3, vm0, $0xb8;
	[tilespmem:$0x1B000] =	vst v63  }
0x222: {  	_ =	swait.ge [sflag:s18], $0x6000  }
0x223: {  	s1 =	sld [smem:$0x7FA]  }
0x224: {  	[sflag:s18] =	ssyncset.done $0x0  }
0x225: {  	[sflag:s18] =	ssyncadd.s32 $0xFFFFA000  }
0x226: {  	[hbm4b:s1+s3] =	stream.linear.scatter [tilespmem:s4], [sflag:$0x8], $0x6000, $0x38;
	[tilespmem:$0x1B000] =	vst v63  }
0x227: {  	_ =	swait.ge [sflag:s20], $0x6000  }
0x228: {  	[sflag:s20] =	ssyncset.done $0x0  }
0x229: {  	[sflag:s20] =	ssyncadd.s32 $0xFFFFA000  }
0x22a: {  	v3 =	vld [tilespmem:$0x2500];
	_ =	sdelay $0x4  }
0x22b: {  	v20 =	vshrl.u32 v3, $0x3  }
0x22c: {  	v4 =	vmul.u32 $0x30, v20  }
0x22d: {  	v3 =	vand.u32 $0x7, v3  }
0x22e: {  	v3 =	vor.u32 v3, v4  }
0x22f: {  	v4 =	vperm.xlane v3, v0;
	_ =	sdelay $0x1  }
0x230: {  	v4 =	vadd.s32 v1, v4;
	_ =	sdelay $0x3  }
0x231: {  	v3 =	vperm.xlane v3, v2  }
0x232: {  	[tilespmem:s5], [sflag:$0x3] =	stream.indirect_vreg.gather [hbm4b:s2+s3], $0x80, v4, vm0, $0xb8;
	[tilespmem:$0x1B000] =	vst v63  }
0x233: {  	s7 =	simm.s32 $0xF800;
	v3 =	vadd.s32 v1, v3  }
0x234: {  	[tilespmem:s7], [sflag:$0x3] =	stream.indirect_vreg.gather [hbm4b:s31+s3], $0x80, v4, vm0, $0xb8;
	[tilespmem:$0x1B000] =	vst v63  }
0x235: {  	s19 =	simm.s32 $0x10000  }
0x236: {  	[tilespmem:s19], [sflag:$0x3] =	stream.indirect_vreg.gather [hbm4b:s0+s3], $0x80, v4, vm0, $0xb8;
	[tilespmem:$0x1B000] =	vst v63  }
0x237: {  	s23 =	simm.s32 $0x10800  }
0x238: {  	[tilespmem:s23], [sflag:$0x3] =	stream.indirect_vreg.gather [hbm4b:s2+s3], $0x80, v3, vm0, $0xb8;
	[tilespmem:$0x1B000] =	vst v63  }
0x239: {  	s24 =	simm.s32 $0x11000  }
0x23a: {  	[tilespmem:s24], [sflag:$0x3] =	stream.indirect_vreg.gather [hbm4b:s31+s3], $0x80, v3, vm0, $0xb8;
	[tilespmem:$0x1B000] =	vst v63  }
0x23b: {  	s7 =	simm.s32 $0x11800  }
0x23c: {  	[tilespmem:s7], [sflag:$0x3] =	stream.indirect_vreg.gather [hbm4b:s0+s3], $0x80, v3, vm0, $0xb8;
	[tilespmem:$0x1B000] =	vst v63  }
0x23d: {  	v3 =	vld [tilespmem:$0x2510];
	_ =	sdelay $0x4  }
0x23e: {  	v21 =	vshrl.u32 v3, $0x3  }
0x23f: {  	v4 =	vmul.u32 $0x30, v21  }
0x240: {  	v3 =	vand.u32 $0x7, v3  }
0x241: {  	v3 =	vor.u32 v3, v4  }
0x242: {  	v4 =	vperm.xlane v3, v0;
	_ =	sdelay $0x1  }
0x243: {  	v4 =	vadd.s32 v1, v4;
	_ =	sdelay $0x3  }
0x244: {  	s24 =	simm.s32 $0x12000;
	v3 =	vperm.xlane v3, v2  }
0x245: {  	[tilespmem:s24], [sflag:$0x3] =	stream.indirect_vreg.gather [hbm4b:s2+s3], $0x80, v4, vm0, $0xb8;
	[tilespmem:$0x1B000] =	vst v63  }
0x246: {  	s7 =	simm.s32 $0x12800;
	v3 =	vadd.s32 v1, v3  }
0x247: {  	[tilespmem:s7], [sflag:$0x3] =	stream.indirect_vreg.gather [hbm4b:s31+s3], $0x80, v4, vm0, $0xb8;
	[tilespmem:$0x1B000] =	vst v63  }
0x248: {  	s24 =	simm.s32 $0x13000  }
0x249: {  	[tilespmem:s24], [sflag:$0x3] =	stream.indirect_vreg.gather [hbm4b:s0+s3], $0x80, v4, vm0, $0xb8;
	[tilespmem:$0x1B000] =	vst v63  }
0x24a: {  	s7 =	simm.s32 $0x13800  }
0x24b: {  	[tilespmem:s7], [sflag:$0x3] =	stream.indirect_vreg.gather [hbm4b:s2+s3], $0x80, v3, vm0, $0xb8;
	[tilespmem:$0x1B000] =	vst v63  }
0x24c: {  	s24 =	simm.s32 $0x14000  }
0x24d: {  	[tilespmem:s24], [sflag:$0x3] =	stream.indirect_vreg.gather [hbm4b:s31+s3], $0x80, v3, vm0, $0xb8;
	[tilespmem:$0x1B000] =	vst v63  }
0x24e: {  	s7 =	simm.s32 $0x14800  }
0x24f: {  	[tilespmem:s7], [sflag:$0x3] =	stream.indirect_vreg.gather [hbm4b:s0+s3], $0x80, v3, vm0, $0xb8;
	[tilespmem:$0x1B000] =	vst v63  }
0x250: {  	_ =	swait.ge [sflag:s26], $0x6000  }
0x251: {  	s24 =	sld [smem:$0x7FB]  }
0x252: {  	[sflag:s26] =	ssyncset.done $0x0  }
0x253: {  	[sflag:s26] =	ssyncadd.s32 $0xFFFFA000  }
0x254: {  	[hbm4b:s24+s3] =	stream.linear.scatter [tilespmem:s29], [sflag:$0x5], $0x6000, $0x38;
	[tilespmem:$0x1B000] =	vst v63  }
0x255: {  	_ =	swait.ge [sflag:s21], $0x6000  }
0x256: {  	[sflag:s21] =	ssyncset.done $0x0  }
0x257: {  	[sflag:s21] =	ssyncadd.s32 $0xFFFFA000  }
0x258: {  	v3 =	vld [tilespmem:$0x2580];
	_ =	sdelay $0x4  }
0x259: {  	v22 =	vshrl.u32 v3, $0x3  }
0x25a: {  	v4 =	vmul.u32 $0x30, v22  }
0x25b: {  	v3 =	vand.u32 $0x7, v3  }
0x25c: {  	v3 =	vor.u32 v3, v4  }
0x25d: {  	v4 =	vperm.xlane v3, v0;
	_ =	sdelay $0x1  }
0x25e: {  	v4 =	vadd.s32 v1, v4;
	_ =	sdelay $0x3  }
0x25f: {  	v3 =	vperm.xlane v3, v2  }
0x260: {  	[tilespmem:s4], [sflag:$0x4] =	stream.indirect_vreg.gather [hbm4b:s2+s3], $0x80, v4, vm0, $0xb8;
	[tilespmem:$0x1B000] =	vst v63  }
0x261: {  	s25 =	simm.s32 $0x15800;
	v3 =	vadd.s32 v1, v3  }
0x262: {  	[tilespmem:s25], [sflag:$0x4] =	stream.indirect_vreg.gather [hbm4b:s31+s3], $0x80, v4, vm0, $0xb8;
	[tilespmem:$0x1B000] =	vst v63  }
0x263: {  	s28 =	simm.s32 $0x16000  }
0x264: {  	[tilespmem:s28], [sflag:$0x4] =	stream.indirect_vreg.gather [hbm4b:s0+s3], $0x80, v4, vm0, $0xb8;
	[tilespmem:$0x1B000] =	vst v63  }
0x265: {  	s22 =	simm.s32 $0x16800  }
0x266: {  	[tilespmem:s22], [sflag:$0x4] =	stream.indirect_vreg.gather [hbm4b:s2+s3], $0x80, v3, vm0, $0xb8;
	[tilespmem:$0x1B000] =	vst v63  }
0x267: {  	s13 =	simm.s32 $0x17000  }
0x268: {  	[tilespmem:s13], [sflag:$0x4] =	stream.indirect_vreg.gather [hbm4b:s31+s3], $0x80, v3, vm0, $0xb8;
	[tilespmem:$0x1B000] =	vst v63  }
0x269: {  	s7 =	simm.s32 $0x17800  }
0x26a: {  	[tilespmem:s7], [sflag:$0x4] =	stream.indirect_vreg.gather [hbm4b:s0+s3], $0x80, v3, vm0, $0xb8;
	[tilespmem:$0x1B000] =	vst v63  }
0x26b: {  	v3 =	vld [tilespmem:$0x2590];
	_ =	sdelay $0x4  }
0x26c: {  	v23 =	vshrl.u32 v3, $0x3  }
0x26d: {  	v4 =	vmul.u32 $0x30, v23  }
0x26e: {  	v3 =	vand.u32 $0x7, v3  }
0x26f: {  	v3 =	vor.u32 v3, v4  }
0x270: {  	v4 =	vperm.xlane v3, v0;
	_ =	sdelay $0x1  }
0x271: {  	v4 =	vadd.s32 v1, v4;
	_ =	sdelay $0x3  }
0x272: {  	s11 =	simm.s32 $0x18000;
	v3 =	vperm.xlane v3, v2  }
0x273: {  	[tilespmem:s11], [sflag:$0x4] =	stream.indirect_vreg.gather [hbm4b:s2+s3], $0x80, v4, vm0, $0xb8;
	[tilespmem:$0x1B000] =	vst v63  }
0x274: {  	s8 =	simm.s32 $0x18800;
	v3 =	vadd.s32 v1, v3  }
0x275: {  	[tilespmem:s8], [sflag:$0x4] =	stream.indirect_vreg.gather [hbm4b:s31+s3], $0x80, v4, vm0, $0xb8;
	[tilespmem:$0x1B000] =	vst v63  }
0x276: {  	s9 =	simm.s32 $0x19000  }
0x277: {  	[tilespmem:s9], [sflag:$0x4] =	stream.indirect_vreg.gather [hbm4b:s0+s3], $0x80, v4, vm0, $0xb8;
	[tilespmem:$0x1B000] =	vst v63  }
0x278: {  	s10 =	simm.s32 $0x19800  }
0x279: {  	[tilespmem:s10], [sflag:$0x4] =	stream.indirect_vreg.gather [hbm4b:s2+s3], $0x80, v3, vm0, $0xb8;
	[tilespmem:$0x1B000] =	vst v63  }
0x27a: {  	s12 =	simm.s32 $0x1A000  }
0x27b: {  	[tilespmem:s12], [sflag:$0x4] =	stream.indirect_vreg.gather [hbm4b:s31+s3], $0x80, v3, vm0, $0xb8;
	[tilespmem:$0x1B000] =	vst v63  }
0x27c: {  	s15 =	simm.s32 $0x1A800  }
0x27d: {  	[tilespmem:s15], [sflag:$0x4] =	stream.indirect_vreg.gather [hbm4b:s0+s3], $0x80, v3, vm0, $0xb8;
	[tilespmem:$0x1B000] =	vst v63  }
0x27e: {  	_ =	swait.ge [sflag:s14], $0x6000  }
0x27f: {  	s22 =	sld [smem:$0x7FC]  }
0x280: {  	[sflag:s14] =	ssyncset.done $0x0  }
0x281: {  	[sflag:s14] =	ssyncadd.s32 $0xFFFFA000  }
0x282: {  	[hbm4b:s22+s3] =	stream.linear.scatter [tilespmem:s6], [sflag:$0x6], $0x6000, $0x38;
	[tilespmem:$0x1B000] =	vst v63  }
0x283: {  	_ =	swait.ge [sflag:s30], $0x6000  }
0x284: {  	[sflag:s30] =	ssyncset.done $0x0  }
0x285: {  	[sflag:s30] =	ssyncadd.s32 $0xFFFFA000  }
0x286: {  	v3 =	vld [tilespmem:$0x2600];
	_ =	sdelay $0x4  }
0x287: {  	v24 =	vshrl.u32 v3, $0x3  }
0x288: {  	v4 =	vmul.u32 $0x30, v24  }
0x289: {  	v3 =	vand.u32 $0x7, v3  }
0x28a: {  	v3 =	vor.u32 v3, v4  }
0x28b: {  	v4 =	vperm.xlane v3, v0;
	_ =	sdelay $0x1  }
0x28c: {  	v4 =	vadd.s32 v1, v4;
	_ =	sdelay $0x3  }
0x28d: {  	v3 =	vperm.xlane v3, v2  }
0x28e: {  	[tilespmem:s29], [sflag:$0x1] =	stream.indirect_vreg.gather [hbm4b:s2+s3], $0x80, v4, vm0, $0xb8;
	[tilespmem:$0x1B000] =	vst v63  }
0x28f: {  	s22 =	simm.s32 $0x3800;
	v3 =	vadd.s32 v1, v3  }
0x290: {  	[tilespmem:s22], [sflag:$0x1] =	stream.indirect_vreg.gather [hbm4b:s31+s3], $0x80, v4, vm0, $0xb8;
	[tilespmem:$0x1B000] =	vst v63  }
0x291: {  	s22 =	simm.s32 $0x4000  }
0x292: {  	[tilespmem:s22], [sflag:$0x1] =	stream.indirect_vreg.gather [hbm4b:s0+s3], $0x80, v4, vm0, $0xb8;
	[tilespmem:$0x1B000] =	vst v63  }
0x293: {  	s22 =	simm.s32 $0x4800  }
0x294: {  	[tilespmem:s22], [sflag:$0x1] =	stream.indirect_vreg.gather [hbm4b:s2+s3], $0x80, v3, vm0, $0xb8;
	[tilespmem:$0x1B000] =	vst v63  }
0x295: {  	s22 =	simm.s32 $0x5000  }
0x296: {  	[tilespmem:s22], [sflag:$0x1] =	stream.indirect_vreg.gather [hbm4b:s31+s3], $0x80, v3, vm0, $0xb8;
	[tilespmem:$0x1B000] =	vst v63  }
0x297: {  	s22 =	simm.s32 $0x5800  }
0x298: {  	[tilespmem:s22], [sflag:$0x1] =	stream.indirect_vreg.gather [hbm4b:s0+s3], $0x80, v3, vm0, $0xb8;
	[tilespmem:$0x1B000] =	vst v63  }
0x299: {  	v3 =	vld [tilespmem:$0x2610];
	_ =	sdelay $0x4  }
0x29a: {  	v25 =	vshrl.u32 v3, $0x3  }
0x29b: {  	v4 =	vmul.u32 $0x30, v25  }
0x29c: {  	v3 =	vand.u32 $0x7, v3  }
0x29d: {  	v3 =	vor.u32 v3, v4  }
0x29e: {  	v4 =	vperm.xlane v3, v0;
	_ =	sdelay $0x1  }
0x29f: {  	v4 =	vadd.s32 v1, v4;
	_ =	sdelay $0x3  }
0x2a0: {  	s22 =	simm.s32 $0x6000;
	v3 =	vperm.xlane v3, v2  }
0x2a1: {  	[tilespmem:s22], [sflag:$0x1] =	stream.indirect_vreg.gather [hbm4b:s2+s3], $0x80, v4, vm0, $0xb8;
	[tilespmem:$0x1B000] =	vst v63  }
0x2a2: {  	v3 =	vadd.s32 v1, v3;
	s22 =	simm.s32 $0x6800  }
0x2a3: {  	[tilespmem:s22], [sflag:$0x1] =	stream.indirect_vreg.gather [hbm4b:s31+s3], $0x80, v4, vm0, $0xb8;
	[tilespmem:$0x1B000] =	vst v63  }
0x2a4: {  	s22 =	simm.s32 $0x7000  }
0x2a5: {  	[tilespmem:s22], [sflag:$0x1] =	stream.indirect_vreg.gather [hbm4b:s0+s3], $0x80, v4, vm0, $0xb8;
	[tilespmem:$0x1B000] =	vst v63  }
0x2a6: {  	s22 =	simm.s32 $0x7800  }
0x2a7: {  	[tilespmem:s22], [sflag:$0x1] =	stream.indirect_vreg.gather [hbm4b:s2+s3], $0x80, v3, vm0, $0xb8;
	[tilespmem:$0x1B000] =	vst v63  }
0x2a8: {  	s22 =	simm.s32 $0x8000  }
0x2a9: {  	[tilespmem:s22], [sflag:$0x1] =	stream.indirect_vreg.gather [hbm4b:s31+s3], $0x80, v3, vm0, $0xb8;
	[tilespmem:$0x1B000] =	vst v63  }
0x2aa: {  	s22 =	simm.s32 $0x8800  }
0x2ab: {  	[tilespmem:s22], [sflag:$0x1] =	stream.indirect_vreg.gather [hbm4b:s0+s3], $0x80, v3, vm0, $0xb8;
	[tilespmem:$0x1B000] =	vst v63  }
0x2ac: {  	_ =	swait.ge [sflag:s16], $0x6000  }
0x2ad: {  	s22 =	sld [smem:$0x7FD]  }
0x2ae: {  	[sflag:s16] =	ssyncset.done $0x0  }
0x2af: {  	[sflag:s16] =	ssyncadd.s32 $0xFFFFA000  }
0x2b0: {  	[hbm4b:s22+s3] =	stream.linear.scatter [tilespmem:s5], [sflag:$0x7], $0x6000, $0x38;
	[tilespmem:$0x1B000] =	vst v63  }
0x2b1: {  	_ =	swait.ge [sflag:s17], $0x6000  }
0x2b2: {  	[sflag:s17] =	ssyncset.done $0x0  }
0x2b3: {  	[sflag:s17] =	ssyncadd.s32 $0xFFFFA000  }
0x2b4: {  	v3 =	vld [tilespmem:$0x2680];
	_ =	sdelay $0x4  }
0x2b5: {  	v26 =	vshrl.u32 v3, $0x3  }
0x2b6: {  	v4 =	vmul.u32 $0x30, v26  }
0x2b7: {  	v3 =	vand.u32 $0x7, v3  }
0x2b8: {  	v3 =	vor.u32 v3, v4  }
0x2b9: {  	v4 =	vperm.xlane v3, v0;
	_ =	sdelay $0x1  }
0x2ba: {  	v4 =	vadd.s32 v1, v4;
	_ =	sdelay $0x3  }
0x2bb: {  	v3 =	vperm.xlane v3, v2  }
0x2bc: {  	[tilespmem:s6], [sflag:$0x2] =	stream.indirect_vreg.gather [hbm4b:s2+s3], $0x80, v4, vm0, $0xb8;
	[tilespmem:$0x1B000] =	vst v63  }
0x2bd: {  	s22 =	simm.s32 $0x9800;
	v3 =	vadd.s32 v1, v3  }
0x2be: {  	[tilespmem:s22], [sflag:$0x2] =	stream.indirect_vreg.gather [hbm4b:s31+s3], $0x80, v4, vm0, $0xb8;
	[tilespmem:$0x1B000] =	vst v63  }
0x2bf: {  	s22 =	simm.s32 $0xA000  }
0x2c0: {  	[tilespmem:s22], [sflag:$0x2] =	stream.indirect_vreg.gather [hbm4b:s0+s3], $0x80, v4, vm0, $0xb8;
	[tilespmem:$0x1B000] =	vst v63  }
0x2c1: {  	s22 =	simm.s32 $0xA800  }
0x2c2: {  	[tilespmem:s22], [sflag:$0x2] =	stream.indirect_vreg.gather [hbm4b:s2+s3], $0x80, v3, vm0, $0xb8;
	[tilespmem:$0x1B000] =	vst v63  }
0x2c3: {  	s22 =	simm.s32 $0xB000  }
0x2c4: {  	[tilespmem:s22], [sflag:$0x2] =	stream.indirect_vreg.gather [hbm4b:s31+s3], $0x80, v3, vm0, $0xb8;
	[tilespmem:$0x1B000] =	vst v63  }
0x2c5: {  	s22 =	simm.s32 $0xB800  }
0x2c6: {  	[tilespmem:s22], [sflag:$0x2] =	stream.indirect_vreg.gather [hbm4b:s0+s3], $0x80, v3, vm0, $0xb8;
	[tilespmem:$0x1B000] =	vst v63  }
0x2c7: {  	v3 =	vld [tilespmem:$0x2690];
	_ =	sdelay $0x4  }
0x2c8: {  	v27 =	vshrl.u32 v3, $0x3  }
0x2c9: {  	v4 =	vmul.u32 $0x30, v27  }
0x2ca: {  	v3 =	vand.u32 $0x7, v3  }
0x2cb: {  	v3 =	vor.u32 v3, v4  }
0x2cc: {  	v4 =	vperm.xlane v3, v0;
	_ =	sdelay $0x1  }
0x2cd: {  	v4 =	vadd.s32 v1, v4;
	_ =	sdelay $0x3  }
0x2ce: {  	s22 =	simm.s32 $0xC000;
	v3 =	vperm.xlane v3, v2  }
0x2cf: {  	[tilespmem:s22], [sflag:$0x2] =	stream.indirect_vreg.gather [hbm4b:s2+s3], $0x80, v4, vm0, $0xb8;
	[tilespmem:$0x1B000] =	vst v63  }
0x2d0: {  	v3 =	vadd.s32 v1, v3;
	s22 =	simm.s32 $0xC800  }
0x2d1: {  	[tilespmem:s22], [sflag:$0x2] =	stream.indirect_vreg.gather [hbm4b:s31+s3], $0x80, v4, vm0, $0xb8;
	[tilespmem:$0x1B000] =	vst v63  }
0x2d2: {  	s22 =	simm.s32 $0xD000  }
0x2d3: {  	[tilespmem:s22], [sflag:$0x2] =	stream.indirect_vreg.gather [hbm4b:s0+s3], $0x80, v4, vm0, $0xb8;
	[tilespmem:$0x1B000] =	vst v63  }
0x2d4: {  	s22 =	simm.s32 $0xD800  }
0x2d5: {  	[tilespmem:s22], [sflag:$0x2] =	stream.indirect_vreg.gather [hbm4b:s2+s3], $0x80, v3, vm0, $0xb8;
	[tilespmem:$0x1B000] =	vst v63  }
0x2d6: {  	s22 =	simm.s32 $0xE000  }
0x2d7: {  	[tilespmem:s22], [sflag:$0x2] =	stream.indirect_vreg.gather [hbm4b:s31+s3], $0x80, v3, vm0, $0xb8;
	[tilespmem:$0x1B000] =	vst v63  }
0x2d8: {  	s22 =	simm.s32 $0xE800  }
0x2d9: {  	[tilespmem:s22], [sflag:$0x2] =	stream.indirect_vreg.gather [hbm4b:s0+s3], $0x80, v3, vm0, $0xb8;
	[tilespmem:$0x1B000] =	vst v63  }
0x2da: {  	_ =	swait.ge [sflag:s18], $0x6000  }
0x2db: {  	[sflag:s18] =	ssyncset.done $0x0  }
0x2dc: {  	s22 =	rddreg [dreg:$0x6];
	[sflag:s18] =	ssyncadd.s32 $0xFFFFA000  }
0x2dd: {  	[hbm4b:s22+s3] =	stream.linear.scatter [tilespmem:s4], [sflag:$0x8], $0x6000, $0x38;
	[tilespmem:$0x1B000] =	vst v63  }
0x2de: {  	_ =	swait.ge [sflag:s20], $0x6000  }
0x2df: {  	[sflag:s20] =	ssyncset.done $0x0  }
0x2e0: {  	[sflag:s20] =	ssyncadd.s32 $0xFFFFA000  }
0x2e1: {  	v3 =	vld [tilespmem:$0x2700];
	_ =	sdelay $0x4  }
0x2e2: {  	v28 =	vshrl.u32 v3, $0x3  }
0x2e3: {  	v4 =	vmul.u32 $0x30, v28  }
0x2e4: {  	v3 =	vand.u32 $0x7, v3  }
0x2e5: {  	v3 =	vor.u32 v3, v4  }
0x2e6: {  	v4 =	vperm.xlane v3, v0;
	_ =	sdelay $0x1  }
0x2e7: {  	v4 =	vadd.s32 v1, v4;
	_ =	sdelay $0x3  }
0x2e8: {  	v3 =	vperm.xlane v3, v2  }
0x2e9: {  	[tilespmem:s5], [sflag:$0x3] =	stream.indirect_vreg.gather [hbm4b:s2+s3], $0x80, v4, vm0, $0xb8;
	[tilespmem:$0x1B000] =	vst v63  }
0x2ea: {  	s22 =	simm.s32 $0xF800;
	v3 =	vadd.s32 v1, v3  }
0x2eb: {  	[tilespmem:s22], [sflag:$0x3] =	stream.indirect_vreg.gather [hbm4b:s31+s3], $0x80, v4, vm0, $0xb8;
	[tilespmem:$0x1B000] =	vst v63  }
0x2ec: {  	s19 =	simm.s32 $0x10000  }
0x2ed: {  	[tilespmem:s19], [sflag:$0x3] =	stream.indirect_vreg.gather [hbm4b:s0+s3], $0x80, v4, vm0, $0xb8;
	[tilespmem:$0x1B000] =	vst v63  }
0x2ee: {  	s23 =	simm.s32 $0x10800  }
0x2ef: {  	[tilespmem:s23], [sflag:$0x3] =	stream.indirect_vreg.gather [hbm4b:s2+s3], $0x80, v3, vm0, $0xb8;
	[tilespmem:$0x1B000] =	vst v63  }
0x2f0: {  	s23 =	simm.s32 $0x11000  }
0x2f1: {  	[tilespmem:s23], [sflag:$0x3] =	stream.indirect_vreg.gather [hbm4b:s31+s3], $0x80, v3, vm0, $0xb8;
	[tilespmem:$0x1B000] =	vst v63  }
0x2f2: {  	s23 =	simm.s32 $0x11800  }
0x2f3: {  	[tilespmem:s23], [sflag:$0x3] =	stream.indirect_vreg.gather [hbm4b:s0+s3], $0x80, v3, vm0, $0xb8;
	[tilespmem:$0x1B000] =	vst v63  }
0x2f4: {  	v3 =	vld [tilespmem:$0x2710];
	_ =	sdelay $0x4  }
0x2f5: {  	v29 =	vshrl.u32 v3, $0x3  }
0x2f6: {  	v4 =	vmul.u32 $0x30, v29  }
0x2f7: {  	v3 =	vand.u32 $0x7, v3  }
0x2f8: {  	v3 =	vor.u32 v3, v4  }
0x2f9: {  	v4 =	vperm.xlane v3, v0;
	_ =	sdelay $0x1  }
0x2fa: {  	v4 =	vadd.s32 v1, v4;
	_ =	sdelay $0x3  }
0x2fb: {  	s23 =	simm.s32 $0x12000;
	v3 =	vperm.xlane v3, v2  }
0x2fc: {  	[tilespmem:s23], [sflag:$0x3] =	stream.indirect_vreg.gather [hbm4b:s2+s3], $0x80, v4, vm0, $0xb8;
	[tilespmem:$0x1B000] =	vst v63  }
0x2fd: {  	v3 =	vadd.s32 v1, v3;
	s23 =	simm.s32 $0x12800  }
0x2fe: {  	[tilespmem:s23], [sflag:$0x3] =	stream.indirect_vreg.gather [hbm4b:s31+s3], $0x80, v4, vm0, $0xb8;
	[tilespmem:$0x1B000] =	vst v63  }
0x2ff: {  	s23 =	simm.s32 $0x13000  }
0x300: {  	[tilespmem:s23], [sflag:$0x3] =	stream.indirect_vreg.gather [hbm4b:s0+s3], $0x80, v4, vm0, $0xb8;
	[tilespmem:$0x1B000] =	vst v63  }
0x301: {  	s23 =	simm.s32 $0x13800  }
0x302: {  	[tilespmem:s23], [sflag:$0x3] =	stream.indirect_vreg.gather [hbm4b:s2+s3], $0x80, v3, vm0, $0xb8;
	[tilespmem:$0x1B000] =	vst v63  }
0x303: {  	s23 =	simm.s32 $0x14000  }
0x304: {  	[tilespmem:s23], [sflag:$0x3] =	stream.indirect_vreg.gather [hbm4b:s31+s3], $0x80, v3, vm0, $0xb8;
	[tilespmem:$0x1B000] =	vst v63  }
0x305: {  	s23 =	simm.s32 $0x14800  }
0x306: {  	[tilespmem:s23], [sflag:$0x3] =	stream.indirect_vreg.gather [hbm4b:s0+s3], $0x80, v3, vm0, $0xb8;
	[tilespmem:$0x1B000] =	vst v63  }
0x307: {  	_ =	swait.ge [sflag:s26], $0x6000  }
0x308: {  	[sflag:s26] =	ssyncset.done $0x0  }
0x309: {  	s23 =	rddreg [dreg:$0x7];
	[sflag:s26] =	ssyncadd.s32 $0xFFFFA000  }
0x30a: {  	[hbm4b:s23+s3] =	stream.linear.scatter [tilespmem:s29], [sflag:$0x5], $0x6000, $0x38;
	[tilespmem:$0x1B000] =	vst v63  }
0x30b: {  	_ =	swait.ge [sflag:s21], $0x6000  }
0x30c: {  	[sflag:s21] =	ssyncset.done $0x0  }
0x30d: {  	[sflag:s21] =	ssyncadd.s32 $0xFFFFA000  }
0x30e: {  	v3 =	vld [tilespmem:$0x2780];
	_ =	sdelay $0x4  }
0x30f: {  	v30 =	vshrl.u32 v3, $0x3  }
0x310: {  	v4 =	vmul.u32 $0x30, v30  }
0x311: {  	v3 =	vand.u32 $0x7, v3  }
0x312: {  	v3 =	vor.u32 v3, v4  }
0x313: {  	v4 =	vperm.xlane v3, v0;
	_ =	sdelay $0x1  }
0x314: {  	v4 =	vadd.s32 v1, v4;
	_ =	sdelay $0x3  }
0x315: {  	v3 =	vperm.xlane v3, v2  }
0x316: {  	[tilespmem:s4], [sflag:$0x4] =	stream.indirect_vreg.gather [hbm4b:s2+s3], $0x80, v4, vm0, $0xb8;
	[tilespmem:$0x1B000] =	vst v63  }
0x317: {  	s25 =	simm.s32 $0x15800;
	v3 =	vadd.s32 v1, v3  }
0x318: {  	[tilespmem:s25], [sflag:$0x4] =	stream.indirect_vreg.gather [hbm4b:s31+s3], $0x80, v4, vm0, $0xb8;
	[tilespmem:$0x1B000] =	vst v63  }
0x319: {  	s28 =	simm.s32 $0x16000  }
0x31a: {  	[tilespmem:s28], [sflag:$0x4] =	stream.indirect_vreg.gather [hbm4b:s0+s3], $0x80, v4, vm0, $0xb8;
	[tilespmem:$0x1B000] =	vst v63  }
0x31b: {  	s24 =	simm.s32 $0x16800  }
0x31c: {  	[tilespmem:s24], [sflag:$0x4] =	stream.indirect_vreg.gather [hbm4b:s2+s3], $0x80, v3, vm0, $0xb8;
	[tilespmem:$0x1B000] =	vst v63  }
0x31d: {  	s13 =	simm.s32 $0x17000  }
0x31e: {  	[tilespmem:s13], [sflag:$0x4] =	stream.indirect_vreg.gather [hbm4b:s31+s3], $0x80, v3, vm0, $0xb8;
	[tilespmem:$0x1B000] =	vst v63  }
0x31f: {  	s7 =	simm.s32 $0x17800  }
0x320: {  	[tilespmem:s7], [sflag:$0x4] =	stream.indirect_vreg.gather [hbm4b:s0+s3], $0x80, v3, vm0, $0xb8;
	[tilespmem:$0x1B000] =	vst v63  }
0x321: {  	v3 =	vld [tilespmem:$0x2790];
	_ =	sdelay $0x4  }
0x322: {  	v31 =	vshrl.u32 v3, $0x3  }
0x323: {  	v4 =	vmul.u32 $0x30, v31  }
0x324: {  	v3 =	vand.u32 $0x7, v3  }
0x325: {  	v3 =	vor.u32 v3, v4  }
0x326: {  	v4 =	vperm.xlane v3, v0;
	_ =	sdelay $0x1  }
0x327: {  	v4 =	vadd.s32 v1, v4;
	_ =	sdelay $0x3  }
0x328: {  	s11 =	simm.s32 $0x18000;
	v3 =	vperm.xlane v3, v2  }
0x329: {  	[tilespmem:s11], [sflag:$0x4] =	stream.indirect_vreg.gather [hbm4b:s2+s3], $0x80, v4, vm0, $0xb8;
	[tilespmem:$0x1B000] =	vst v63  }
0x32a: {  	s8 =	simm.s32 $0x18800;
	v3 =	vadd.s32 v1, v3  }
0x32b: {  	[tilespmem:s8], [sflag:$0x4] =	stream.indirect_vreg.gather [hbm4b:s31+s3], $0x80, v4, vm0, $0xb8;
	[tilespmem:$0x1B000] =	vst v63  }
0x32c: {  	s9 =	simm.s32 $0x19000  }
0x32d: {  	[tilespmem:s9], [sflag:$0x4] =	stream.indirect_vreg.gather [hbm4b:s0+s3], $0x80, v4, vm0, $0xb8;
	[tilespmem:$0x1B000] =	vst v63  }
0x32e: {  	s10 =	simm.s32 $0x19800  }
0x32f: {  	[tilespmem:s10], [sflag:$0x4] =	stream.indirect_vreg.gather [hbm4b:s2+s3], $0x80, v3, vm0, $0xb8;
	[tilespmem:$0x1B000] =	vst v63  }
0x330: {  	s12 =	simm.s32 $0x1A000  }
0x331: {  	[tilespmem:s12], [sflag:$0x4] =	stream.indirect_vreg.gather [hbm4b:s31+s3], $0x80, v3, vm0, $0xb8;
	[tilespmem:$0x1B000] =	vst v63  }
0x332: {  	s15 =	simm.s32 $0x1A800  }
0x333: {  	[tilespmem:s15], [sflag:$0x4] =	stream.indirect_vreg.gather [hbm4b:s0+s3], $0x80, v3, vm0, $0xb8;
	[tilespmem:$0x1B000] =	vst v63  }
0x334: {  	_ =	swait.ge [sflag:s14], $0x6000  }
0x335: {  	[sflag:s14] =	ssyncset.done $0x0  }
0x336: {  	s24 =	rddreg [dreg:$0x8];
	[sflag:s14] =	ssyncadd.s32 $0xFFFFA000  }
0x337: {  	[hbm4b:s24+s3] =	stream.linear.scatter [tilespmem:s6], [sflag:$0x6], $0x6000, $0x38;
	[tilespmem:$0x1B000] =	vst v63  }
0x338: {  	_ =	swait.ge [sflag:s30], $0x6000  }
0x339: {  	[sflag:s30] =	ssyncset.done $0x0  }
0x33a: {  	[sflag:s30] =	ssyncadd.s32 $0xFFFFA000  }
0x33b: {  	v3 =	vld [tilespmem:$0x2800];
	_ =	sdelay $0x4  }
0x33c: {  	v32 =	vshrl.u32 v3, $0x3  }
0x33d: {  	v4 =	vmul.u32 $0x30, v32  }
0x33e: {  	v3 =	vand.u32 $0x7, v3  }
0x33f: {  	v3 =	vor.u32 v3, v4  }
0x340: {  	v4 =	vperm.xlane v3, v0;
	_ =	sdelay $0x1  }
0x341: {  	v4 =	vadd.s32 v1, v4;
	_ =	sdelay $0x3  }
0x342: {  	v3 =	vperm.xlane v3, v2  }
0x343: {  	[tilespmem:s29], [sflag:$0x1] =	stream.indirect_vreg.gather [hbm4b:s2+s3], $0x80, v4, vm0, $0xb8;
	[tilespmem:$0x1B000] =	vst v63  }
0x344: {  	s15 =	simm.s32 $0x3800;
	v3 =	vadd.s32 v1, v3  }
0x345: {  	[tilespmem:s15], [sflag:$0x1] =	stream.indirect_vreg.gather [hbm4b:s31+s3], $0x80, v4, vm0, $0xb8;
	[tilespmem:$0x1B000] =	vst v63  }
0x346: {  	s24 =	simm.s32 $0x4000  }
0x347: {  	[tilespmem:s24], [sflag:$0x1] =	stream.indirect_vreg.gather [hbm4b:s0+s3], $0x80, v4, vm0, $0xb8;
	[tilespmem:$0x1B000] =	vst v63  }
0x348: {  	s15 =	simm.s32 $0x4800  }
0x349: {  	[tilespmem:s15], [sflag:$0x1] =	stream.indirect_vreg.gather [hbm4b:s2+s3], $0x80, v3, vm0, $0xb8;
	[tilespmem:$0x1B000] =	vst v63  }
0x34a: {  	s24 =	simm.s32 $0x5000  }
0x34b: {  	[tilespmem:s24], [sflag:$0x1] =	stream.indirect_vreg.gather [hbm4b:s31+s3], $0x80, v3, vm0, $0xb8;
	[tilespmem:$0x1B000] =	vst v63  }
0x34c: {  	s15 =	simm.s32 $0x5800  }
0x34d: {  	[tilespmem:s15], [sflag:$0x1] =	stream.indirect_vreg.gather [hbm4b:s0+s3], $0x80, v3, vm0, $0xb8;
	[tilespmem:$0x1B000] =	vst v63  }
0x34e: {  	v3 =	vld [tilespmem:$0x2810];
	_ =	sdelay $0x4  }
0x34f: {  	v33 =	vshrl.u32 v3, $0x3  }
0x350: {  	v4 =	vmul.u32 $0x30, v33  }
0x351: {  	v3 =	vand.u32 $0x7, v3  }
0x352: {  	v3 =	vor.u32 v3, v4  }
0x353: {  	v4 =	vperm.xlane v3, v0;
	_ =	sdelay $0x1  }
0x354: {  	v4 =	vadd.s32 v1, v4;
	_ =	sdelay $0x3  }
0x355: {  	s24 =	simm.s32 $0x6000;
	v3 =	vperm.xlane v3, v2  }
0x356: {  	[tilespmem:s24], [sflag:$0x1] =	stream.indirect_vreg.gather [hbm4b:s2+s3], $0x80, v4, vm0, $0xb8;
	[tilespmem:$0x1B000] =	vst v63  }
0x357: {  	s15 =	simm.s32 $0x6800;
	v3 =	vadd.s32 v1, v3  }
0x358: {  	[tilespmem:s15], [sflag:$0x1] =	stream.indirect_vreg.gather [hbm4b:s31+s3], $0x80, v4, vm0, $0xb8;
	[tilespmem:$0x1B000] =	vst v63  }
0x359: {  	s24 =	simm.s32 $0x7000  }
0x35a: {  	[tilespmem:s24], [sflag:$0x1] =	stream.indirect_vreg.gather [hbm4b:s0+s3], $0x80, v4, vm0, $0xb8;
	[tilespmem:$0x1B000] =	vst v63  }
0x35b: {  	s15 =	simm.s32 $0x7800  }
0x35c: {  	[tilespmem:s15], [sflag:$0x1] =	stream.indirect_vreg.gather [hbm4b:s2+s3], $0x80, v3, vm0, $0xb8;
	[tilespmem:$0x1B000] =	vst v63  }
0x35d: {  	s24 =	simm.s32 $0x8000  }
0x35e: {  	[tilespmem:s24], [sflag:$0x1] =	stream.indirect_vreg.gather [hbm4b:s31+s3], $0x80, v3, vm0, $0xb8;
	[tilespmem:$0x1B000] =	vst v63  }
0x35f: {  	s15 =	simm.s32 $0x8800  }
0x360: {  	[tilespmem:s15], [sflag:$0x1] =	stream.indirect_vreg.gather [hbm4b:s0+s3], $0x80, v3, vm0, $0xb8;
	[tilespmem:$0x1B000] =	vst v63  }
0x361: {  	_ =	swait.ge [sflag:s16], $0x6000  }
0x362: {  	[sflag:s16] =	ssyncset.done $0x0  }
0x363: {  	s24 =	rddreg [dreg:$0x9];
	[sflag:s16] =	ssyncadd.s32 $0xFFFFA000  }
0x364: {  	[hbm4b:s24+s3] =	stream.linear.scatter [tilespmem:s5], [sflag:$0x7], $0x6000, $0x38;
	[tilespmem:$0x1B000] =	vst v63  }
0x365: {  	_ =	swait.ge [sflag:s17], $0x6000  }
0x366: {  	[sflag:s17] =	ssyncset.done $0x0  }
0x367: {  	[sflag:s17] =	ssyncadd.s32 $0xFFFFA000  }
0x368: {  	v3 =	vld [tilespmem:$0x2880];
	_ =	sdelay $0x4  }
0x369: {  	v34 =	vshrl.u32 v3, $0x3  }
0x36a: {  	v4 =	vmul.u32 $0x30, v34  }
0x36b: {  	v3 =	vand.u32 $0x7, v3  }
0x36c: {  	v3 =	vor.u32 v3, v4  }
0x36d: {  	v4 =	vperm.xlane v3, v0;
	_ =	sdelay $0x1  }
0x36e: {  	v4 =	vadd.s32 v1, v4;
	_ =	sdelay $0x3  }
0x36f: {  	v3 =	vperm.xlane v3, v2  }
0x370: {  	[tilespmem:s6], [sflag:$0x2] =	stream.indirect_vreg.gather [hbm4b:s2+s3], $0x80, v4, vm0, $0xb8;
	[tilespmem:$0x1B000] =	vst v63  }
0x371: {  	s15 =	simm.s32 $0x9800;
	v3 =	vadd.s32 v1, v3  }
0x372: {  	[tilespmem:s15], [sflag:$0x2] =	stream.indirect_vreg.gather [hbm4b:s31+s3], $0x80, v4, vm0, $0xb8;
	[tilespmem:$0x1B000] =	vst v63  }
0x373: {  	s24 =	simm.s32 $0xA000  }
0x374: {  	[tilespmem:s24], [sflag:$0x2] =	stream.indirect_vreg.gather [hbm4b:s0+s3], $0x80, v4, vm0, $0xb8;
	[tilespmem:$0x1B000] =	vst v63  }
0x375: {  	s15 =	simm.s32 $0xA800  }
0x376: {  	[tilespmem:s15], [sflag:$0x2] =	stream.indirect_vreg.gather [hbm4b:s2+s3], $0x80, v3, vm0, $0xb8;
	[tilespmem:$0x1B000] =	vst v63  }
0x377: {  	s24 =	simm.s32 $0xB000  }
0x378: {  	[tilespmem:s24], [sflag:$0x2] =	stream.indirect_vreg.gather [hbm4b:s31+s3], $0x80, v3, vm0, $0xb8;
	[tilespmem:$0x1B000] =	vst v63  }
0x379: {  	s15 =	simm.s32 $0xB800  }
0x37a: {  	[tilespmem:s15], [sflag:$0x2] =	stream.indirect_vreg.gather [hbm4b:s0+s3], $0x80, v3, vm0, $0xb8;
	[tilespmem:$0x1B000] =	vst v63  }
0x37b: {  	v3 =	vld [tilespmem:$0x2890];
	_ =	sdelay $0x4  }
0x37c: {  	v35 =	vshrl.u32 v3, $0x3  }
0x37d: {  	v4 =	vmul.u32 $0x30, v35  }
0x37e: {  	v3 =	vand.u32 $0x7, v3  }
0x37f: {  	v3 =	vor.u32 v3, v4  }
0x380: {  	v4 =	vperm.xlane v3, v0;
	_ =	sdelay $0x1  }
0x381: {  	v4 =	vadd.s32 v1, v4;
	_ =	sdelay $0x3  }
0x382: {  	s24 =	simm.s32 $0xC000;
	v3 =	vperm.xlane v3, v2  }
0x383: {  	[tilespmem:s24], [sflag:$0x2] =	stream.indirect_vreg.gather [hbm4b:s2+s3], $0x80, v4, vm0, $0xb8;
	[tilespmem:$0x1B000] =	vst v63  }
0x384: {  	s15 =	simm.s32 $0xC800;
	v3 =	vadd.s32 v1, v3  }
0x385: {  	[tilespmem:s15], [sflag:$0x2] =	stream.indirect_vreg.gather [hbm4b:s31+s3], $0x80, v4, vm0, $0xb8;
	[tilespmem:$0x1B000] =	vst v63  }
0x386: {  	s24 =	simm.s32 $0xD000  }
0x387: {  	[tilespmem:s24], [sflag:$0x2] =	stream.indirect_vreg.gather [hbm4b:s0+s3], $0x80, v4, vm0, $0xb8;
	[tilespmem:$0x1B000] =	vst v63  }
0x388: {  	s15 =	simm.s32 $0xD800  }
0x389: {  	[tilespmem:s15], [sflag:$0x2] =	stream.indirect_vreg.gather [hbm4b:s2+s3], $0x80, v3, vm0, $0xb8;
	[tilespmem:$0x1B000] =	vst v63  }
0x38a: {  	s24 =	simm.s32 $0xE000  }
0x38b: {  	[tilespmem:s24], [sflag:$0x2] =	stream.indirect_vreg.gather [hbm4b:s31+s3], $0x80, v3, vm0, $0xb8;
	[tilespmem:$0x1B000] =	vst v63  }
0x38c: {  	s15 =	simm.s32 $0xE800  }
0x38d: {  	[tilespmem:s15], [sflag:$0x2] =	stream.indirect_vreg.gather [hbm4b:s0+s3], $0x80, v3, vm0, $0xb8;
	[tilespmem:$0x1B000] =	vst v63  }
0x38e: {  	_ =	swait.ge [sflag:s18], $0x6000  }
0x38f: {  	[sflag:s18] =	ssyncset.done $0x0  }
0x390: {  	s24 =	rddreg [dreg:$0xa];
	[sflag:s18] =	ssyncadd.s32 $0xFFFFA000  }
0x391: {  	[hbm4b:s24+s3] =	stream.linear.scatter [tilespmem:s4], [sflag:$0x8], $0x6000, $0x38;
	[tilespmem:$0x1B000] =	vst v63  }
0x392: {  	_ =	swait.ge [sflag:s20], $0x6000  }
0x393: {  	[sflag:s20] =	ssyncset.done $0x0  }
0x394: {  	[sflag:s20] =	ssyncadd.s32 $0xFFFFA000  }
0x395: {  	v3 =	vld [tilespmem:$0x2900];
	_ =	sdelay $0x4  }
0x396: {  	v36 =	vshrl.u32 v3, $0x3  }
0x397: {  	v4 =	vmul.u32 $0x30, v36  }
0x398: {  	v3 =	vand.u32 $0x7, v3  }
0x399: {  	v3 =	vor.u32 v3, v4  }
0x39a: {  	v4 =	vperm.xlane v3, v0;
	_ =	sdelay $0x1  }
0x39b: {  	v4 =	vadd.s32 v1, v4;
	_ =	sdelay $0x3  }
0x39c: {  	v3 =	vperm.xlane v3, v2  }
0x39d: {  	[tilespmem:s5], [sflag:$0x3] =	stream.indirect_vreg.gather [hbm4b:s2+s3], $0x80, v4, vm0, $0xb8;
	[tilespmem:$0x1B000] =	vst v63  }
0x39e: {  	s15 =	simm.s32 $0xF800;
	v3 =	vadd.s32 v1, v3  }
0x39f: {  	[tilespmem:s15], [sflag:$0x3] =	stream.indirect_vreg.gather [hbm4b:s31+s3], $0x80, v4, vm0, $0xb8;
	[tilespmem:$0x1B000] =	vst v63  }
0x3a0: {  	s19 =	simm.s32 $0x10000  }
0x3a1: {  	[tilespmem:s19], [sflag:$0x3] =	stream.indirect_vreg.gather [hbm4b:s0+s3], $0x80, v4, vm0, $0xb8;
	[tilespmem:$0x1B000] =	vst v63  }
0x3a2: {  	s22 =	simm.s32 $0x10800  }
0x3a3: {  	[tilespmem:s22], [sflag:$0x3] =	stream.indirect_vreg.gather [hbm4b:s2+s3], $0x80, v3, vm0, $0xb8;
	[tilespmem:$0x1B000] =	vst v63  }
0x3a4: {  	s24 =	simm.s32 $0x11000  }
0x3a5: {  	[tilespmem:s24], [sflag:$0x3] =	stream.indirect_vreg.gather [hbm4b:s31+s3], $0x80, v3, vm0, $0xb8;
	[tilespmem:$0x1B000] =	vst v63  }
0x3a6: {  	s24 =	simm.s32 $0x11800  }
0x3a7: {  	[tilespmem:s24], [sflag:$0x3] =	stream.indirect_vreg.gather [hbm4b:s0+s3], $0x80, v3, vm0, $0xb8;
	[tilespmem:$0x1B000] =	vst v63  }
0x3a8: {  	v3 =	vld [tilespmem:$0x2910];
	_ =	sdelay $0x4  }
0x3a9: {  	v37 =	vshrl.u32 v3, $0x3  }
0x3aa: {  	v4 =	vmul.u32 $0x30, v37  }
0x3ab: {  	v3 =	vand.u32 $0x7, v3  }
0x3ac: {  	v3 =	vor.u32 v3, v4  }
0x3ad: {  	v4 =	vperm.xlane v3, v0;
	_ =	sdelay $0x1  }
0x3ae: {  	v4 =	vadd.s32 v1, v4;
	_ =	sdelay $0x3  }
0x3af: {  	s24 =	simm.s32 $0x12000;
	v3 =	vperm.xlane v3, v2  }
0x3b0: {  	[tilespmem:s24], [sflag:$0x3] =	stream.indirect_vreg.gather [hbm4b:s2+s3], $0x80, v4, vm0, $0xb8;
	[tilespmem:$0x1B000] =	vst v63  }
0x3b1: {  	v3 =	vadd.s32 v1, v3;
	s24 =	simm.s32 $0x12800  }
0x3b2: {  	[tilespmem:s24], [sflag:$0x3] =	stream.indirect_vreg.gather [hbm4b:s31+s3], $0x80, v4, vm0, $0xb8;
	[tilespmem:$0x1B000] =	vst v63  }
0x3b3: {  	s24 =	simm.s32 $0x13000  }
0x3b4: {  	[tilespmem:s24], [sflag:$0x3] =	stream.indirect_vreg.gather [hbm4b:s0+s3], $0x80, v4, vm0, $0xb8;
	[tilespmem:$0x1B000] =	vst v63  }
0x3b5: {  	s24 =	simm.s32 $0x13800  }
0x3b6: {  	[tilespmem:s24], [sflag:$0x3] =	stream.indirect_vreg.gather [hbm4b:s2+s3], $0x80, v3, vm0, $0xb8;
	[tilespmem:$0x1B000] =	vst v63  }
0x3b7: {  	s24 =	simm.s32 $0x14000  }
0x3b8: {  	[tilespmem:s24], [sflag:$0x3] =	stream.indirect_vreg.gather [hbm4b:s31+s3], $0x80, v3, vm0, $0xb8;
	[tilespmem:$0x1B000] =	vst v63  }
0x3b9: {  	s24 =	simm.s32 $0x14800  }
0x3ba: {  	[tilespmem:s24], [sflag:$0x3] =	stream.indirect_vreg.gather [hbm4b:s0+s3], $0x80, v3, vm0, $0xb8;
	[tilespmem:$0x1B000] =	vst v63  }
0x3bb: {  	_ =	swait.ge [sflag:s26], $0x6000  }
0x3bc: {  	[sflag:s26] =	ssyncset.done $0x0  }
0x3bd: {  	s24 =	rddreg [dreg:$0xb];
	[sflag:s26] =	ssyncadd.s32 $0xFFFFA000  }
0x3be: {  	[hbm4b:s24+s3] =	stream.linear.scatter [tilespmem:s29], [sflag:$0x5], $0x6000, $0x38;
	[tilespmem:$0x1B000] =	vst v63  }
0x3bf: {  	_ =	swait.ge [sflag:s21], $0x6000  }
0x3c0: {  	[sflag:s21] =	ssyncset.done $0x0  }
0x3c1: {  	[sflag:s21] =	ssyncadd.s32 $0xFFFFA000  }
0x3c2: {  	v3 =	vld [tilespmem:$0x2980];
	_ =	sdelay $0x4  }
0x3c3: {  	v38 =	vshrl.u32 v3, $0x3  }
0x3c4: {  	v4 =	vmul.u32 $0x30, v38  }
0x3c5: {  	v3 =	vand.u32 $0x7, v3  }
0x3c6: {  	v3 =	vor.u32 v3, v4  }
0x3c7: {  	v4 =	vperm.xlane v3, v0;
	_ =	sdelay $0x1  }
0x3c8: {  	v4 =	vadd.s32 v1, v4;
	_ =	sdelay $0x3  }
0x3c9: {  	v3 =	vperm.xlane v3, v2  }
0x3ca: {  	[tilespmem:s4], [sflag:$0x4] =	stream.indirect_vreg.gather [hbm4b:s2+s3], $0x80, v4, vm0, $0xb8;
	[tilespmem:$0x1B000] =	vst v63  }
0x3cb: {  	s24 =	simm.s32 $0x15800;
	v3 =	vadd.s32 v1, v3  }
0x3cc: {  	[tilespmem:s24], [sflag:$0x4] =	stream.indirect_vreg.gather [hbm4b:s31+s3], $0x80, v4, vm0, $0xb8;
	[tilespmem:$0x1B000] =	vst v63  }
0x3cd: {  	s28 =	simm.s32 $0x16000  }
0x3ce: {  	[tilespmem:s28], [sflag:$0x4] =	stream.indirect_vreg.gather [hbm4b:s0+s3], $0x80, v4, vm0, $0xb8;
	[tilespmem:$0x1B000] =	vst v63  }
0x3cf: {  	s25 =	simm.s32 $0x16800  }
0x3d0: {  	[tilespmem:s25], [sflag:$0x4] =	stream.indirect_vreg.gather [hbm4b:s2+s3], $0x80, v3, vm0, $0xb8;
	[tilespmem:$0x1B000] =	vst v63  }
0x3d1: {  	s13 =	simm.s32 $0x17000  }
0x3d2: {  	[tilespmem:s13], [sflag:$0x4] =	stream.indirect_vreg.gather [hbm4b:s31+s3], $0x80, v3, vm0, $0xb8;
	[tilespmem:$0x1B000] =	vst v63  }
0x3d3: {  	s7 =	simm.s32 $0x17800  }
0x3d4: {  	[tilespmem:s7], [sflag:$0x4] =	stream.indirect_vreg.gather [hbm4b:s0+s3], $0x80, v3, vm0, $0xb8;
	[tilespmem:$0x1B000] =	vst v63  }
0x3d5: {  	v3 =	vld [tilespmem:$0x2990];
	_ =	sdelay $0x4  }
0x3d6: {  	v39 =	vshrl.u32 v3, $0x3  }
0x3d7: {  	v4 =	vmul.u32 $0x30, v39  }
0x3d8: {  	v3 =	vand.u32 $0x7, v3  }
0x3d9: {  	v3 =	vor.u32 v3, v4  }
0x3da: {  	v4 =	vperm.xlane v3, v0;
	_ =	sdelay $0x1  }
0x3db: {  	v4 =	vadd.s32 v1, v4;
	_ =	sdelay $0x3  }
0x3dc: {  	s23 =	simm.s32 $0x18000;
	v3 =	vperm.xlane v3, v2  }
0x3dd: {  	[tilespmem:s23], [sflag:$0x4] =	stream.indirect_vreg.gather [hbm4b:s2+s3], $0x80, v4, vm0, $0xb8;
	[tilespmem:$0x1B000] =	vst v63  }
0x3de: {  	s11 =	simm.s32 $0x18800;
	v3 =	vadd.s32 v1, v3  }
0x3df: {  	[tilespmem:s11], [sflag:$0x4] =	stream.indirect_vreg.gather [hbm4b:s31+s3], $0x80, v4, vm0, $0xb8;
	[tilespmem:$0x1B000] =	vst v63  }
0x3e0: {  	s8 =	simm.s32 $0x19000  }
0x3e1: {  	[tilespmem:s8], [sflag:$0x4] =	stream.indirect_vreg.gather [hbm4b:s0+s3], $0x80, v4, vm0, $0xb8;
	[tilespmem:$0x1B000] =	vst v63  }
0x3e2: {  	s9 =	simm.s32 $0x19800  }
0x3e3: {  	[tilespmem:s9], [sflag:$0x4] =	stream.indirect_vreg.gather [hbm4b:s2+s3], $0x80, v3, vm0, $0xb8;
	[tilespmem:$0x1B000] =	vst v63  }
0x3e4: {  	s10 =	simm.s32 $0x1A000  }
0x3e5: {  	[tilespmem:s10], [sflag:$0x4] =	stream.indirect_vreg.gather [hbm4b:s31+s3], $0x80, v3, vm0, $0xb8;
	[tilespmem:$0x1B000] =	vst v63  }
0x3e6: {  	s12 =	simm.s32 $0x1A800  }
0x3e7: {  	[tilespmem:s12], [sflag:$0x4] =	stream.indirect_vreg.gather [hbm4b:s0+s3], $0x80, v3, vm0, $0xb8;
	[tilespmem:$0x1B000] =	vst v63  }
0x3e8: {  	_ =	swait.ge [sflag:s14], $0x6000  }
0x3e9: {  	[sflag:s14] =	ssyncset.done $0x0  }
0x3ea: {  	s12 =	rddreg [dreg:$0xc];
	[sflag:s14] =	ssyncadd.s32 $0xFFFFA000  }
0x3eb: {  	[hbm4b:s12+s3] =	stream.linear.scatter [tilespmem:s6], [sflag:$0x6], $0x6000, $0x38;
	[tilespmem:$0x1B000] =	vst v63  }
0x3ec: {  	_ =	swait.ge [sflag:s30], $0x6000  }
0x3ed: {  	[sflag:s30] =	ssyncset.done $0x0  }
0x3ee: {  	[sflag:s30] =	ssyncadd.s32 $0xFFFFA000  }
0x3ef: {  	v3 =	vld [tilespmem:$0x2A00];
	_ =	sdelay $0x4  }
0x3f0: {  	v40 =	vshrl.u32 v3, $0x3  }
0x3f1: {  	v4 =	vmul.u32 $0x30, v40  }
0x3f2: {  	v3 =	vand.u32 $0x7, v3  }
0x3f3: {  	v3 =	vor.u32 v3, v4  }
0x3f4: {  	v4 =	vperm.xlane v3, v0;
	_ =	sdelay $0x1  }
0x3f5: {  	v4 =	vadd.s32 v1, v4;
	_ =	sdelay $0x3  }
0x3f6: {  	v3 =	vperm.xlane v3, v2  }
0x3f7: {  	[tilespmem:s29], [sflag:$0x1] =	stream.indirect_vreg.gather [hbm4b:s2+s3], $0x80, v4, vm0, $0xb8;
	[tilespmem:$0x1B000] =	vst v63  }
0x3f8: {  	s11 =	simm.s32 $0x3800;
	v3 =	vadd.s32 v1, v3  }
0x3f9: {  	[tilespmem:s11], [sflag:$0x1] =	stream.indirect_vreg.gather [hbm4b:s31+s3], $0x80, v4, vm0, $0xb8;
	[tilespmem:$0x1B000] =	vst v63  }
0x3fa: {  	s12 =	simm.s32 $0x4000  }
0x3fb: {  	[tilespmem:s12], [sflag:$0x1] =	stream.indirect_vreg.gather [hbm4b:s0+s3], $0x80, v4, vm0, $0xb8;
	[tilespmem:$0x1B000] =	vst v63  }
0x3fc: {  	s11 =	simm.s32 $0x4800  }
0x3fd: {  	[tilespmem:s11], [sflag:$0x1] =	stream.indirect_vreg.gather [hbm4b:s2+s3], $0x80, v3, vm0, $0xb8;
	[tilespmem:$0x1B000] =	vst v63  }
0x3fe: {  	s12 =	simm.s32 $0x5000  }
0x3ff: {  	[tilespmem:s12], [sflag:$0x1] =	stream.indirect_vreg.gather [hbm4b:s31+s3], $0x80, v3, vm0, $0xb8;
	[tilespmem:$0x1B000] =	vst v63  }
0x400: {  	s11 =	simm.s32 $0x5800  }
0x401: {  	[tilespmem:s11], [sflag:$0x1] =	stream.indirect_vreg.gather [hbm4b:s0+s3], $0x80, v3, vm0, $0xb8;
	[tilespmem:$0x1B000] =	vst v63  }
0x402: {  	v3 =	vld [tilespmem:$0x2A10];
	_ =	sdelay $0x4  }
0x403: {  	v41 =	vshrl.u32 v3, $0x3  }
0x404: {  	v4 =	vmul.u32 $0x30, v41  }
0x405: {  	v3 =	vand.u32 $0x7, v3  }
0x406: {  	v3 =	vor.u32 v3, v4  }
0x407: {  	v4 =	vperm.xlane v3, v0;
	_ =	sdelay $0x1  }
0x408: {  	v4 =	vadd.s32 v1, v4;
	_ =	sdelay $0x3  }
0x409: {  	s12 =	simm.s32 $0x6000;
	v3 =	vperm.xlane v3, v2  }
0x40a: {  	[tilespmem:s12], [sflag:$0x1] =	stream.indirect_vreg.gather [hbm4b:s2+s3], $0x80, v4, vm0, $0xb8;
	[tilespmem:$0x1B000] =	vst v63  }
0x40b: {  	s11 =	simm.s32 $0x6800;
	v3 =	vadd.s32 v1, v3  }
0x40c: {  	[tilespmem:s11], [sflag:$0x1] =	stream.indirect_vreg.gather [hbm4b:s31+s3], $0x80, v4, vm0, $0xb8;
	[tilespmem:$0x1B000] =	vst v63  }
0x40d: {  	s12 =	simm.s32 $0x7000  }
0x40e: {  	[tilespmem:s12], [sflag:$0x1] =	stream.indirect_vreg.gather [hbm4b:s0+s3], $0x80, v4, vm0, $0xb8;
	[tilespmem:$0x1B000] =	vst v63  }
0x40f: {  	s11 =	simm.s32 $0x7800  }
0x410: {  	[tilespmem:s11], [sflag:$0x1] =	stream.indirect_vreg.gather [hbm4b:s2+s3], $0x80, v3, vm0, $0xb8;
	[tilespmem:$0x1B000] =	vst v63  }
0x411: {  	s12 =	simm.s32 $0x8000  }
0x412: {  	[tilespmem:s12], [sflag:$0x1] =	stream.indirect_vreg.gather [hbm4b:s31+s3], $0x80, v3, vm0, $0xb8;
	[tilespmem:$0x1B000] =	vst v63  }
0x413: {  	s11 =	simm.s32 $0x8800  }
0x414: {  	[tilespmem:s11], [sflag:$0x1] =	stream.indirect_vreg.gather [hbm4b:s0+s3], $0x80, v3, vm0, $0xb8;
	[tilespmem:$0x1B000] =	vst v63  }
0x415: {  	_ =	swait.ge [sflag:s16], $0x6000  }
0x416: {  	[sflag:s16] =	ssyncset.done $0x0  }
0x417: {  	s12 =	rddreg [dreg:$0xd];
	[sflag:s16] =	ssyncadd.s32 $0xFFFFA000  }
0x418: {  	[hbm4b:s12+s3] =	stream.linear.scatter [tilespmem:s5], [sflag:$0x7], $0x6000, $0x38;
	[tilespmem:$0x1B000] =	vst v63  }
0x419: {  	_ =	swait.ge [sflag:s17], $0x6000  }
0x41a: {  	[sflag:s17] =	ssyncset.done $0x0  }
0x41b: {  	[sflag:s17] =	ssyncadd.s32 $0xFFFFA000  }
0x41c: {  	v3 =	vld [tilespmem:$0x2A80];
	_ =	sdelay $0x4  }
0x41d: {  	v42 =	vshrl.u32 v3, $0x3  }
0x41e: {  	v4 =	vmul.u32 $0x30, v42  }
0x41f: {  	v3 =	vand.u32 $0x7, v3  }
0x420: {  	v3 =	vor.u32 v3, v4  }
0x421: {  	v4 =	vperm.xlane v3, v0;
	_ =	sdelay $0x1  }
0x422: {  	v4 =	vadd.s32 v1, v4;
	_ =	sdelay $0x3  }
0x423: {  	v3 =	vperm.xlane v3, v2  }
0x424: {  	[tilespmem:s6], [sflag:$0x2] =	stream.indirect_vreg.gather [hbm4b:s2+s3], $0x80, v4, vm0, $0xb8;
	[tilespmem:$0x1B000] =	vst v63  }
0x425: {  	s11 =	simm.s32 $0x9800;
	v3 =	vadd.s32 v1, v3  }
0x426: {  	[tilespmem:s11], [sflag:$0x2] =	stream.indirect_vreg.gather [hbm4b:s31+s3], $0x80, v4, vm0, $0xb8;
	[tilespmem:$0x1B000] =	vst v63  }
0x427: {  	s12 =	simm.s32 $0xA000  }
0x428: {  	[tilespmem:s12], [sflag:$0x2] =	stream.indirect_vreg.gather [hbm4b:s0+s3], $0x80, v4, vm0, $0xb8;
	[tilespmem:$0x1B000] =	vst v63  }
0x429: {  	s11 =	simm.s32 $0xA800  }
0x42a: {  	[tilespmem:s11], [sflag:$0x2] =	stream.indirect_vreg.gather [hbm4b:s2+s3], $0x80, v3, vm0, $0xb8;
	[tilespmem:$0x1B000] =	vst v63  }
0x42b: {  	s12 =	simm.s32 $0xB000  }
0x42c: {  	[tilespmem:s12], [sflag:$0x2] =	stream.indirect_vreg.gather [hbm4b:s31+s3], $0x80, v3, vm0, $0xb8;
	[tilespmem:$0x1B000] =	vst v63  }
0x42d: {  	s11 =	simm.s32 $0xB800  }
0x42e: {  	[tilespmem:s11], [sflag:$0x2] =	stream.indirect_vreg.gather [hbm4b:s0+s3], $0x80, v3, vm0, $0xb8;
	[tilespmem:$0x1B000] =	vst v63  }
0x42f: {  	v3 =	vld [tilespmem:$0x2A90];
	_ =	sdelay $0x4  }
0x430: {  	v43 =	vshrl.u32 v3, $0x3  }
0x431: {  	v4 =	vmul.u32 $0x30, v43  }
0x432: {  	v3 =	vand.u32 $0x7, v3  }
0x433: {  	v3 =	vor.u32 v3, v4  }
0x434: {  	v4 =	vperm.xlane v3, v0;
	_ =	sdelay $0x1  }
0x435: {  	v4 =	vadd.s32 v1, v4;
	_ =	sdelay $0x3  }
0x436: {  	s12 =	simm.s32 $0xC000;
	v3 =	vperm.xlane v3, v2  }
0x437: {  	[tilespmem:s12], [sflag:$0x2] =	stream.indirect_vreg.gather [hbm4b:s2+s3], $0x80, v4, vm0, $0xb8;
	[tilespmem:$0x1B000] =	vst v63  }
0x438: {  	s11 =	simm.s32 $0xC800;
	v3 =	vadd.s32 v1, v3  }
0x439: {  	[tilespmem:s11], [sflag:$0x2] =	stream.indirect_vreg.gather [hbm4b:s31+s3], $0x80, v4, vm0, $0xb8;
	[tilespmem:$0x1B000] =	vst v63  }
0x43a: {  	s12 =	simm.s32 $0xD000  }
0x43b: {  	[tilespmem:s12], [sflag:$0x2] =	stream.indirect_vreg.gather [hbm4b:s0+s3], $0x80, v4, vm0, $0xb8;
	[tilespmem:$0x1B000] =	vst v63  }
0x43c: {  	s11 =	simm.s32 $0xD800  }
0x43d: {  	[tilespmem:s11], [sflag:$0x2] =	stream.indirect_vreg.gather [hbm4b:s2+s3], $0x80, v3, vm0, $0xb8;
	[tilespmem:$0x1B000] =	vst v63  }
0x43e: {  	s12 =	simm.s32 $0xE000  }
0x43f: {  	[tilespmem:s12], [sflag:$0x2] =	stream.indirect_vreg.gather [hbm4b:s31+s3], $0x80, v3, vm0, $0xb8;
	[tilespmem:$0x1B000] =	vst v63  }
0x440: {  	s11 =	simm.s32 $0xE800  }
0x441: {  	[tilespmem:s11], [sflag:$0x2] =	stream.indirect_vreg.gather [hbm4b:s0+s3], $0x80, v3, vm0, $0xb8;
	[tilespmem:$0x1B000] =	vst v63  }
0x442: {  	_ =	swait.ge [sflag:s18], $0x6000  }
0x443: {  	[sflag:s18] =	ssyncset.done $0x0  }
0x444: {  	s12 =	rddreg [dreg:$0xe];
	[sflag:s18] =	ssyncadd.s32 $0xFFFFA000  }
0x445: {  	[hbm4b:s12+s3] =	stream.linear.scatter [tilespmem:s4], [sflag:$0x8], $0x6000, $0x38;
	[tilespmem:$0x1B000] =	vst v63  }
0x446: {  	_ =	swait.ge [sflag:s20], $0x6000  }
0x447: {  	[sflag:s20] =	ssyncset.done $0x0  }
0x448: {  	[sflag:s20] =	ssyncadd.s32 $0xFFFFA000  }
0x449: {  	v3 =	vld [tilespmem:$0x2B00];
	_ =	sdelay $0x4  }
0x44a: {  	v44 =	vshrl.u32 v3, $0x3  }
0x44b: {  	v4 =	vmul.u32 $0x30, v44  }
0x44c: {  	v3 =	vand.u32 $0x7, v3  }
0x44d: {  	v3 =	vor.u32 v3, v4  }
0x44e: {  	v4 =	vperm.xlane v3, v0;
	_ =	sdelay $0x1  }
0x44f: {  	v4 =	vadd.s32 v1, v4;
	_ =	sdelay $0x3  }
0x450: {  	v3 =	vperm.xlane v3, v2  }
0x451: {  	[tilespmem:s5], [sflag:$0x3] =	stream.indirect_vreg.gather [hbm4b:s2+s3], $0x80, v4, vm0, $0xb8;
	[tilespmem:$0x1B000] =	vst v63  }
0x452: {  	s15 =	simm.s32 $0xF800;
	v3 =	vadd.s32 v1, v3  }
0x453: {  	[tilespmem:s15], [sflag:$0x3] =	stream.indirect_vreg.gather [hbm4b:s31+s3], $0x80, v4, vm0, $0xb8;
	[tilespmem:$0x1B000] =	vst v63  }
0x454: {  	s19 =	simm.s32 $0x10000  }
0x455: {  	[tilespmem:s19], [sflag:$0x3] =	stream.indirect_vreg.gather [hbm4b:s0+s3], $0x80, v4, vm0, $0xb8;
	[tilespmem:$0x1B000] =	vst v63  }
0x456: {  	s22 =	simm.s32 $0x10800  }
0x457: {  	[tilespmem:s22], [sflag:$0x3] =	stream.indirect_vreg.gather [hbm4b:s2+s3], $0x80, v3, vm0, $0xb8;
	[tilespmem:$0x1B000] =	vst v63  }
0x458: {  	s22 =	simm.s32 $0x11000  }
0x459: {  	[tilespmem:s22], [sflag:$0x3] =	stream.indirect_vreg.gather [hbm4b:s31+s3], $0x80, v3, vm0, $0xb8;
	[tilespmem:$0x1B000] =	vst v63  }
0x45a: {  	s11 =	simm.s32 $0x11800  }
0x45b: {  	[tilespmem:s11], [sflag:$0x3] =	stream.indirect_vreg.gather [hbm4b:s0+s3], $0x80, v3, vm0, $0xb8;
	[tilespmem:$0x1B000] =	vst v63  }
0x45c: {  	v3 =	vld [tilespmem:$0x2B10];
	_ =	sdelay $0x4  }
0x45d: {  	v45 =	vshrl.u32 v3, $0x3  }
0x45e: {  	v4 =	vmul.u32 $0x30, v45  }
0x45f: {  	v3 =	vand.u32 $0x7, v3  }
0x460: {  	v3 =	vor.u32 v3, v4  }
0x461: {  	v4 =	vperm.xlane v3, v0;
	_ =	sdelay $0x1  }
0x462: {  	v4 =	vadd.s32 v1, v4;
	_ =	sdelay $0x3  }
0x463: {  	s22 =	simm.s32 $0x12000;
	v3 =	vperm.xlane v3, v2  }
0x464: {  	[tilespmem:s22], [sflag:$0x3] =	stream.indirect_vreg.gather [hbm4b:s2+s3], $0x80, v4, vm0, $0xb8;
	[tilespmem:$0x1B000] =	vst v63  }
0x465: {  	s11 =	simm.s32 $0x12800;
	v3 =	vadd.s32 v1, v3  }
0x466: {  	[tilespmem:s11], [sflag:$0x3] =	stream.indirect_vreg.gather [hbm4b:s31+s3], $0x80, v4, vm0, $0xb8;
	[tilespmem:$0x1B000] =	vst v63  }
0x467: {  	s22 =	simm.s32 $0x13000  }
0x468: {  	[tilespmem:s22], [sflag:$0x3] =	stream.indirect_vreg.gather [hbm4b:s0+s3], $0x80, v4, vm0, $0xb8;
	[tilespmem:$0x1B000] =	vst v63  }
0x469: {  	s11 =	simm.s32 $0x13800  }
0x46a: {  	[tilespmem:s11], [sflag:$0x3] =	stream.indirect_vreg.gather [hbm4b:s2+s3], $0x80, v3, vm0, $0xb8;
	[tilespmem:$0x1B000] =	vst v63  }
0x46b: {  	s22 =	simm.s32 $0x14000  }
0x46c: {  	[tilespmem:s22], [sflag:$0x3] =	stream.indirect_vreg.gather [hbm4b:s31+s3], $0x80, v3, vm0, $0xb8;
	[tilespmem:$0x1B000] =	vst v63  }
0x46d: {  	s11 =	simm.s32 $0x14800  }
0x46e: {  	[tilespmem:s11], [sflag:$0x3] =	stream.indirect_vreg.gather [hbm4b:s0+s3], $0x80, v3, vm0, $0xb8;
	[tilespmem:$0x1B000] =	vst v63  }
0x46f: {  	_ =	swait.ge [sflag:s26], $0x6000  }
0x470: {  	[sflag:s26] =	ssyncset.done $0x0  }
0x471: {  	s22 =	rddreg [dreg:$0xf];
	[sflag:s26] =	ssyncadd.s32 $0xFFFFA000  }
0x472: {  	[hbm4b:s22+s3] =	stream.linear.scatter [tilespmem:s29], [sflag:$0x5], $0x6000, $0x38;
	[tilespmem:$0x1B000] =	vst v63  }
0x473: {  	_ =	swait.ge [sflag:s21], $0x6000  }
0x474: {  	[sflag:s21] =	ssyncset.done $0x0  }
0x475: {  	[sflag:s21] =	ssyncadd.s32 $0xFFFFA000  }
0x476: {  	v3 =	vld [tilespmem:$0x2B80];
	_ =	sdelay $0x4  }
0x477: {  	v46 =	vshrl.u32 v3, $0x3  }
0x478: {  	v4 =	vmul.u32 $0x30, v46  }
0x479: {  	v3 =	vand.u32 $0x7, v3  }
0x47a: {  	v3 =	vor.u32 v3, v4  }
0x47b: {  	v4 =	vperm.xlane v3, v0;
	_ =	sdelay $0x1  }
0x47c: {  	v4 =	vadd.s32 v1, v4;
	_ =	sdelay $0x3  }
0x47d: {  	v3 =	vperm.xlane v3, v2  }
0x47e: {  	[tilespmem:s4], [sflag:$0x4] =	stream.indirect_vreg.gather [hbm4b:s2+s3], $0x80, v4, vm0, $0xb8;
	[tilespmem:$0x1B000] =	vst v63  }
0x47f: {  	s24 =	simm.s32 $0x15800;
	v3 =	vadd.s32 v1, v3  }
0x480: {  	[tilespmem:s24], [sflag:$0x4] =	stream.indirect_vreg.gather [hbm4b:s31+s3], $0x80, v4, vm0, $0xb8;
	[tilespmem:$0x1B000] =	vst v63  }
0x481: {  	s11 =	simm.s32 $0x16000  }
0x482: {  	[tilespmem:s11], [sflag:$0x4] =	stream.indirect_vreg.gather [hbm4b:s0+s3], $0x80, v4, vm0, $0xb8;
	[tilespmem:$0x1B000] =	vst v63  }
0x483: {  	s28 =	simm.s32 $0x16800  }
0x484: {  	[tilespmem:s28], [sflag:$0x4] =	stream.indirect_vreg.gather [hbm4b:s2+s3], $0x80, v3, vm0, $0xb8;
	[tilespmem:$0x1B000] =	vst v63  }
0x485: {  	s13 =	simm.s32 $0x17000  }
0x486: {  	[tilespmem:s13], [sflag:$0x4] =	stream.indirect_vreg.gather [hbm4b:s31+s3], $0x80, v3, vm0, $0xb8;
	[tilespmem:$0x1B000] =	vst v63  }
0x487: {  	s24 =	simm.s32 $0x17800  }
0x488: {  	[tilespmem:s24], [sflag:$0x4] =	stream.indirect_vreg.gather [hbm4b:s0+s3], $0x80, v3, vm0, $0xb8;
	[tilespmem:$0x1B000] =	vst v63  }
0x489: {  	v3 =	vld [tilespmem:$0x2B90];
	_ =	sdelay $0x4  }
0x48a: {  	v47 =	vshrl.u32 v3, $0x3  }
0x48b: {  	v4 =	vmul.u32 $0x30, v47  }
0x48c: {  	v3 =	vand.u32 $0x7, v3  }
0x48d: {  	v3 =	vor.u32 v3, v4  }
0x48e: {  	v4 =	vperm.xlane v3, v0;
	_ =	sdelay $0x1  }
0x48f: {  	v4 =	vadd.s32 v1, v4;
	_ =	sdelay $0x3  }
0x490: {  	s25 =	simm.s32 $0x18000;
	v3 =	vperm.xlane v3, v2  }
0x491: {  	[tilespmem:s25], [sflag:$0x4] =	stream.indirect_vreg.gather [hbm4b:s2+s3], $0x80, v4, vm0, $0xb8;
	[tilespmem:$0x1B000] =	vst v63  }
0x492: {  	s23 =	simm.s32 $0x18800;
	v3 =	vadd.s32 v1, v3  }
0x493: {  	[tilespmem:s23], [sflag:$0x4] =	stream.indirect_vreg.gather [hbm4b:s31+s3], $0x80, v4, vm0, $0xb8;
	[tilespmem:$0x1B000] =	vst v63  }
0x494: {  	s7 =	simm.s32 $0x19000  }
0x495: {  	[tilespmem:s7], [sflag:$0x4] =	stream.indirect_vreg.gather [hbm4b:s0+s3], $0x80, v4, vm0, $0xb8;
	[tilespmem:$0x1B000] =	vst v63  }
0x496: {  	s8 =	simm.s32 $0x19800  }
0x497: {  	[tilespmem:s8], [sflag:$0x4] =	stream.indirect_vreg.gather [hbm4b:s2+s3], $0x80, v3, vm0, $0xb8;
	[tilespmem:$0x1B000] =	vst v63  }
0x498: {  	s9 =	simm.s32 $0x1A000  }
0x499: {  	[tilespmem:s9], [sflag:$0x4] =	stream.indirect_vreg.gather [hbm4b:s31+s3], $0x80, v3, vm0, $0xb8;
	[tilespmem:$0x1B000] =	vst v63  }
0x49a: {  	s10 =	simm.s32 $0x1A800  }
0x49b: {  	[tilespmem:s10], [sflag:$0x4] =	stream.indirect_vreg.gather [hbm4b:s0+s3], $0x80, v3, vm0, $0xb8;
	[tilespmem:$0x1B000] =	vst v63  }
0x49c: {  	_ =	swait.ge [sflag:s14], $0x6000  }
0x49d: {  	[sflag:s14] =	ssyncset.done $0x0  }
0x49e: {  	s10 =	rddreg [dreg:$0x10];
	[sflag:s14] =	ssyncadd.s32 $0xFFFFA000  }
0x49f: {  	[hbm4b:s10+s3] =	stream.linear.scatter [tilespmem:s6], [sflag:$0x6], $0x6000, $0x38;
	[tilespmem:$0x1B000] =	vst v63  }
0x4a0: {  	_ =	swait.ge [sflag:s30], $0x6000  }
0x4a1: {  	[sflag:s30] =	ssyncset.done $0x0  }
0x4a2: {  	[sflag:s30] =	ssyncadd.s32 $0xFFFFA000  }
0x4a3: {  	v3 =	vld [tilespmem:$0x2C00];
	_ =	sdelay $0x4  }
0x4a4: {  	v48 =	vshrl.u32 v3, $0x3  }
0x4a5: {  	v4 =	vmul.u32 $0x30, v48  }
0x4a6: {  	v3 =	vand.u32 $0x7, v3  }
0x4a7: {  	v3 =	vor.u32 v3, v4  }
0x4a8: {  	v4 =	vperm.xlane v3, v0;
	_ =	sdelay $0x1  }
0x4a9: {  	v4 =	vadd.s32 v1, v4;
	_ =	sdelay $0x3  }
0x4aa: {  	v3 =	vperm.xlane v3, v2  }
0x4ab: {  	[tilespmem:s29], [sflag:$0x1] =	stream.indirect_vreg.gather [hbm4b:s2+s3], $0x80, v4, vm0, $0xb8;
	[tilespmem:$0x1B000] =	vst v63  }
0x4ac: {  	s25 =	simm.s32 $0x3800;
	v3 =	vadd.s32 v1, v3  }
0x4ad: {  	[tilespmem:s25], [sflag:$0x1] =	stream.indirect_vreg.gather [hbm4b:s31+s3], $0x80, v4, vm0, $0xb8;
	[tilespmem:$0x1B000] =	vst v63  }
0x4ae: {  	s7 =	simm.s32 $0x4000  }
0x4af: {  	[tilespmem:s7], [sflag:$0x1] =	stream.indirect_vreg.gather [hbm4b:s0+s3], $0x80, v4, vm0, $0xb8;
	[tilespmem:$0x1B000] =	vst v63  }
0x4b0: {  	s8 =	simm.s32 $0x4800  }
0x4b1: {  	[tilespmem:s8], [sflag:$0x1] =	stream.indirect_vreg.gather [hbm4b:s2+s3], $0x80, v3, vm0, $0xb8;
	[tilespmem:$0x1B000] =	vst v63  }
0x4b2: {  	s10 =	simm.s32 $0x5000  }
0x4b3: {  	[tilespmem:s10], [sflag:$0x1] =	stream.indirect_vreg.gather [hbm4b:s31+s3], $0x80, v3, vm0, $0xb8;
	[tilespmem:$0x1B000] =	vst v63  }
0x4b4: {  	s25 =	simm.s32 $0x5800  }
0x4b5: {  	[tilespmem:s25], [sflag:$0x1] =	stream.indirect_vreg.gather [hbm4b:s0+s3], $0x80, v3, vm0, $0xb8;
	[tilespmem:$0x1B000] =	vst v63  }
0x4b6: {  	v3 =	vld [tilespmem:$0x2C10];
	_ =	sdelay $0x4  }
0x4b7: {  	v49 =	vshrl.u32 v3, $0x3  }
0x4b8: {  	v4 =	vmul.u32 $0x30, v49  }
0x4b9: {  	v3 =	vand.u32 $0x7, v3  }
0x4ba: {  	v3 =	vor.u32 v3, v4  }
0x4bb: {  	v4 =	vperm.xlane v3, v0;
	_ =	sdelay $0x1  }
0x4bc: {  	v4 =	vadd.s32 v1, v4;
	_ =	sdelay $0x3  }
0x4bd: {  	s7 =	simm.s32 $0x6000;
	v3 =	vperm.xlane v3, v2  }
0x4be: {  	[tilespmem:s7], [sflag:$0x1] =	stream.indirect_vreg.gather [hbm4b:s2+s3], $0x80, v4, vm0, $0xb8;
	[tilespmem:$0x1B000] =	vst v63  }
0x4bf: {  	s8 =	simm.s32 $0x6800;
	v3 =	vadd.s32 v1, v3  }
0x4c0: {  	[tilespmem:s8], [sflag:$0x1] =	stream.indirect_vreg.gather [hbm4b:s31+s3], $0x80, v4, vm0, $0xb8;
	[tilespmem:$0x1B000] =	vst v63  }
0x4c1: {  	s10 =	simm.s32 $0x7000  }
0x4c2: {  	[tilespmem:s10], [sflag:$0x1] =	stream.indirect_vreg.gather [hbm4b:s0+s3], $0x80, v4, vm0, $0xb8;
	[tilespmem:$0x1B000] =	vst v63  }
0x4c3: {  	s25 =	simm.s32 $0x7800  }
0x4c4: {  	[tilespmem:s25], [sflag:$0x1] =	stream.indirect_vreg.gather [hbm4b:s2+s3], $0x80, v3, vm0, $0xb8;
	[tilespmem:$0x1B000] =	vst v63  }
0x4c5: {  	s7 =	simm.s32 $0x8000  }
0x4c6: {  	[tilespmem:s7], [sflag:$0x1] =	stream.indirect_vreg.gather [hbm4b:s31+s3], $0x80, v3, vm0, $0xb8;
	[tilespmem:$0x1B000] =	vst v63  }
0x4c7: {  	s8 =	simm.s32 $0x8800  }
0x4c8: {  	[tilespmem:s8], [sflag:$0x1] =	stream.indirect_vreg.gather [hbm4b:s0+s3], $0x80, v3, vm0, $0xb8;
	[tilespmem:$0x1B000] =	vst v63  }
0x4c9: {  	_ =	swait.ge [sflag:s16], $0x6000  }
0x4ca: {  	[sflag:s16] =	ssyncset.done $0x0  }
0x4cb: {  	s10 =	rddreg [dreg:$0x11];
	[sflag:s16] =	ssyncadd.s32 $0xFFFFA000  }
0x4cc: {  	[hbm4b:s10+s3] =	stream.linear.scatter [tilespmem:s5], [sflag:$0x7], $0x6000, $0x38;
	[tilespmem:$0x1B000] =	vst v63  }
0x4cd: {  	_ =	swait.ge [sflag:s17], $0x6000  }
0x4ce: {  	[sflag:s17] =	ssyncset.done $0x0  }
0x4cf: {  	[sflag:s17] =	ssyncadd.s32 $0xFFFFA000  }
0x4d0: {  	v3 =	vld [tilespmem:$0x2C80];
	_ =	sdelay $0x4  }
0x4d1: {  	v50 =	vshrl.u32 v3, $0x3  }
0x4d2: {  	v4 =	vmul.u32 $0x30, v50  }
0x4d3: {  	v3 =	vand.u32 $0x7, v3  }
0x4d4: {  	v3 =	vor.u32 v3, v4  }
0x4d5: {  	v4 =	vperm.xlane v3, v0;
	_ =	sdelay $0x1  }
0x4d6: {  	v4 =	vadd.s32 v1, v4;
	_ =	sdelay $0x3  }
0x4d7: {  	v3 =	vperm.xlane v3, v2  }
0x4d8: {  	[tilespmem:s6], [sflag:$0x2] =	stream.indirect_vreg.gather [hbm4b:s2+s3], $0x80, v4, vm0, $0xb8;
	[tilespmem:$0x1B000] =	vst v63  }
0x4d9: {  	s25 =	simm.s32 $0x9800;
	v3 =	vadd.s32 v1, v3  }
0x4da: {  	[tilespmem:s25], [sflag:$0x2] =	stream.indirect_vreg.gather [hbm4b:s31+s3], $0x80, v4, vm0, $0xb8;
	[tilespmem:$0x1B000] =	vst v63  }
0x4db: {  	s7 =	simm.s32 $0xA000  }
0x4dc: {  	[tilespmem:s7], [sflag:$0x2] =	stream.indirect_vreg.gather [hbm4b:s0+s3], $0x80, v4, vm0, $0xb8;
	[tilespmem:$0x1B000] =	vst v63  }
0x4dd: {  	s8 =	simm.s32 $0xA800  }
0x4de: {  	[tilespmem:s8], [sflag:$0x2] =	stream.indirect_vreg.gather [hbm4b:s2+s3], $0x80, v3, vm0, $0xb8;
	[tilespmem:$0x1B000] =	vst v63  }
0x4df: {  	s10 =	simm.s32 $0xB000  }
0x4e0: {  	[tilespmem:s10], [sflag:$0x2] =	stream.indirect_vreg.gather [hbm4b:s31+s3], $0x80, v3, vm0, $0xb8;
	[tilespmem:$0x1B000] =	vst v63  }
0x4e1: {  	s25 =	simm.s32 $0xB800  }
0x4e2: {  	[tilespmem:s25], [sflag:$0x2] =	stream.indirect_vreg.gather [hbm4b:s0+s3], $0x80, v3, vm0, $0xb8;
	[tilespmem:$0x1B000] =	vst v63  }
0x4e3: {  	v3 =	vld [tilespmem:$0x2C90];
	_ =	sdelay $0x4  }
0x4e4: {  	v51 =	vshrl.u32 v3, $0x3  }
0x4e5: {  	v4 =	vmul.u32 $0x30, v51  }
0x4e6: {  	v3 =	vand.u32 $0x7, v3  }
0x4e7: {  	v3 =	vor.u32 v3, v4  }
0x4e8: {  	v4 =	vperm.xlane v3, v0;
	_ =	sdelay $0x1  }
0x4e9: {  	v4 =	vadd.s32 v1, v4;
	_ =	sdelay $0x3  }
0x4ea: {  	s7 =	simm.s32 $0xC000;
	v3 =	vperm.xlane v3, v2  }
0x4eb: {  	[tilespmem:s7], [sflag:$0x2] =	stream.indirect_vreg.gather [hbm4b:s2+s3], $0x80, v4, vm0, $0xb8;
	[tilespmem:$0x1B000] =	vst v63  }
0x4ec: {  	s8 =	simm.s32 $0xC800;
	v3 =	vadd.s32 v1, v3  }
0x4ed: {  	[tilespmem:s8], [sflag:$0x2] =	stream.indirect_vreg.gather [hbm4b:s31+s3], $0x80, v4, vm0, $0xb8;
	[tilespmem:$0x1B000] =	vst v63  }
0x4ee: {  	s10 =	simm.s32 $0xD000  }
0x4ef: {  	[tilespmem:s10], [sflag:$0x2] =	stream.indirect_vreg.gather [hbm4b:s0+s3], $0x80, v4, vm0, $0xb8;
	[tilespmem:$0x1B000] =	vst v63  }
0x4f0: {  	s25 =	simm.s32 $0xD800  }
0x4f1: {  	[tilespmem:s25], [sflag:$0x2] =	stream.indirect_vreg.gather [hbm4b:s2+s3], $0x80, v3, vm0, $0xb8;
	[tilespmem:$0x1B000] =	vst v63  }
0x4f2: {  	s7 =	simm.s32 $0xE000  }
0x4f3: {  	[tilespmem:s7], [sflag:$0x2] =	stream.indirect_vreg.gather [hbm4b:s31+s3], $0x80, v3, vm0, $0xb8;
	[tilespmem:$0x1B000] =	vst v63  }
0x4f4: {  	s8 =	simm.s32 $0xE800  }
0x4f5: {  	[tilespmem:s8], [sflag:$0x2] =	stream.indirect_vreg.gather [hbm4b:s0+s3], $0x80, v3, vm0, $0xb8;
	[tilespmem:$0x1B000] =	vst v63  }
0x4f6: {  	_ =	swait.ge [sflag:s18], $0x6000  }
0x4f7: {  	[sflag:s18] =	ssyncset.done $0x0  }
0x4f8: {  	s10 =	rddreg [dreg:$0x12];
	[sflag:s18] =	ssyncadd.s32 $0xFFFFA000  }
0x4f9: {  	[hbm4b:s10+s3] =	stream.linear.scatter [tilespmem:s4], [sflag:$0x8], $0x6000, $0x38;
	[tilespmem:$0x1B000] =	vst v63  }
0x4fa: {  	_ =	swait.ge [sflag:s20], $0x6000  }
0x4fb: {  	[sflag:s20] =	ssyncset.done $0x0  }
0x4fc: {  	[sflag:s20] =	ssyncadd.s32 $0xFFFFA000  }
0x4fd: {  	v3 =	vld [tilespmem:$0x2D00];
	_ =	sdelay $0x4  }
0x4fe: {  	v52 =	vshrl.u32 v3, $0x3  }
0x4ff: {  	v4 =	vmul.u32 $0x30, v52  }
0x500: {  	v3 =	vand.u32 $0x7, v3  }
0x501: {  	v3 =	vor.u32 v3, v4  }
0x502: {  	v4 =	vperm.xlane v3, v0;
	_ =	sdelay $0x1  }
0x503: {  	v4 =	vadd.s32 v1, v4;
	_ =	sdelay $0x3  }
0x504: {  	v3 =	vperm.xlane v3, v2  }
0x505: {  	[tilespmem:s5], [sflag:$0x3] =	stream.indirect_vreg.gather [hbm4b:s2+s3], $0x80, v4, vm0, $0xb8;
	[tilespmem:$0x1B000] =	vst v63  }
0x506: {  	s15 =	simm.s32 $0xF800;
	v3 =	vadd.s32 v1, v3  }
0x507: {  	[tilespmem:s15], [sflag:$0x3] =	stream.indirect_vreg.gather [hbm4b:s31+s3], $0x80, v4, vm0, $0xb8;
	[tilespmem:$0x1B000] =	vst v63  }
0x508: {  	s12 =	simm.s32 $0x10000  }
0x509: {  	[tilespmem:s12], [sflag:$0x3] =	stream.indirect_vreg.gather [hbm4b:s0+s3], $0x80, v4, vm0, $0xb8;
	[tilespmem:$0x1B000] =	vst v63  }
0x50a: {  	s19 =	simm.s32 $0x10800  }
0x50b: {  	[tilespmem:s19], [sflag:$0x3] =	stream.indirect_vreg.gather [hbm4b:s2+s3], $0x80, v3, vm0, $0xb8;
	[tilespmem:$0x1B000] =	vst v63  }
0x50c: {  	s25 =	simm.s32 $0x11000  }
0x50d: {  	[tilespmem:s25], [sflag:$0x3] =	stream.indirect_vreg.gather [hbm4b:s31+s3], $0x80, v3, vm0, $0xb8;
	[tilespmem:$0x1B000] =	vst v63  }
0x50e: {  	s10 =	simm.s32 $0x11800  }
0x50f: {  	[tilespmem:s10], [sflag:$0x3] =	stream.indirect_vreg.gather [hbm4b:s0+s3], $0x80, v3, vm0, $0xb8;
	[tilespmem:$0x1B000] =	vst v63  }
0x510: {  	v3 =	vld [tilespmem:$0x2D10];
	_ =	sdelay $0x4  }
0x511: {  	v53 =	vshrl.u32 v3, $0x3  }
0x512: {  	v4 =	vmul.u32 $0x30, v53  }
0x513: {  	v3 =	vand.u32 $0x7, v3  }
0x514: {  	v3 =	vor.u32 v3, v4  }
0x515: {  	v4 =	vperm.xlane v3, v0;
	_ =	sdelay $0x1  }
0x516: {  	v4 =	vadd.s32 v1, v4;
	_ =	sdelay $0x3  }
0x517: {  	s15 =	simm.s32 $0x12000;
	v3 =	vperm.xlane v3, v2  }
0x518: {  	[tilespmem:s15], [sflag:$0x3] =	stream.indirect_vreg.gather [hbm4b:s2+s3], $0x80, v4, vm0, $0xb8;
	[tilespmem:$0x1B000] =	vst v63  }
0x519: {  	s25 =	simm.s32 $0x12800;
	v3 =	vadd.s32 v1, v3  }
0x51a: {  	[tilespmem:s25], [sflag:$0x3] =	stream.indirect_vreg.gather [hbm4b:s31+s3], $0x80, v4, vm0, $0xb8;
	[tilespmem:$0x1B000] =	vst v63  }
0x51b: {  	s10 =	simm.s32 $0x13000  }
0x51c: {  	[tilespmem:s10], [sflag:$0x3] =	stream.indirect_vreg.gather [hbm4b:s0+s3], $0x80, v4, vm0, $0xb8;
	[tilespmem:$0x1B000] =	vst v63  }
0x51d: {  	s15 =	simm.s32 $0x13800  }
0x51e: {  	[tilespmem:s15], [sflag:$0x3] =	stream.indirect_vreg.gather [hbm4b:s2+s3], $0x80, v3, vm0, $0xb8;
	[tilespmem:$0x1B000] =	vst v63  }
0x51f: {  	s25 =	simm.s32 $0x14000  }
0x520: {  	[tilespmem:s25], [sflag:$0x3] =	stream.indirect_vreg.gather [hbm4b:s31+s3], $0x80, v3, vm0, $0xb8;
	[tilespmem:$0x1B000] =	vst v63  }
0x521: {  	s10 =	simm.s32 $0x14800  }
0x522: {  	[tilespmem:s10], [sflag:$0x3] =	stream.indirect_vreg.gather [hbm4b:s0+s3], $0x80, v3, vm0, $0xb8;
	[tilespmem:$0x1B000] =	vst v63  }
0x523: {  	_ =	swait.ge [sflag:s26], $0x6000  }
0x524: {  	[sflag:s26] =	ssyncset.done $0x0  }
0x525: {  	s15 =	rddreg [dreg:$0x14];
	[sflag:s26] =	ssyncadd.s32 $0xFFFFA000  }
0x526: {  	[hbm4b:s15+s3] =	stream.linear.scatter [tilespmem:s29], [sflag:$0x5], $0x6000, $0x38;
	[tilespmem:$0x1B000] =	vst v63  }
0x527: {  	_ =	swait.ge [sflag:s21], $0x6000  }
0x528: {  	[sflag:s21] =	ssyncset.done $0x0  }
0x529: {  	[sflag:s21] =	ssyncadd.s32 $0xFFFFA000  }
0x52a: {  	v3 =	vld [tilespmem:$0x2D80];
	_ =	sdelay $0x4  }
0x52b: {  	v54 =	vshrl.u32 v3, $0x3  }
0x52c: {  	v4 =	vmul.u32 $0x30, v54  }
0x52d: {  	v3 =	vand.u32 $0x7, v3  }
0x52e: {  	v3 =	vor.u32 v3, v4  }
0x52f: {  	v4 =	vperm.xlane v3, v0;
	_ =	sdelay $0x1  }
0x530: {  	v4 =	vadd.s32 v1, v4;
	_ =	sdelay $0x3  }
0x531: {  	v3 =	vperm.xlane v3, v2  }
0x532: {  	[tilespmem:s4], [sflag:$0x4] =	stream.indirect_vreg.gather [hbm4b:s2+s3], $0x80, v4, vm0, $0xb8;
	[tilespmem:$0x1B000] =	vst v63  }
0x533: {  	s22 =	simm.s32 $0x15800;
	v3 =	vadd.s32 v1, v3  }
0x534: {  	[tilespmem:s22], [sflag:$0x4] =	stream.indirect_vreg.gather [hbm4b:s31+s3], $0x80, v4, vm0, $0xb8;
	[tilespmem:$0x1B000] =	vst v63  }
0x535: {  	s25 =	simm.s32 $0x16000  }
0x536: {  	[tilespmem:s25], [sflag:$0x4] =	stream.indirect_vreg.gather [hbm4b:s0+s3], $0x80, v4, vm0, $0xb8;
	[tilespmem:$0x1B000] =	vst v63  }
0x537: {  	s10 =	simm.s32 $0x16800  }
0x538: {  	[tilespmem:s10], [sflag:$0x4] =	stream.indirect_vreg.gather [hbm4b:s2+s3], $0x80, v3, vm0, $0xb8;
	[tilespmem:$0x1B000] =	vst v63  }
0x539: {  	s28 =	simm.s32 $0x17000  }
0x53a: {  	[tilespmem:s28], [sflag:$0x4] =	stream.indirect_vreg.gather [hbm4b:s31+s3], $0x80, v3, vm0, $0xb8;
	[tilespmem:$0x1B000] =	vst v63  }
0x53b: {  	s11 =	simm.s32 $0x17800  }
0x53c: {  	[tilespmem:s11], [sflag:$0x4] =	stream.indirect_vreg.gather [hbm4b:s0+s3], $0x80, v3, vm0, $0xb8;
	[tilespmem:$0x1B000] =	vst v63  }
0x53d: {  	v3 =	vld [tilespmem:$0x2D90];
	_ =	sdelay $0x4  }
0x53e: {  	v55 =	vshrl.u32 v3, $0x3  }
0x53f: {  	v4 =	vmul.u32 $0x30, v55  }
0x540: {  	v3 =	vand.u32 $0x7, v3  }
0x541: {  	v3 =	vor.u32 v3, v4  }
0x542: {  	v4 =	vperm.xlane v3, v0;
	_ =	sdelay $0x1  }
0x543: {  	v4 =	vadd.s32 v1, v4;
	_ =	sdelay $0x3  }
0x544: {  	s11 =	simm.s32 $0x18000;
	v3 =	vperm.xlane v3, v2  }
0x545: {  	[tilespmem:s11], [sflag:$0x4] =	stream.indirect_vreg.gather [hbm4b:s2+s3], $0x80, v4, vm0, $0xb8;
	[tilespmem:$0x1B000] =	vst v63  }
0x546: {  	s22 =	simm.s32 $0x18800;
	v3 =	vadd.s32 v1, v3  }
0x547: {  	[tilespmem:s22], [sflag:$0x4] =	stream.indirect_vreg.gather [hbm4b:s31+s3], $0x80, v4, vm0, $0xb8;
	[tilespmem:$0x1B000] =	vst v63  }
0x548: {  	s23 =	simm.s32 $0x19000  }
0x549: {  	[tilespmem:s23], [sflag:$0x4] =	stream.indirect_vreg.gather [hbm4b:s0+s3], $0x80, v4, vm0, $0xb8;
	[tilespmem:$0x1B000] =	vst v63  }
0x54a: {  	s13 =	simm.s32 $0x19800  }
0x54b: {  	[tilespmem:s13], [sflag:$0x4] =	stream.indirect_vreg.gather [hbm4b:s2+s3], $0x80, v3, vm0, $0xb8;
	[tilespmem:$0x1B000] =	vst v63  }
0x54c: {  	s9 =	simm.s32 $0x1A000  }
0x54d: {  	[tilespmem:s9], [sflag:$0x4] =	stream.indirect_vreg.gather [hbm4b:s31+s3], $0x80, v3, vm0, $0xb8;
	[tilespmem:$0x1B000] =	vst v63  }
0x54e: {  	s24 =	simm.s32 $0x1A800  }
0x54f: {  	[tilespmem:s24], [sflag:$0x4] =	stream.indirect_vreg.gather [hbm4b:s0+s3], $0x80, v3, vm0, $0xb8;
	[tilespmem:$0x1B000] =	vst v63  }
0x550: {  	_ =	swait.ge [sflag:s14], $0x6000  }
0x551: {  	[sflag:s14] =	ssyncset.done $0x0  }
0x552: {  	s24 =	rddreg [dreg:$0x15];
	[sflag:s14] =	ssyncadd.s32 $0xFFFFA000  }
0x553: {  	[hbm4b:s24+s3] =	stream.linear.scatter [tilespmem:s6], [sflag:$0x6], $0x6000, $0x38;
	[tilespmem:$0x1B000] =	vst v63  }
0x554: {  	_ =	swait.ge [sflag:s30], $0x6000  }
0x555: {  	[sflag:s30] =	ssyncset.done $0x0  }
0x556: {  	[sflag:s30] =	ssyncadd.s32 $0xFFFFA000  }
0x557: {  	v3 =	vld [tilespmem:$0x2E00];
	_ =	sdelay $0x4  }
0x558: {  	v56 =	vshrl.u32 v3, $0x3  }
0x559: {  	v4 =	vmul.u32 $0x30, v56  }
0x55a: {  	v3 =	vand.u32 $0x7, v3  }
0x55b: {  	v3 =	vor.u32 v3, v4  }
0x55c: {  	v4 =	vperm.xlane v3, v0;
	_ =	sdelay $0x1  }
0x55d: {  	v4 =	vadd.s32 v1, v4;
	_ =	sdelay $0x3  }
0x55e: {  	v3 =	vperm.xlane v3, v2  }
0x55f: {  	[tilespmem:s29], [sflag:$0x1] =	stream.indirect_vreg.gather [hbm4b:s2+s3], $0x80, v4, vm0, $0xb8;
	[tilespmem:$0x1B000] =	vst v63  }
0x560: {  	s23 =	simm.s32 $0x3800;
	v3 =	vadd.s32 v1, v3  }
0x561: {  	[tilespmem:s23], [sflag:$0x1] =	stream.indirect_vreg.gather [hbm4b:s31+s3], $0x80, v4, vm0, $0xb8;
	[tilespmem:$0x1B000] =	vst v63  }
0x562: {  	s24 =	simm.s32 $0x4000  }
0x563: {  	[tilespmem:s24], [sflag:$0x1] =	stream.indirect_vreg.gather [hbm4b:s0+s3], $0x80, v4, vm0, $0xb8;
	[tilespmem:$0x1B000] =	vst v63  }
0x564: {  	s23 =	simm.s32 $0x4800  }
0x565: {  	[tilespmem:s23], [sflag:$0x1] =	stream.indirect_vreg.gather [hbm4b:s2+s3], $0x80, v3, vm0, $0xb8;
	[tilespmem:$0x1B000] =	vst v63  }
0x566: {  	s24 =	simm.s32 $0x5000  }
0x567: {  	[tilespmem:s24], [sflag:$0x1] =	stream.indirect_vreg.gather [hbm4b:s31+s3], $0x80, v3, vm0, $0xb8;
	[tilespmem:$0x1B000] =	vst v63  }
0x568: {  	s23 =	simm.s32 $0x5800  }
0x569: {  	[tilespmem:s23], [sflag:$0x1] =	stream.indirect_vreg.gather [hbm4b:s0+s3], $0x80, v3, vm0, $0xb8;
	[tilespmem:$0x1B000] =	vst v63  }
0x56a: {  	v3 =	vld [tilespmem:$0x2E10];
	_ =	sdelay $0x4  }
0x56b: {  	v57 =	vshrl.u32 v3, $0x3  }
0x56c: {  	v4 =	vmul.u32 $0x30, v57  }
0x56d: {  	v3 =	vand.u32 $0x7, v3  }
0x56e: {  	v3 =	vor.u32 v3, v4  }
0x56f: {  	v4 =	vperm.xlane v3, v0;
	_ =	sdelay $0x1  }
0x570: {  	v4 =	vadd.s32 v1, v4;
	_ =	sdelay $0x3  }
0x571: {  	s24 =	simm.s32 $0x6000;
	v3 =	vperm.xlane v3, v2  }
0x572: {  	[tilespmem:s24], [sflag:$0x1] =	stream.indirect_vreg.gather [hbm4b:s2+s3], $0x80, v4, vm0, $0xb8;
	[tilespmem:$0x1B000] =	vst v63  }
0x573: {  	s23 =	simm.s32 $0x6800;
	v3 =	vadd.s32 v1, v3  }
0x574: {  	[tilespmem:s23], [sflag:$0x1] =	stream.indirect_vreg.gather [hbm4b:s31+s3], $0x80, v4, vm0, $0xb8;
	[tilespmem:$0x1B000] =	vst v63  }
0x575: {  	s24 =	simm.s32 $0x7000  }
0x576: {  	[tilespmem:s24], [sflag:$0x1] =	stream.indirect_vreg.gather [hbm4b:s0+s3], $0x80, v4, vm0, $0xb8;
	[tilespmem:$0x1B000] =	vst v63  }
0x577: {  	s23 =	simm.s32 $0x7800  }
0x578: {  	[tilespmem:s23], [sflag:$0x1] =	stream.indirect_vreg.gather [hbm4b:s2+s3], $0x80, v3, vm0, $0xb8;
	[tilespmem:$0x1B000] =	vst v63  }
0x579: {  	s24 =	simm.s32 $0x8000  }
0x57a: {  	[tilespmem:s24], [sflag:$0x1] =	stream.indirect_vreg.gather [hbm4b:s31+s3], $0x80, v3, vm0, $0xb8;
	[tilespmem:$0x1B000] =	vst v63  }
0x57b: {  	s23 =	simm.s32 $0x8800  }
0x57c: {  	[tilespmem:s23], [sflag:$0x1] =	stream.indirect_vreg.gather [hbm4b:s0+s3], $0x80, v3, vm0, $0xb8;
	[tilespmem:$0x1B000] =	vst v63  }
0x57d: {  	_ =	swait.ge [sflag:s16], $0x6000  }
0x57e: {  	[sflag:s16] =	ssyncset.done $0x0  }
0x57f: {  	s24 =	rddreg [dreg:$0x16];
	[sflag:s16] =	ssyncadd.s32 $0xFFFFA000  }
0x580: {  	[hbm4b:s24+s3] =	stream.linear.scatter [tilespmem:s5], [sflag:$0x7], $0x6000, $0x38;
	[tilespmem:$0x1B000] =	vst v63  }
0x581: {  	_ =	swait.ge [sflag:s17], $0x6000  }
0x582: {  	[sflag:s17] =	ssyncset.done $0x0  }
0x583: {  	[sflag:s17] =	ssyncadd.s32 $0xFFFFA000  }
0x584: {  	v3 =	vld [tilespmem:$0x2E80];
	_ =	sdelay $0x4  }
0x585: {  	v58 =	vshrl.u32 v3, $0x3  }
0x586: {  	v4 =	vmul.u32 $0x30, v58  }
0x587: {  	v3 =	vand.u32 $0x7, v3  }
0x588: {  	v3 =	vor.u32 v3, v4  }
0x589: {  	v4 =	vperm.xlane v3, v0;
	_ =	sdelay $0x1  }
0x58a: {  	v4 =	vadd.s32 v1, v4;
	_ =	sdelay $0x3  }
0x58b: {  	v3 =	vperm.xlane v3, v2  }
0x58c: {  	[tilespmem:s6], [sflag:$0x2] =	stream.indirect_vreg.gather [hbm4b:s2+s3], $0x80, v4, vm0, $0xb8;
	[tilespmem:$0x1B000] =	vst v63  }
0x58d: {  	s23 =	simm.s32 $0x9800;
	v3 =	vadd.s32 v1, v3  }
0x58e: {  	[tilespmem:s23], [sflag:$0x2] =	stream.indirect_vreg.gather [hbm4b:s31+s3], $0x80, v4, vm0, $0xb8;
	[tilespmem:$0x1B000] =	vst v63  }
0x58f: {  	s24 =	simm.s32 $0xA000  }
0x590: {  	[tilespmem:s24], [sflag:$0x2] =	stream.indirect_vreg.gather [hbm4b:s0+s3], $0x80, v4, vm0, $0xb8;
	[tilespmem:$0x1B000] =	vst v63  }
0x591: {  	s23 =	simm.s32 $0xA800  }
0x592: {  	[tilespmem:s23], [sflag:$0x2] =	stream.indirect_vreg.gather [hbm4b:s2+s3], $0x80, v3, vm0, $0xb8;
	[tilespmem:$0x1B000] =	vst v63  }
0x593: {  	s24 =	simm.s32 $0xB000  }
0x594: {  	[tilespmem:s24], [sflag:$0x2] =	stream.indirect_vreg.gather [hbm4b:s31+s3], $0x80, v3, vm0, $0xb8;
	[tilespmem:$0x1B000] =	vst v63  }
0x595: {  	s23 =	simm.s32 $0xB800  }
0x596: {  	[tilespmem:s23], [sflag:$0x2] =	stream.indirect_vreg.gather [hbm4b:s0+s3], $0x80, v3, vm0, $0xb8;
	[tilespmem:$0x1B000] =	vst v63  }
0x597: {  	v3 =	vld [tilespmem:$0x2E90];
	_ =	sdelay $0x4  }
0x598: {  	v59 =	vshrl.u32 v3, $0x3  }
0x599: {  	v4 =	vmul.u32 $0x30, v59  }
0x59a: {  	v3 =	vand.u32 $0x7, v3  }
0x59b: {  	v3 =	vor.u32 v3, v4  }
0x59c: {  	v4 =	vperm.xlane v3, v0;
	_ =	sdelay $0x1  }
0x59d: {  	v4 =	vadd.s32 v1, v4;
	_ =	sdelay $0x3  }
0x59e: {  	s24 =	simm.s32 $0xC000;
	v3 =	vperm.xlane v3, v2  }
0x59f: {  	[tilespmem:s24], [sflag:$0x2] =	stream.indirect_vreg.gather [hbm4b:s2+s3], $0x80, v4, vm0, $0xb8;
	[tilespmem:$0x1B000] =	vst v63  }
0x5a0: {  	s23 =	simm.s32 $0xC800;
	v3 =	vadd.s32 v1, v3  }
0x5a1: {  	[tilespmem:s23], [sflag:$0x2] =	stream.indirect_vreg.gather [hbm4b:s31+s3], $0x80, v4, vm0, $0xb8;
	[tilespmem:$0x1B000] =	vst v63  }
0x5a2: {  	s24 =	simm.s32 $0xD000  }
0x5a3: {  	[tilespmem:s24], [sflag:$0x2] =	stream.indirect_vreg.gather [hbm4b:s0+s3], $0x80, v4, vm0, $0xb8;
	[tilespmem:$0x1B000] =	vst v63  }
0x5a4: {  	s23 =	simm.s32 $0xD800  }
0x5a5: {  	[tilespmem:s23], [sflag:$0x2] =	stream.indirect_vreg.gather [hbm4b:s2+s3], $0x80, v3, vm0, $0xb8;
	[tilespmem:$0x1B000] =	vst v63  }
0x5a6: {  	s24 =	simm.s32 $0xE000  }
0x5a7: {  	[tilespmem:s24], [sflag:$0x2] =	stream.indirect_vreg.gather [hbm4b:s31+s3], $0x80, v3, vm0, $0xb8;
	[tilespmem:$0x1B000] =	vst v63  }
0x5a8: {  	s23 =	simm.s32 $0xE800  }
0x5a9: {  	[tilespmem:s23], [sflag:$0x2] =	stream.indirect_vreg.gather [hbm4b:s0+s3], $0x80, v3, vm0, $0xb8;
	[tilespmem:$0x1B000] =	vst v63  }
0x5aa: {  	_ =	swait.ge [sflag:s18], $0x6000  }
0x5ab: {  	[sflag:s18] =	ssyncset.done $0x0  }
0x5ac: {  	s24 =	rddreg [dreg:$0x17];
	[sflag:s18] =	ssyncadd.s32 $0xFFFFA000  }
0x5ad: {  	[hbm4b:s24+s3] =	stream.linear.scatter [tilespmem:s4], [sflag:$0x8], $0x6000, $0x38;
	[tilespmem:$0x1B000] =	vst v63  }
0x5ae: {  	_ =	swait.ge [sflag:s20], $0x6000  }
0x5af: {  	[sflag:s20] =	ssyncset.done $0x0  }
0x5b0: {  	[sflag:s20] =	ssyncadd.s32 $0xFFFFA000  }
0x5b1: {  	v3 =	vld [tilespmem:$0x2F00];
	_ =	sdelay $0x4  }
0x5b2: {  	v60 =	vshrl.u32 v3, $0x3  }
0x5b3: {  	v4 =	vmul.u32 $0x30, v60  }
0x5b4: {  	v3 =	vand.u32 $0x7, v3  }
0x5b5: {  	v3 =	vor.u32 v3, v4  }
0x5b6: {  	v4 =	vperm.xlane v3, v0;
	_ =	sdelay $0x1  }
0x5b7: {  	v4 =	vadd.s32 v1, v4;
	_ =	sdelay $0x3  }
0x5b8: {  	v3 =	vperm.xlane v3, v2  }
0x5b9: {  	[tilespmem:s5], [sflag:$0x3] =	stream.indirect_vreg.gather [hbm4b:s2+s3], $0x80, v4, vm0, $0xb8;
	[tilespmem:$0x1B000] =	vst v63  }
0x5ba: {  	s8 =	simm.s32 $0xF800;
	v3 =	vadd.s32 v1, v3  }
0x5bb: {  	[tilespmem:s8], [sflag:$0x3] =	stream.indirect_vreg.gather [hbm4b:s31+s3], $0x80, v4, vm0, $0xb8;
	[tilespmem:$0x1B000] =	vst v63  }
0x5bc: {  	s7 =	simm.s32 $0x10000  }
0x5bd: {  	[tilespmem:s7], [sflag:$0x3] =	stream.indirect_vreg.gather [hbm4b:s0+s3], $0x80, v4, vm0, $0xb8;
	[tilespmem:$0x1B000] =	vst v63  }
0x5be: {  	s12 =	simm.s32 $0x10800  }
0x5bf: {  	[tilespmem:s12], [sflag:$0x3] =	stream.indirect_vreg.gather [hbm4b:s2+s3], $0x80, v3, vm0, $0xb8;
	[tilespmem:$0x1B000] =	vst v63  }
0x5c0: {  	s19 =	simm.s32 $0x11000  }
0x5c1: {  	[tilespmem:s19], [sflag:$0x3] =	stream.indirect_vreg.gather [hbm4b:s31+s3], $0x80, v3, vm0, $0xb8;
	[tilespmem:$0x1B000] =	vst v63  }
0x5c2: {  	s7 =	simm.s32 $0x11800  }
0x5c3: {  	[tilespmem:s7], [sflag:$0x3] =	stream.indirect_vreg.gather [hbm4b:s0+s3], $0x80, v3, vm0, $0xb8;
	[tilespmem:$0x1B000] =	vst v63  }
0x5c4: {  	v3 =	vld [tilespmem:$0x2F10];
	_ =	sdelay $0x4  }
0x5c5: {  	v61 =	vshrl.u32 v3, $0x3  }
0x5c6: {  	v4 =	vmul.u32 $0x30, v61  }
0x5c7: {  	v3 =	vand.u32 $0x7, v3  }
0x5c8: {  	v3 =	vor.u32 v3, v4  }
0x5c9: {  	v4 =	vperm.xlane v3, v0;
	_ =	sdelay $0x1  }
0x5ca: {  	v4 =	vadd.s32 v1, v4;
	_ =	sdelay $0x3  }
0x5cb: {  	s8 =	simm.s32 $0x12000;
	v3 =	vperm.xlane v3, v2  }
0x5cc: {  	[tilespmem:s8], [sflag:$0x3] =	stream.indirect_vreg.gather [hbm4b:s2+s3], $0x80, v4, vm0, $0xb8;
	[tilespmem:$0x1B000] =	vst v63  }
0x5cd: {  	s12 =	simm.s32 $0x12800;
	v3 =	vadd.s32 v1, v3  }
0x5ce: {  	[tilespmem:s12], [sflag:$0x3] =	stream.indirect_vreg.gather [hbm4b:s31+s3], $0x80, v4, vm0, $0xb8;
	[tilespmem:$0x1B000] =	vst v63  }
0x5cf: {  	s19 =	simm.s32 $0x13000  }
0x5d0: {  	[tilespmem:s19], [sflag:$0x3] =	stream.indirect_vreg.gather [hbm4b:s0+s3], $0x80, v4, vm0, $0xb8;
	[tilespmem:$0x1B000] =	vst v63  }
0x5d1: {  	s23 =	simm.s32 $0x13800  }
0x5d2: {  	[tilespmem:s23], [sflag:$0x3] =	stream.indirect_vreg.gather [hbm4b:s2+s3], $0x80, v3, vm0, $0xb8;
	[tilespmem:$0x1B000] =	vst v63  }
0x5d3: {  	s24 =	simm.s32 $0x14000  }
0x5d4: {  	[tilespmem:s24], [sflag:$0x3] =	stream.indirect_vreg.gather [hbm4b:s31+s3], $0x80, v3, vm0, $0xb8;
	[tilespmem:$0x1B000] =	vst v63  }
0x5d5: {  	s7 =	simm.s32 $0x14800  }
0x5d6: {  	[tilespmem:s7], [sflag:$0x3] =	stream.indirect_vreg.gather [hbm4b:s0+s3], $0x80, v3, vm0, $0xb8;
	[tilespmem:$0x1B000] =	vst v63  }
0x5d7: {  	_ =	swait.ge [sflag:s26], $0x6000  }
0x5d8: {  	[sflag:s26] =	ssyncset.done $0x0  }
0x5d9: {  	s8 =	rddreg [dreg:$0x18];
	[sflag:s26] =	ssyncadd.s32 $0xFFFFA000  }
0x5da: {  	[hbm4b:s8+s3] =	stream.linear.scatter [tilespmem:s29], [sflag:$0x5], $0x6000, $0x38;
	[tilespmem:$0x1B000] =	vst v63  }
0x5db: {  	_ =	swait.ge [sflag:s21], $0x6000  }
0x5dc: {  	[sflag:s21] =	ssyncset.done $0x0  }
0x5dd: {  	[sflag:s21] =	ssyncadd.s32 $0xFFFFA000  }
0x5de: {  	v3 =	vld [tilespmem:$0x2F80];
	_ =	sdelay $0x4  }
0x5df: {  	v62 =	vshrl.u32 v3, $0x3  }
0x5e0: {  	v4 =	vmul.u32 $0x30, v62  }
0x5e1: {  	v3 =	vand.u32 $0x7, v3  }
0x5e2: {  	v3 =	vor.u32 v3, v4  }
0x5e3: {  	v4 =	vperm.xlane v3, v0;
	_ =	sdelay $0x1  }
0x5e4: {  	v4 =	vadd.s32 v1, v4;
	_ =	sdelay $0x3  }
0x5e5: {  	v3 =	vperm.xlane v3, v2  }
0x5e6: {  	[tilespmem:s4], [sflag:$0x4] =	stream.indirect_vreg.gather [hbm4b:s2+s3], $0x80, v4, vm0, $0xb8;
	[tilespmem:$0x1B000] =	vst v63  }
0x5e7: {  	s15 =	simm.s32 $0x15800;
	v3 =	vadd.s32 v1, v3  }
0x5e8: {  	[tilespmem:s15], [sflag:$0x4] =	stream.indirect_vreg.gather [hbm4b:s31+s3], $0x80, v4, vm0, $0xb8;
	[tilespmem:$0x1B000] =	vst v63  }
0x5e9: {  	s12 =	simm.s32 $0x16000  }
0x5ea: {  	[tilespmem:s12], [sflag:$0x4] =	stream.indirect_vreg.gather [hbm4b:s0+s3], $0x80, v4, vm0, $0xb8;
	[tilespmem:$0x1B000] =	vst v63  }
0x5eb: {  	s15 =	simm.s32 $0x16800  }
0x5ec: {  	[tilespmem:s15], [sflag:$0x4] =	stream.indirect_vreg.gather [hbm4b:s2+s3], $0x80, v3, vm0, $0xb8;
	[tilespmem:$0x1B000] =	vst v63  }
0x5ed: {  	s25 =	simm.s32 $0x17000  }
0x5ee: {  	[tilespmem:s25], [sflag:$0x4] =	stream.indirect_vreg.gather [hbm4b:s31+s3], $0x80, v3, vm0, $0xb8;
	[tilespmem:$0x1B000] =	vst v63  }
0x5ef: {  	s10 =	simm.s32 $0x17800  }
0x5f0: {  	[tilespmem:s10], [sflag:$0x4] =	stream.indirect_vreg.gather [hbm4b:s0+s3], $0x80, v3, vm0, $0xb8;
	[tilespmem:$0x1B000] =	vst v63  }
0x5f1: {  	v3 =	vld [tilespmem:$0x2F90];
	_ =	sdelay $0x4  }
0x5f2: {  	v63 =	vshrl.u32 v3, $0x3  }
0x5f3: {  	v4 =	vmul.u32 $0x30, v63  }
0x5f4: {  	v3 =	vand.u32 $0x7, v3  }
0x5f5: {  	v3 =	vor.u32 v3, v4  }
0x5f6: {  	v4 =	vperm.xlane v3, v0;
	_ =	sdelay $0x1  }
0x5f7: {  	v4 =	vadd.s32 v1, v4;
	_ =	sdelay $0x3  }
0x5f8: {  	s19 =	simm.s32 $0x18000;
	v3 =	vperm.xlane v3, v2  }
0x5f9: {  	[tilespmem:s19], [sflag:$0x4] =	stream.indirect_vreg.gather [hbm4b:s2+s3], $0x80, v4, vm0, $0xb8;
	[tilespmem:$0x1B000] =	vst v63  }
0x5fa: {  	s28 =	simm.s32 $0x18800;
	v3 =	vadd.s32 v1, v3  }
0x5fb: {  	[tilespmem:s28], [sflag:$0x4] =	stream.indirect_vreg.gather [hbm4b:s31+s3], $0x80, v4, vm0, $0xb8;
	[tilespmem:$0x1B000] =	vst v63  }
0x5fc: {  	s22 =	simm.s32 $0x19000  }
0x5fd: {  	[tilespmem:s22], [sflag:$0x4] =	stream.indirect_vreg.gather [hbm4b:s0+s3], $0x80, v4, vm0, $0xb8;
	[tilespmem:$0x1B000] =	vst v63  }
0x5fe: {  	s11 =	simm.s32 $0x19800  }
0x5ff: {  	[tilespmem:s11], [sflag:$0x4] =	stream.indirect_vreg.gather [hbm4b:s2+s3], $0x80, v3, vm0, $0xb8;
	[tilespmem:$0x1B000] =	vst v63  }
0x600: {  	s13 =	simm.s32 $0x1A000  }
0x601: {  	[tilespmem:s13], [sflag:$0x4] =	stream.indirect_vreg.gather [hbm4b:s31+s3], $0x80, v3, vm0, $0xb8;
	[tilespmem:$0x1B000] =	vst v63  }
0x602: {  	s9 =	simm.s32 $0x1A800  }
0x603: {  	[tilespmem:s9], [sflag:$0x4] =	stream.indirect_vreg.gather [hbm4b:s0+s3], $0x80, v3, vm0, $0xb8;
	[tilespmem:$0x1B000] =	vst v63  }
0x604: {  	_ =	swait.ge [sflag:s14], $0x6000  }
0x605: {  	[sflag:s14] =	ssyncset.done $0x0  }
0x606: {  	s22 =	rddreg [dreg:$0x19];
	[sflag:s14] =	ssyncadd.s32 $0xFFFFA000  }
0x607: {  	[hbm4b:s22+s3] =	stream.linear.scatter [tilespmem:s6], [sflag:$0x6], $0x6000, $0x38;
	[tilespmem:$0x1B000] =	vst v63  }
0x608: {  	_ =	swait.ge [sflag:s16], $0x6000  }
0x609: {  	[sflag:s16] =	ssyncset.done $0x0  }
0x60a: {  	s23 =	rddreg [dreg:$0x1a];
	[sflag:s16] =	ssyncadd.s32 $0xFFFFA000  }
0x60b: {  	[hbm4b:s23+s3] =	stream.linear.scatter [tilespmem:s5], [sflag:$0x7], $0x6000, $0x38;
	[tilespmem:$0x1B000] =	vst v63  }
0x60c: {  	_ =	swait.ge [sflag:s18], $0x6000  }
0x60d: {  	[sflag:s18] =	ssyncset.done $0x0  }
0x60e: {  	s24 =	rddreg [dreg:$0x1b];
	[sflag:s18] =	ssyncadd.s32 $0xFFFFA000  }
0x60f: {  	[hbm4b:s24+s3] =	stream.linear.scatter [tilespmem:s4], [sflag:$0x8], $0x6000, $0x38;
	[tilespmem:$0x1B000] =	vst v63  }
0x610: {  	_ =	swait.ge [sflag:s30], $0x6000  }
0x611: {  	[sflag:s30] =	ssyncset.done $0x0  }
0x612: {  	[sflag:s30] =	ssyncadd.s32 $0xFFFFA000  }
0x613: {  	_ =	swait.ge [sflag:s17], $0x6000  }
0x614: {  	[sflag:s17] =	ssyncset.done $0x0  }
0x615: {  	[sflag:s17] =	ssyncadd.s32 $0xFFFFA000  }
0x616: {  	_ =	swait.ge [sflag:s20], $0x6000  }
0x617: {  	[sflag:s20] =	ssyncset.done $0x0  }
0x618: {  	[sflag:s20] =	ssyncadd.s32 $0xFFFFA000  }
0x619: {  	_ =	swait.ge [sflag:s21], $0x6000  }
0x61a: {  	s25 =	sld [smem:$0x7F5];
	_ =	sdelay $0x2  }
0x61b: {  	s28 =	rddreg [dreg:$0x1c];
	s4 =	sadd.s32 $0x1, s25  }
0x61c: {  	p1 =	sne.s32 s4, s28  }
.Ltmp4:
0x61d: {  	_ = 	snop;
	(pc) =	sbr.rel @p1 .LBB2_1-.Ltmp4, $3  }
0x61e: {  	_ =	sdelay $0x1  }
0x61f: {  	[sflag:s21] =	ssyncset.done $0x0  }
0x620: {  	[sflag:s21] =	ssyncadd.s32 $0xFFFFA000  }
0x621: {  	_ =	sfence.sel $0x180000  }
0x622: {  	[bflag:$0x0] =	sbarrier.arrive $0xFFFF  }
0x623: {  	_ =	strace $0x90000047  }
0x624: {  	s0 =	stileid.u32;
	[bflag:$0x2] =	sbarrier.arrive $0xFFFF  }
0x625: {  	p0 =	sne.s32 s0, $0x0;
	s0 =	rddreg [dreg:$0x3]  }
0x626: {  	s0 =	sadd.s32 @!p0 $0x100000, s0  }
0x627: {  	[sflag:s0] =	ssyncadd.tile.s32 @!p0 $0x1;
	_ =	shalt  }
.Lfunc_end2:
_tile_overlayer_lowered:
.L_overlay_start_2:
0x628: {  	(tag) =	ssettag $0x2  }
0x629: {  	s0 =	rddreg [dreg:$0x0];
	s2 =	stileid.u32  }
0x62a: {  	s1 =	rddreg [dreg:$0x1];
	p0 =	sne.s32 s2, $0x0  }
0x62b: {  	s3 =	rddreg [dreg:$0x2];
	[bflag:$0x3] =	sbarrier.arrive $0xFFFF;
	s2 =	simm.s32 @!p0 $0x1C09  }
0x62c: {  	[timem:s3], [sflag:s2] =	dma.local @!p0 [hbm:s0], s1  }
0x62d: {  	s0 =	simm.s32 @!p0 $0x9  }
0x62e: {  	_ =	swait.ge @!p0 [sflag:s0], s1  }
0x62f: {  	s1 =	ssub.s32 @!p0 $0x0, s1;
	[sflag:s0] =	ssyncset.done @!p0 $0x0  }
0x630: {  	[sflag:s0] =	ssyncadd.s32 @!p0 s1  }
0x631: {  	[bflag:$0x3] =	sbarrier.arrive $0xFFFF  }
0x632: {  	_ =	shalt  }

</sc_bundles>
